<compile_context>
chip_gen: v7x
topology: tpu7x:2x2x1
jax: 0.10.2.dev20260603
libtpu: 0.0.44.dev20260713+nightly
codegen_flags: <defaults>
</compile_context>

<pallas_src>
import functools

import jax
import jax.numpy as jnp
from jax import lax
from jax.experimental import pallas as pl
from jax.experimental.pallas import tpu as pltpu
from jax.experimental.pallas import tpu_sc as plsc

N = 65536
PTS = 128
NW = 32
RPW = N // NW
CHUNK = 16
NCHUNK = RPW // CHUNK
GROUPS = CHUNK // 16

W1 = 8.0 / 14.0
W2 = 4.0 / 14.0
W3 = 2.0 / 14.0
BIG = 3.0e38


def _sc_stats_kernel(ps_hbm, out_hbm, xb0, yb0, zb0, xb1, yb1, zb1, obuf,
                     sem0, sem1):
    wid = lax.axis_index("s") * 2 + lax.axis_index("c")
    lane = lax.iota(jnp.int32, 16)
    big = jnp.full((16,), BIG, jnp.float32)
    zero = jnp.zeros((16,), jnp.float32)
    col0 = jnp.zeros((16,), jnp.int32)
    skew = lane * 17

    sets = ((xb0, yb0, zb0, sem0), (xb1, yb1, zb1, sem1))

    def issue(ci, s):
        xbuf, ybuf, zbuf, sem = s
        row0 = ci * CHUNK
        pltpu.async_copy(ps_hbm.at[pl.ds((wid * 3 + 0) * RPW + row0, CHUNK),
                                   :], xbuf, sem)
        pltpu.async_copy(ps_hbm.at[pl.ds((wid * 3 + 1) * RPW + row0, CHUNK),
                                   :], ybuf, sem)
        pltpu.async_copy(ps_hbm.at[pl.ds((wid * 3 + 2) * RPW + row0, CHUNK),
                                   :], zbuf, sem)

    def drain(s):
        xbuf, ybuf, zbuf, sem = s
        dummy = ps_hbm.at[pl.ds(0, CHUNK), :]
        pltpu.make_async_copy(dummy, xbuf, sem).wait()
        pltpu.make_async_copy(dummy, ybuf, sem).wait()
        pltpu.make_async_copy(dummy, zbuf, sem).wait()

    def compute(ci, s):
        xbuf, ybuf, zbuf, _ = s
        for g in range(GROUPS):
            rows = lane + g * 16

            def merge3_max(a1, a2, a3, hi, lo):
                a1n = jnp.maximum(a1, hi); c1 = jnp.minimum(a1, hi)
                s2 = jnp.maximum(a2, lo); a2n = jnp.maximum(c1, s2)
                s2b = jnp.minimum(a2, lo); t = jnp.minimum(c1, s2)
                a3n = jnp.maximum(t, jnp.maximum(s2b, a3))
                return a1n, a2n, a3n

            def merge3_min(b1, b2, b3, hi, lo):
                b1n = jnp.minimum(b1, lo); c1 = jnp.maximum(b1, lo)
                s2 = jnp.minimum(b2, hi); b2n = jnp.minimum(c1, s2)
                s2b = jnp.maximum(b2, hi); t = jnp.maximum(c1, s2)
                b3n = jnp.minimum(t, jnp.minimum(s2b, b3))
                return b1n, b2n, b3n

            def p_sum(q, c):
                sx, sy, sz, az1, az2, az3, nz1, nz2, nz3 = c
                ca = (skew + 2 * q) & 127
                cb = (skew + 2 * q + 1) & 127
                xa = plsc.load_gather(xbuf, [rows, ca])
                ya = plsc.load_gather(ybuf, [rows, ca])
                za = plsc.load_gather(zbuf, [rows, ca])
                xb = plsc.load_gather(xbuf, [rows, cb])
                yb = plsc.load_gather(ybuf, [rows, cb])
                zb = plsc.load_gather(zbuf, [rows, cb])
                hi = jnp.maximum(za, zb); lo = jnp.minimum(za, zb)
                az1, az2, az3 = merge3_max(az1, az2, az3, hi, lo)
                nz1, nz2, nz3 = merge3_min(nz1, nz2, nz3, hi, lo)
                return (sx + (xa + xb), sy + (ya + yb), sz + (za + zb),
                        az1, az2, az3, nz1, nz2, nz3)

            (sx, sy, sz, az1, az2, az3, nz1, nz2, nz3) = lax.fori_loop(
                0, PTS // 2, p_sum,
                (zero, zero, zero, -big, -big, -big, big, big, big),
                unroll=4)
            inv = 1.0 / PTS
            cx = sx * inv
            cy = sy * inv
            cz = sz * inv
            x0 = plsc.load_gather(xbuf, [rows, col0])
            y0 = plsc.load_gather(ybuf, [rows, col0])
            dx = x0 - cx
            dy = y0 - cy

            def p_topk(q, c):
                (ax1, ax2, ax3, nx1, nx2, nx3,
                 ay1, ay2, ay3, ny1, ny2, ny3) = c
                ca = (skew + 2 * q) & 127
                cb = (skew + 2 * q + 1) & 127
                xa = plsc.load_gather(xbuf, [rows, ca])
                ya = plsc.load_gather(ybuf, [rows, ca])
                xb = plsc.load_gather(xbuf, [rows, cb])
                yb = plsc.load_gather(ybuf, [rows, cb])
                pxa = xa * dx + ya * dy
                pya = xa * dy - ya * dx
                pxb = xb * dx + yb * dy
                pyb = xb * dy - yb * dx
                hi = jnp.maximum(pxa, pxb); lo = jnp.minimum(pxa, pxb)
                ax1, ax2, ax3 = merge3_max(ax1, ax2, ax3, hi, lo)
                nx1, nx2, nx3 = merge3_min(nx1, nx2, nx3, hi, lo)
                hi = jnp.maximum(pya, pyb); lo = jnp.minimum(pya, pyb)
                ay1, ay2, ay3 = merge3_max(ay1, ay2, ay3, hi, lo)
                ny1, ny2, ny3 = merge3_min(ny1, ny2, ny3, hi, lo)
                return (ax1, ax2, ax3, nx1, nx2, nx3,
                        ay1, ay2, ay3, ny1, ny2, ny3)

            init = (-big, -big, -big, big, big, big,
                    -big, -big, -big, big, big, big)
            (ax1, ax2, ax3, nx1, nx2, nx3,
             ay1, ay2, ay3, ny1, ny2, ny3) = lax.fori_loop(
                 0, PTS // 2, p_topk, init, unroll=4)

            ex = W1 * (ax1 - nx1) + W2 * (ax2 - nx2) + W3 * (ax3 - nx3)
            ey = W1 * (ay1 - ny1) + W2 * (ay2 - ny2) + W3 * (ay3 - ny3)
            ez = W1 * (az1 - nz1) + W2 * (az2 - nz2) + W3 * (az3 - nz3)

            off = ci * CHUNK + g * 16
            obuf[pl.ds(0 * RPW + off, 16)] = cx
            obuf[pl.ds(1 * RPW + off, 16)] = cy
            obuf[pl.ds(2 * RPW + off, 16)] = cz
            obuf[pl.ds(3 * RPW + off, 16)] = dx
            obuf[pl.ds(4 * RPW + off, 16)] = dy
            obuf[pl.ds(5 * RPW + off, 16)] = ex
            obuf[pl.ds(6 * RPW + off, 16)] = ey
            obuf[pl.ds(7 * RPW + off, 16)] = ez

    issue(0, sets[0])

    def pair_body(pi, carry):
        ci0 = pi * 2
        issue(ci0 + 1, sets[1])
        drain(sets[0])
        compute(ci0, sets[0])

        @pl.when(pi < NCHUNK // 2 - 1)
        def _():
            issue(ci0 + 2, sets[0])

        drain(sets[1])
        compute(ci0 + 1, sets[1])
        return carry

    lax.fori_loop(0, NCHUNK // 2, pair_body, 0)
    pltpu.sync_copy(obuf, out_hbm.at[pl.ds(wid * 8 * RPW, 8 * RPW)])


_sc_stats = functools.partial(
    pl.kernel,
    mesh=plsc.VectorSubcoreMesh(core_axis_name="c", subcore_axis_name="s"),
    out_type=jax.ShapeDtypeStruct((NW * 8 * RPW,), jnp.float32),
    scratch_types=[
        pltpu.VMEM((CHUNK, PTS), jnp.float32),
        pltpu.VMEM((CHUNK, PTS), jnp.float32),
        pltpu.VMEM((CHUNK, PTS), jnp.float32),
        pltpu.VMEM((CHUNK, PTS), jnp.float32),
        pltpu.VMEM((CHUNK, PTS), jnp.float32),
        pltpu.VMEM((CHUNK, PTS), jnp.float32),
        pltpu.VMEM((8 * RPW,), jnp.float32),
        pltpu.SemaphoreType.DMA,
        pltpu.SemaphoreType.DMA,
    ],
    compiler_params=pltpu.CompilerParams(needs_layout_passes=False),
)(_sc_stats_kernel)


def _tc_post_kernel(in_ref, out_ref):
    v = in_ref[0]
    cx, cy, cz = v[0], v[1], v[2]
    dx, dy = v[3], v[4]
    ex, ey, ez = v[5], v[6], v[7]
    n = jnp.sqrt(dx * dx + dy * dy)
    nc = jnp.maximum(n, jnp.float32(1e-12))
    inv = jnp.float32(1.0) / nc
    sin = dy * inv
    cos = dx * inv
    logn = jnp.log(nc)
    length = jnp.log(ex) - logn
    width = jnp.log(ey) - logn
    height = jnp.log(ez)
    out_ref[...] = jnp.stack(
        [cx, cy, length, width, cz, height, sin, cos], axis=0)[None]


def kernel(point_set):
    planes = jnp.transpose(point_set, (0, 1, 4, 2, 3)).reshape(NW * 3 * RPW,
                                                               PTS)
    stats = _sc_stats(planes)
    stats = stats.reshape(NW, 8, RPW)
    post = pl.pallas_call(
        _tc_post_kernel,
        grid=(NW,),
        in_specs=[pl.BlockSpec((1, 8, RPW), lambda i: (i, 0, 0))],
        out_specs=pl.BlockSpec((1, 8, RPW), lambda i: (i, 0, 0)),
        out_shape=jax.ShapeDtypeStruct((NW, 8, RPW), jnp.float32),
    )(stats)
    return post.reshape(4, 8, 8, RPW).transpose(0, 1, 3, 2)

# --- scband reference (transcript-rebuilt; emitter-appended) ---
"""Pipeline reference for scband-direction-vector-bbox-interpreter-topk-ctv-88819923681409 (READ-ONLY COPY).

The authoritative reference and input builder live on the scoring server;
editing this copy changes nothing except your own understanding.
"""

import jax, jax.numpy as jnp
import numpy as np

K = 3

def _weights():
    w = jnp.power(2.0, jnp.arange(K, 0, -1, dtype=jnp.float32))
    return w / jnp.sum(w)

def _forward(point_set):
    w = _weights()
    center = jnp.mean(point_set, axis=-2)
    cx, cy, cz = center[..., 0], center[..., 1], center[..., 2]
    direction_vector = point_set[:, :, :, 0, :2] - center[..., :2]
    zeros = jnp.zeros_like(direction_vector[..., :1])
    direction_vector = jnp.concatenate([direction_vector, zeros], axis=-1)
    nrm = jnp.linalg.norm(direction_vector, ord=2, axis=-1, keepdims=True)
    unit = direction_vector / jnp.clip(nrm, 1e-12, None)
    rot_sine = unit[..., 1]
    rot_cosine = unit[..., 0]
    perp = jnp.stack([unit[..., 1], -unit[..., 0], unit[..., 2]], axis=-1)
    proj_x = jnp.sum(point_set * unit[..., None, :], axis=-1)
    proj_y = jnp.sum(point_set * perp[..., None, :], axis=-1)
    to_convert = [proj_x, proj_y, point_set[..., 2]]
    converted = []
    for t in to_convert:
        topk_max, _ = jax.lax.top_k(t, K)
        topk_min, _ = jax.lax.top_k(-t, K)
        topk_dims = topk_max + topk_min
        converted.append(jnp.sum(topk_dims * w, axis=-1))
    length, width, height = converted
    length = jnp.log(length)
    width = jnp.log(width)
    height = jnp.log(height)
    bbox = jnp.stack([cx, cy, length, width, cz, height, rot_sine, rot_cosine], axis=-1)
    return bbox

def setup_inputs(seed: int = 0) -> dict:
    key = jax.random.key(seed)
    point_set = jax.random.normal(key, (4, 8, 2048, 128, 3), dtype=jnp.float32)
    return {"point_set": point_set}

def reference(point_set):
    return _forward(point_set)

if __name__ == "__main__":
    import jax
    _d = setup_inputs()
    print(jax.jit(kernel)(*tuple(_d.values())))

</pallas_src>

<mosaic_0001>
#map = affine_map<(d0, d1) -> (0, 0)>
#map1 = affine_map<(d0, d1) -> (0)>
module attributes {stable_mosaic.version = 14 : i64} {
  func.func @_sc_stats_kernel(%arg0: i32, %arg1: i32, %arg2: memref<196608x128xf32, #tpu.memory_space<hbm>>, %arg3: memref<524288xf32, #tpu.memory_space<hbm>>, %arg4: memref<16x128xf32, #tpu.memory_space<vmem>>, %arg5: memref<16x128xf32, #tpu.memory_space<vmem>>, %arg6: memref<16x128xf32, #tpu.memory_space<vmem>>, %arg7: memref<16x128xf32, #tpu.memory_space<vmem>>, %arg8: memref<16x128xf32, #tpu.memory_space<vmem>>, %arg9: memref<16x128xf32, #tpu.memory_space<vmem>>, %arg10: memref<16384xf32, #tpu.memory_space<vmem>>, %arg11: memref<!tpu.dma_semaphore, #tpu.memory_space<semaphore_mem>>, %arg12: memref<!tpu.dma_semaphore, #tpu.memory_space<semaphore_mem>>) attributes {dimension_semantics = [#tpu.dimension_semantics<core_parallel>, #tpu.dimension_semantics<subcore_parallel>], iteration_bounds = array<i64: 2, 16>, scalar_prefetch = 0 : i64, scratch_operands = 9 : i64, tpu.core_type = #tpu.core_type<sc_vector_subcore>, window_params = [{transform_indices = #map}, {transform_indices = #map1}]} {
    %mul3A = arith.constant 2 : i32
    %mul3A_0 = arith.muli %arg1, %mul3A : i32
    %add3A = arith.addi %mul3A_0, %arg0 : i32
    %iota3A = tpu.iota {dimensions = array<i32: 0>} : vector<16xi32>
    %broadcast_in_dim3A = arith.constant 3.000000e+38 : f32
    %broadcast_in_dim3A_1 = vector.broadcast %broadcast_in_dim3A : f32 to vector<16xf32>
    %broadcast_in_dim3A_2 = arith.constant 0.000000e+00 : f32
    %broadcast_in_dim3A_3 = vector.broadcast %broadcast_in_dim3A_2 : f32 to vector<16xf32>
    %broadcast_in_dim3A_4 = arith.constant 0 : i32
    %broadcast_in_dim3A_5 = vector.broadcast %broadcast_in_dim3A_4 : i32 to vector<16xi32>
    %mul3A_6 = arith.constant 17 : i32
    %mul3A_7 = vector.broadcast %mul3A_6 : i32 to vector<16xi32>
    %mul3A_8 = arith.muli %iota3A, %mul3A_7 : vector<16xi32>
    %mul3A_9 = arith.constant 3 : i32
    %mul3A_10 = arith.muli %add3A, %mul3A_9 : i32
    %add3A_11 = arith.constant 0 : i32
    %add3A_12 = arith.addi %mul3A_10, %add3A_11 : i32
    %mul3A_13 = arith.constant 2048 : i32
    %mul3A_14 = arith.muli %add3A_12, %mul3A_13 : i32
    %add3A_15 = arith.constant 0 : i32
    %add3A_16 = arith.addi %mul3A_14, %add3A_15 : i32
    %dma_start3A = arith.constant 0 : i32
    %dma_start3A_17 = tpu.memref_slice %arg2[%add3A_16, %dma_start3A] : memref<196608x128xf32, #tpu.memory_space<hbm>> -> memref<16x128xf32, #tpu.memory_space<hbm>>
    %dma_start3A_18 = arith.constant 0 : i32
    %dma_start3A_19 = tpu.memref_slice %arg2[%add3A_16, %dma_start3A_18] : memref<196608x128xf32, #tpu.memory_space<hbm>> -> memref<16x128xf32, #tpu.memory_space<hbm>>
    tpu.enqueue_dma source(%dma_start3A_19 : memref<16x128xf32, #tpu.memory_space<hbm>>) target(%arg4 : memref<16x128xf32, #tpu.memory_space<vmem>>) target_semaphore(%arg11 : memref<!tpu.dma_semaphore, #tpu.memory_space<semaphore_mem>>)
    %mul3A_20 = arith.constant 3 : i32
    %mul3A_21 = arith.muli %add3A, %mul3A_20 : i32
    %add3A_22 = arith.constant 1 : i32
    %add3A_23 = arith.addi %mul3A_21, %add3A_22 : i32
    %mul3A_24 = arith.constant 2048 : i32
    %mul3A_25 = arith.muli %add3A_23, %mul3A_24 : i32
    %add3A_26 = arith.constant 0 : i32
    %add3A_27 = arith.addi %mul3A_25, %add3A_26 : i32
    %dma_start3A_28 = arith.constant 0 : i32
    %dma_start3A_29 = tpu.memref_slice %arg2[%add3A_27, %dma_start3A_28] : memref<196608x128xf32, #tpu.memory_space<hbm>> -> memref<16x128xf32, #tpu.memory_space<hbm>>
    %dma_start3A_30 = arith.constant 0 : i32
    %dma_start3A_31 = tpu.memref_slice %arg2[%add3A_27, %dma_start3A_30] : memref<196608x128xf32, #tpu.memory_space<hbm>> -> memref<16x128xf32, #tpu.memory_space<hbm>>
    tpu.enqueue_dma source(%dma_start3A_31 : memref<16x128xf32, #tpu.memory_space<hbm>>) target(%arg5 : memref<16x128xf32, #tpu.memory_space<vmem>>) target_semaphore(%arg11 : memref<!tpu.dma_semaphore, #tpu.memory_space<semaphore_mem>>)
    %mul3A_32 = arith.constant 3 : i32
    %mul3A_33 = arith.muli %add3A, %mul3A_32 : i32
    %add3A_34 = arith.constant 2 : i32
    %add3A_35 = arith.addi %mul3A_33, %add3A_34 : i32
    %mul3A_36 = arith.constant 2048 : i32
    %mul3A_37 = arith.muli %add3A_35, %mul3A_36 : i32
    %add3A_38 = arith.constant 0 : i32
    %add3A_39 = arith.addi %mul3A_37, %add3A_38 : i32
    %dma_start3A_40 = arith.constant 0 : i32
    %dma_start3A_41 = tpu.memref_slice %arg2[%add3A_39, %dma_start3A_40] : memref<196608x128xf32, #tpu.memory_space<hbm>> -> memref<16x128xf32, #tpu.memory_space<hbm>>
    %dma_start3A_42 = arith.constant 0 : i32
    %dma_start3A_43 = tpu.memref_slice %arg2[%add3A_39, %dma_start3A_42] : memref<196608x128xf32, #tpu.memory_space<hbm>> -> memref<16x128xf32, #tpu.memory_space<hbm>>
    tpu.enqueue_dma source(%dma_start3A_43 : memref<16x128xf32, #tpu.memory_space<hbm>>) target(%arg6 : memref<16x128xf32, #tpu.memory_space<vmem>>) target_semaphore(%arg11 : memref<!tpu.dma_semaphore, #tpu.memory_space<semaphore_mem>>)
    %scan3A = arith.constant 0 : i32
    %scan3A_44 = arith.constant 0 : i32
    %scan3A_45 = arith.constant 64 : i32
    %scan3A_46 = arith.addi %scan3A_44, %scan3A_45 : i32
    %scan3A_47 = arith.constant 1 : i32
    scf.for %scan3A_53 = %scan3A_44 to %scan3A_46 step %scan3A_47  : i32 {
      %mul3A_54 = arith.constant 2 : i32
      %mul3A_55 = arith.muli %scan3A_53, %mul3A_54 : i32
      %add3A_56 = arith.constant 1 : i32
      %add3A_57 = arith.addi %mul3A_55, %add3A_56 : i32
      %mul3A_58 = arith.constant 16 : i32
      %mul3A_59 = arith.muli %add3A_57, %mul3A_58 : i32
      %mul3A_60 = arith.constant 3 : i32
      %mul3A_61 = arith.muli %add3A, %mul3A_60 : i32
      %add3A_62 = arith.constant 0 : i32
      %add3A_63 = arith.addi %mul3A_61, %add3A_62 : i32
      %mul3A_64 = arith.constant 2048 : i32
      %mul3A_65 = arith.muli %add3A_63, %mul3A_64 : i32
      %add3A_66 = arith.addi %mul3A_65, %mul3A_59 : i32
      %dma_start3A_67 = arith.constant 0 : i32
      %dma_start3A_68 = tpu.memref_slice %arg2[%add3A_66, %dma_start3A_67] : memref<196608x128xf32, #tpu.memory_space<hbm>> -> memref<16x128xf32, #tpu.memory_space<hbm>>
      %dma_start3A_69 = arith.constant 0 : i32
      %dma_start3A_70 = tpu.memref_slice %arg2[%add3A_66, %dma_start3A_69] : memref<196608x128xf32, #tpu.memory_space<hbm>> -> memref<16x128xf32, #tpu.memory_space<hbm>>
      tpu.enqueue_dma source(%dma_start3A_70 : memref<16x128xf32, #tpu.memory_space<hbm>>) target(%arg7 : memref<16x128xf32, #tpu.memory_space<vmem>>) target_semaphore(%arg12 : memref<!tpu.dma_semaphore, #tpu.memory_space<semaphore_mem>>)
      %mul3A_71 = arith.constant 3 : i32
      %mul3A_72 = arith.muli %add3A, %mul3A_71 : i32
      %add3A_73 = arith.constant 1 : i32
      %add3A_74 = arith.addi %mul3A_72, %add3A_73 : i32
      %mul3A_75 = arith.constant 2048 : i32
      %mul3A_76 = arith.muli %add3A_74, %mul3A_75 : i32
      %add3A_77 = arith.addi %mul3A_76, %mul3A_59 : i32
      %dma_start3A_78 = arith.constant 0 : i32
      %dma_start3A_79 = tpu.memref_slice %arg2[%add3A_77, %dma_start3A_78] : memref<196608x128xf32, #tpu.memory_space<hbm>> -> memref<16x128xf32, #tpu.memory_space<hbm>>
      %dma_start3A_80 = arith.constant 0 : i32
      %dma_start3A_81 = tpu.memref_slice %arg2[%add3A_77, %dma_start3A_80] : memref<196608x128xf32, #tpu.memory_space<hbm>> -> memref<16x128xf32, #tpu.memory_space<hbm>>
      tpu.enqueue_dma source(%dma_start3A_81 : memref<16x128xf32, #tpu.memory_space<hbm>>) target(%arg8 : memref<16x128xf32, #tpu.memory_space<vmem>>) target_semaphore(%arg12 : memref<!tpu.dma_semaphore, #tpu.memory_space<semaphore_mem>>)
      %mul3A_82 = arith.constant 3 : i32
      %mul3A_83 = arith.muli %add3A, %mul3A_82 : i32
      %add3A_84 = arith.constant 2 : i32
      %add3A_85 = arith.addi %mul3A_83, %add3A_84 : i32
      %mul3A_86 = arith.constant 2048 : i32
      %mul3A_87 = arith.muli %add3A_85, %mul3A_86 : i32
      %add3A_88 = arith.addi %mul3A_87, %mul3A_59 : i32
      %dma_start3A_89 = arith.constant 0 : i32
      %dma_start3A_90 = tpu.memref_slice %arg2[%add3A_88, %dma_start3A_89] : memref<196608x128xf32, #tpu.memory_space<hbm>> -> memref<16x128xf32, #tpu.memory_space<hbm>>
      %dma_start3A_91 = arith.constant 0 : i32
      %dma_start3A_92 = tpu.memref_slice %arg2[%add3A_88, %dma_start3A_91] : memref<196608x128xf32, #tpu.memory_space<hbm>> -> memref<16x128xf32, #tpu.memory_space<hbm>>
      tpu.enqueue_dma source(%dma_start3A_92 : memref<16x128xf32, #tpu.memory_space<hbm>>) target(%arg9 : memref<16x128xf32, #tpu.memory_space<vmem>>) target_semaphore(%arg12 : memref<!tpu.dma_semaphore, #tpu.memory_space<semaphore_mem>>)
      %dma_wait3A = arith.constant 0 : i32
      %dma_wait3A_93 = arith.constant 0 : i32
      %dma_wait3A_94 = tpu.memref_slice %arg2[%dma_wait3A, %dma_wait3A_93] : memref<196608x128xf32, #tpu.memory_space<hbm>> -> memref<16x128xf32, #tpu.memory_space<hbm>>
      %dma_wait3A_95 = arith.constant 0 : i32
      %dma_wait3A_96 = arith.constant 0 : i32
      %dma_wait3A_97 = tpu.memref_slice %arg2[%dma_wait3A_95, %dma_wait3A_96] : memref<196608x128xf32, #tpu.memory_space<hbm>> -> memref<16x128xf32, #tpu.memory_space<hbm>>
      tpu.wait_dma2 semaphore(%arg11 : memref<!tpu.dma_semaphore, #tpu.memory_space<semaphore_mem>>) src(%dma_wait3A_97 : memref<16x128xf32, #tpu.memory_space<hbm>>) dst(%arg4 : memref<16x128xf32, #tpu.memory_space<vmem>>)
      %dma_wait3A_98 = arith.constant 0 : i32
      %dma_wait3A_99 = arith.constant 0 : i32
      %dma_wait3A_100 = tpu.memref_slice %arg2[%dma_wait3A_98, %dma_wait3A_99] : memref<196608x128xf32, #tpu.memory_space<hbm>> -> memref<16x128xf32, #tpu.memory_space<hbm>>
      %dma_wait3A_101 = arith.constant 0 : i32
      %dma_wait3A_102 = arith.constant 0 : i32
      %dma_wait3A_103 = tpu.memref_slice %arg2[%dma_wait3A_101, %dma_wait3A_102] : memref<196608x128xf32, #tpu.memory_space<hbm>> -> memref<16x128xf32, #tpu.memory_space<hbm>>
      tpu.wait_dma2 semaphore(%arg11 : memref<!tpu.dma_semaphore, #tpu.memory_space<semaphore_mem>>) src(%dma_wait3A_103 : memref<16x128xf32, #tpu.memory_space<hbm>>) dst(%arg5 : memref<16x128xf32, #tpu.memory_space<vmem>>)
      %dma_wait3A_104 = arith.constant 0 : i32
      %dma_wait3A_105 = arith.constant 0 : i32
      %dma_wait3A_106 = tpu.memref_slice %arg2[%dma_wait3A_104, %dma_wait3A_105] : memref<196608x128xf32, #tpu.memory_space<hbm>> -> memref<16x128xf32, #tpu.memory_space<hbm>>
      %dma_wait3A_107 = arith.constant 0 : i32
      %dma_wait3A_108 = arith.constant 0 : i32
      %dma_wait3A_109 = tpu.memref_slice %arg2[%dma_wait3A_107, %dma_wait3A_108] : memref<196608x128xf32, #tpu.memory_space<hbm>> -> memref<16x128xf32, #tpu.memory_space<hbm>>
      tpu.wait_dma2 semaphore(%arg11 : memref<!tpu.dma_semaphore, #tpu.memory_space<semaphore_mem>>) src(%dma_wait3A_109 : memref<16x128xf32, #tpu.memory_space<hbm>>) dst(%arg6 : memref<16x128xf32, #tpu.memory_space<vmem>>)
      %add3A_110 = arith.constant 0 : i32
      %add3A_111 = vector.broadcast %add3A_110 : i32 to vector<16xi32>
      %add3A_112 = arith.addi %iota3A, %add3A_111 : vector<16xi32>
      %neg3A = arith.constant 0.000000e+00 : f32
      %neg3A_113 = vector.broadcast %neg3A : f32 to vector<16xf32>
      %neg3A_114 = arith.subf %neg3A_113, %broadcast_in_dim3A_1 : vector<16xf32>
      %neg3A_115 = arith.constant 0.000000e+00 : f32
      %neg3A_116 = vector.broadcast %neg3A_115 : f32 to vector<16xf32>
      %neg3A_117 = arith.subf %neg3A_116, %broadcast_in_dim3A_1 : vector<16xf32>
      %neg3A_118 = arith.constant 0.000000e+00 : f32
      %neg3A_119 = vector.broadcast %neg3A_118 : f32 to vector<16xf32>
      %neg3A_120 = arith.subf %neg3A_119, %broadcast_in_dim3A_1 : vector<16xf32>
      %scan3A_121 = arith.constant 0 : i32
      %scan3A_122 = arith.constant 64 : i32
      %scan3A_123 = arith.addi %scan3A_121, %scan3A_122 : i32
      %scan3A_124 = arith.constant 4 : i32
      %scan3A_125:9 = scf.for %scan3A_394 = %scan3A_121 to %scan3A_123 step %scan3A_124 iter_args(%scan3A_395 = %broadcast_in_dim3A_3, %scan3A_396 = %broadcast_in_dim3A_3, %scan3A_397 = %broadcast_in_dim3A_3, %scan3A_398 = %neg3A_114, %scan3A_399 = %neg3A_117, %scan3A_400 = %neg3A_120, %scan3A_401 = %broadcast_in_dim3A_1, %scan3A_402 = %broadcast_in_dim3A_1, %scan3A_403 = %broadcast_in_dim3A_1) -> (vector<16xf32>, vector<16xf32>, vector<16xf32>, vector<16xf32>, vector<16xf32>, vector<16xf32>, vector<16xf32>, vector<16xf32>, vector<16xf32>)  : i32 {
        %mul3A_404 = arith.constant 2 : i32
        %mul3A_405 = arith.muli %mul3A_404, %scan3A_394 : i32
        %add3A_406 = vector.broadcast %mul3A_405 : i32 to vector<16xi32>
        %add3A_407 = arith.addi %mul3A_8, %add3A_406 : vector<16xi32>
        %and3A = arith.constant 127 : i32
        %and3A_408 = vector.broadcast %and3A : i32 to vector<16xi32>
        %and3A_409 = arith.andi %add3A_407, %and3A_408 : vector<16xi32>
        %mul3A_410 = arith.constant 2 : i32
        %mul3A_411 = arith.muli %mul3A_410, %scan3A_394 : i32
        %add3A_412 = vector.broadcast %mul3A_411 : i32 to vector<16xi32>
        %add3A_413 = arith.addi %mul3A_8, %add3A_412 : vector<16xi32>
        %add3A_414 = arith.constant 1 : i32
        %add3A_415 = vector.broadcast %add3A_414 : i32 to vector<16xi32>
        %add3A_416 = arith.addi %add3A_413, %add3A_415 : vector<16xi32>
        %and3A_417 = arith.constant 127 : i32
        %and3A_418 = vector.broadcast %and3A_417 : i32 to vector<16xi32>
        %and3A_419 = arith.andi %add3A_416, %and3A_418 : vector<16xi32>
        %gather3A_420 = tpu.vector_load_idx %arg4[%add3A_112, %and3A_409] : memref<16x128xf32, #tpu.memory_space<vmem>>[vector<16xi32>, vector<16xi32>], vector<16xf32>,
        %gather3A_421 = tpu.vector_load_idx %arg5[%add3A_112, %and3A_409] : memref<16x128xf32, #tpu.memory_space<vmem>>[vector<16xi32>, vector<16xi32>], vector<16xf32>,
        %gather3A_422 = tpu.vector_load_idx %arg6[%add3A_112, %and3A_409] : memref<16x128xf32, #tpu.memory_space<vmem>>[vector<16xi32>, vector<16xi32>], vector<16xf32>,
        %gather3A_423 = tpu.vector_load_idx %arg4[%add3A_112, %and3A_419] : memref<16x128xf32, #tpu.memory_space<vmem>>[vector<16xi32>, vector<16xi32>], vector<16xf32>,
        %gather3A_424 = tpu.vector_load_idx %arg5[%add3A_112, %and3A_419] : memref<16x128xf32, #tpu.memory_space<vmem>>[vector<16xi32>, vector<16xi32>], vector<16xf32>,
        %gather3A_425 = tpu.vector_load_idx %arg6[%add3A_112, %and3A_419] : memref<16x128xf32, #tpu.memory_space<vmem>>[vector<16xi32>, vector<16xi32>], vector<16xf32>,
        %max3A = arith.maximumf %gather3A_422, %gather3A_425 : vector<16xf32>
        %min3A = arith.minimumf %gather3A_422, %gather3A_425 : vector<16xf32>
        %max3A_426 = arith.maximumf %scan3A_398, %max3A : vector<16xf32>
        %min3A_427 = arith.minimumf %scan3A_398, %max3A : vector<16xf32>
        %max3A_428 = arith.maximumf %scan3A_399, %min3A : vector<16xf32>
        %max3A_429 = arith.maximumf %min3A_427, %max3A_428 : vector<16xf32>
        %min3A_430 = arith.minimumf %scan3A_399, %min3A : vector<16xf32>
        %min3A_431 = arith.minimumf %min3A_427, %max3A_428 : vector<16xf32>
        %max3A_432 = arith.maximumf %min3A_430, %scan3A_400 : vector<16xf32>
        %max3A_433 = arith.maximumf %min3A_431, %max3A_432 : vector<16xf32>
        %min3A_434 = arith.minimumf %scan3A_401, %min3A : vector<16xf32>
        %max3A_435 = arith.maximumf %scan3A_401, %min3A : vector<16xf32>
        %min3A_436 = arith.minimumf %scan3A_402, %max3A : vector<16xf32>
        %min3A_437 = arith.minimumf %max3A_435, %min3A_436 : vector<16xf32>
        %max3A_438 = arith.maximumf %scan3A_402, %max3A : vector<16xf32>
        %max3A_439 = arith.maximumf %max3A_435, %min3A_436 : vector<16xf32>
        %min3A_440 = arith.minimumf %max3A_438, %scan3A_403 : vector<16xf32>
        %min3A_441 = arith.minimumf %max3A_439, %min3A_440 : vector<16xf32>
        %add3A_442 = arith.addf %gather3A_420, %gather3A_423 : vector<16xf32>
        %add3A_443 = arith.addf %scan3A_395, %add3A_442 : vector<16xf32>
        %add3A_444 = arith.addf %gather3A_421, %gather3A_424 : vector<16xf32>
        %add3A_445 = arith.addf %scan3A_396, %add3A_444 : vector<16xf32>
        %add3A_446 = arith.addf %gather3A_422, %gather3A_425 : vector<16xf32>
        %add3A_447 = arith.addf %scan3A_397, %add3A_446 : vector<16xf32>
        %scan3A_448 = arith.constant 1 : i32
        %scan3A_449 = arith.addi %scan3A_394, %scan3A_448 : i32
        %mul3A_450 = arith.constant 2 : i32
        %mul3A_451 = arith.muli %mul3A_450, %scan3A_449 : i32
        %add3A_452 = vector.broadcast %mul3A_451 : i32 to vector<16xi32>
        %add3A_453 = arith.addi %mul3A_8, %add3A_452 : vector<16xi32>
        %and3A_454 = arith.constant 127 : i32
        %and3A_455 = vector.broadcast %and3A_454 : i32 to vector<16xi32>
        %and3A_456 = arith.andi %add3A_453, %and3A_455 : vector<16xi32>
        %mul3A_457 = arith.constant 2 : i32
        %mul3A_458 = arith.muli %mul3A_457, %scan3A_449 : i32
        %add3A_459 = vector.broadcast %mul3A_458 : i32 to vector<16xi32>
        %add3A_460 = arith.addi %mul3A_8, %add3A_459 : vector<16xi32>
        %add3A_461 = arith.constant 1 : i32
        %add3A_462 = vector.broadcast %add3A_461 : i32 to vector<16xi32>
        %add3A_463 = arith.addi %add3A_460, %add3A_462 : vector<16xi32>
        %and3A_464 = arith.constant 127 : i32
        %and3A_465 = vector.broadcast %and3A_464 : i32 to vector<16xi32>
        %and3A_466 = arith.andi %add3A_463, %and3A_465 : vector<16xi32>
        %gather3A_467 = tpu.vector_load_idx %arg4[%add3A_112, %and3A_456] : memref<16x128xf32, #tpu.memory_space<vmem>>[vector<16xi32>, vector<16xi32>], vector<16xf32>,
        %gather3A_468 = tpu.vector_load_idx %arg5[%add3A_112, %and3A_456] : memref<16x128xf32, #tpu.memory_space<vmem>>[vector<16xi32>, vector<16xi32>], vector<16xf32>,
        %gather3A_469 = tpu.vector_load_idx %arg6[%add3A_112, %and3A_456] : memref<16x128xf32, #tpu.memory_space<vmem>>[vector<16xi32>, vector<16xi32>], vector<16xf32>,
        %gather3A_470 = tpu.vector_load_idx %arg4[%add3A_112, %and3A_466] : memref<16x128xf32, #tpu.memory_space<vmem>>[vector<16xi32>, vector<16xi32>], vector<16xf32>,
        %gather3A_471 = tpu.vector_load_idx %arg5[%add3A_112, %and3A_466] : memref<16x128xf32, #tpu.memory_space<vmem>>[vector<16xi32>, vector<16xi32>], vector<16xf32>,
        %gather3A_472 = tpu.vector_load_idx %arg6[%add3A_112, %and3A_466] : memref<16x128xf32, #tpu.memory_space<vmem>>[vector<16xi32>, vector<16xi32>], vector<16xf32>,
        %max3A_473 = arith.maximumf %gather3A_469, %gather3A_472 : vector<16xf32>
        %min3A_474 = arith.minimumf %gather3A_469, %gather3A_472 : vector<16xf32>
        %max3A_475 = arith.maximumf %max3A_426, %max3A_473 : vector<16xf32>
        %min3A_476 = arith.minimumf %max3A_426, %max3A_473 : vector<16xf32>
        %max3A_477 = arith.maximumf %max3A_429, %min3A_474 : vector<16xf32>
        %max3A_478 = arith.maximumf %min3A_476, %max3A_477 : vector<16xf32>
        %min3A_479 = arith.minimumf %max3A_429, %min3A_474 : vector<16xf32>
        %min3A_480 = arith.minimumf %min3A_476, %max3A_477 : vector<16xf32>
        %max3A_481 = arith.maximumf %min3A_479, %max3A_433 : vector<16xf32>
        %max3A_482 = arith.maximumf %min3A_480, %max3A_481 : vector<16xf32>
        %min3A_483 = arith.minimumf %min3A_434, %min3A_474 : vector<16xf32>
        %max3A_484 = arith.maximumf %min3A_434, %min3A_474 : vector<16xf32>
        %min3A_485 = arith.minimumf %min3A_437, %max3A_473 : vector<16xf32>
        %min3A_486 = arith.minimumf %max3A_484, %min3A_485 : vector<16xf32>
        %max3A_487 = arith.maximumf %min3A_437, %max3A_473 : vector<16xf32>
        %max3A_488 = arith.maximumf %max3A_484, %min3A_485 : vector<16xf32>
        %min3A_489 = arith.minimumf %max3A_487, %min3A_441 : vector<16xf32>
        %min3A_490 = arith.minimumf %max3A_488, %min3A_489 : vector<16xf32>
        %add3A_491 = arith.addf %gather3A_467, %gather3A_470 : vector<16xf32>
        %add3A_492 = arith.addf %add3A_443, %add3A_491 : vector<16xf32>
        %add3A_493 = arith.addf %gather3A_468, %gather3A_471 : vector<16xf32>
        %add3A_494 = arith.addf %add3A_445, %add3A_493 : vector<16xf32>
        %add3A_495 = arith.addf %gather3A_469, %gather3A_472 : vector<16xf32>
        %add3A_496 = arith.addf %add3A_447, %add3A_495 : vector<16xf32>
        %scan3A_497 = arith.constant 2 : i32
        %scan3A_498 = arith.addi %scan3A_394, %scan3A_497 : i32
        %mul3A_499 = arith.constant 2 : i32
        %mul3A_500 = arith.muli %mul3A_499, %scan3A_498 : i32
        %add3A_501 = vector.broadcast %mul3A_500 : i32 to vector<16xi32>
        %add3A_502 = arith.addi %mul3A_8, %add3A_501 : vector<16xi32>
        %and3A_503 = arith.constant 127 : i32
        %and3A_504 = vector.broadcast %and3A_503 : i32 to vector<16xi32>
        %and3A_505 = arith.andi %add3A_502, %and3A_504 : vector<16xi32>
        %mul3A_506 = arith.constant 2 : i32
        %mul3A_507 = arith.muli %mul3A_506, %scan3A_498 : i32
        %add3A_508 = vector.broadcast %mul3A_507 : i32 to vector<16xi32>
        %add3A_509 = arith.addi %mul3A_8, %add3A_508 : vector<16xi32>
        %add3A_510 = arith.constant 1 : i32
        %add3A_511 = vector.broadcast %add3A_510 : i32 to vector<16xi32>
        %add3A_512 = arith.addi %add3A_509, %add3A_511 : vector<16xi32>
        %and3A_513 = arith.constant 127 : i32
        %and3A_514 = vector.broadcast %and3A_513 : i32 to vector<16xi32>
        %and3A_515 = arith.andi %add3A_512, %and3A_514 : vector<16xi32>
        %gather3A_516 = tpu.vector_load_idx %arg4[%add3A_112, %and3A_505] : memref<16x128xf32, #tpu.memory_space<vmem>>[vector<16xi32>, vector<16xi32>], vector<16xf32>,
        %gather3A_517 = tpu.vector_load_idx %arg5[%add3A_112, %and3A_505] : memref<16x128xf32, #tpu.memory_space<vmem>>[vector<16xi32>, vector<16xi32>], vector<16xf32>,
        %gather3A_518 = tpu.vector_load_idx %arg6[%add3A_112, %and3A_505] : memref<16x128xf32, #tpu.memory_space<vmem>>[vector<16xi32>, vector<16xi32>], vector<16xf32>,
        %gather3A_519 = tpu.vector_load_idx %arg4[%add3A_112, %and3A_515] : memref<16x128xf32, #tpu.memory_space<vmem>>[vector<16xi32>, vector<16xi32>], vector<16xf32>,
        %gather3A_520 = tpu.vector_load_idx %arg5[%add3A_112, %and3A_515] : memref<16x128xf32, #tpu.memory_space<vmem>>[vector<16xi32>, vector<16xi32>], vector<16xf32>,
        %gather3A_521 = tpu.vector_load_idx %arg6[%add3A_112, %and3A_515] : memref<16x128xf32, #tpu.memory_space<vmem>>[vector<16xi32>, vector<16xi32>], vector<16xf32>,
        %max3A_522 = arith.maximumf %gather3A_518, %gather3A_521 : vector<16xf32>
        %min3A_523 = arith.minimumf %gather3A_518, %gather3A_521 : vector<16xf32>
        %max3A_524 = arith.maximumf %max3A_475, %max3A_522 : vector<16xf32>
        %min3A_525 = arith.minimumf %max3A_475, %max3A_522 : vector<16xf32>
        %max3A_526 = arith.maximumf %max3A_478, %min3A_523 : vector<16xf32>
        %max3A_527 = arith.maximumf %min3A_525, %max3A_526 : vector<16xf32>
        %min3A_528 = arith.minimumf %max3A_478, %min3A_523 : vector<16xf32>
        %min3A_529 = arith.minimumf %min3A_525, %max3A_526 : vector<16xf32>
        %max3A_530 = arith.maximumf %min3A_528, %max3A_482 : vector<16xf32>
        %max3A_531 = arith.maximumf %min3A_529, %max3A_530 : vector<16xf32>
        %min3A_532 = arith.minimumf %min3A_483, %min3A_523 : vector<16xf32>
        %max3A_533 = arith.maximumf %min3A_483, %min3A_523 : vector<16xf32>
        %min3A_534 = arith.minimumf %min3A_486, %max3A_522 : vector<16xf32>
        %min3A_535 = arith.minimumf %max3A_533, %min3A_534 : vector<16xf32>
        %max3A_536 = arith.maximumf %min3A_486, %max3A_522 : vector<16xf32>
        %max3A_537 = arith.maximumf %max3A_533, %min3A_534 : vector<16xf32>
        %min3A_538 = arith.minimumf %max3A_536, %min3A_490 : vector<16xf32>
        %min3A_539 = arith.minimumf %max3A_537, %min3A_538 : vector<16xf32>
        %add3A_540 = arith.addf %gather3A_516, %gather3A_519 : vector<16xf32>
        %add3A_541 = arith.addf %add3A_492, %add3A_540 : vector<16xf32>
        %add3A_542 = arith.addf %gather3A_517, %gather3A_520 : vector<16xf32>
        %add3A_543 = arith.addf %add3A_494, %add3A_542 : vector<16xf32>
        %add3A_544 = arith.addf %gather3A_518, %gather3A_521 : vector<16xf32>
        %add3A_545 = arith.addf %add3A_496, %add3A_544 : vector<16xf32>
        %scan3A_546 = arith.constant 3 : i32
        %scan3A_547 = arith.addi %scan3A_394, %scan3A_546 : i32
        %mul3A_548 = arith.constant 2 : i32
        %mul3A_549 = arith.muli %mul3A_548, %scan3A_547 : i32
        %add3A_550 = vector.broadcast %mul3A_549 : i32 to vector<16xi32>
        %add3A_551 = arith.addi %mul3A_8, %add3A_550 : vector<16xi32>
        %and3A_552 = arith.constant 127 : i32
        %and3A_553 = vector.broadcast %and3A_552 : i32 to vector<16xi32>
        %and3A_554 = arith.andi %add3A_551, %and3A_553 : vector<16xi32>
        %mul3A_555 = arith.constant 2 : i32
        %mul3A_556 = arith.muli %mul3A_555, %scan3A_547 : i32
        %add3A_557 = vector.broadcast %mul3A_556 : i32 to vector<16xi32>
        %add3A_558 = arith.addi %mul3A_8, %add3A_557 : vector<16xi32>
        %add3A_559 = arith.constant 1 : i32
        %add3A_560 = vector.broadcast %add3A_559 : i32 to vector<16xi32>
        %add3A_561 = arith.addi %add3A_558, %add3A_560 : vector<16xi32>
        %and3A_562 = arith.constant 127 : i32
        %and3A_563 = vector.broadcast %and3A_562 : i32 to vector<16xi32>
        %and3A_564 = arith.andi %add3A_561, %and3A_563 : vector<16xi32>
        %gather3A_565 = tpu.vector_load_idx %arg4[%add3A_112, %and3A_554] : memref<16x128xf32, #tpu.memory_space<vmem>>[vector<16xi32>, vector<16xi32>], vector<16xf32>,
        %gather3A_566 = tpu.vector_load_idx %arg5[%add3A_112, %and3A_554] : memref<16x128xf32, #tpu.memory_space<vmem>>[vector<16xi32>, vector<16xi32>], vector<16xf32>,
        %gather3A_567 = tpu.vector_load_idx %arg6[%add3A_112, %and3A_554] : memref<16x128xf32, #tpu.memory_space<vmem>>[vector<16xi32>, vector<16xi32>], vector<16xf32>,
        %gather3A_568 = tpu.vector_load_idx %arg4[%add3A_112, %and3A_564] : memref<16x128xf32, #tpu.memory_space<vmem>>[vector<16xi32>, vector<16xi32>], vector<16xf32>,
        %gather3A_569 = tpu.vector_load_idx %arg5[%add3A_112, %and3A_564] : memref<16x128xf32, #tpu.memory_space<vmem>>[vector<16xi32>, vector<16xi32>], vector<16xf32>,
        %gather3A_570 = tpu.vector_load_idx %arg6[%add3A_112, %and3A_564] : memref<16x128xf32, #tpu.memory_space<vmem>>[vector<16xi32>, vector<16xi32>], vector<16xf32>,
        %max3A_571 = arith.maximumf %gather3A_567, %gather3A_570 : vector<16xf32>
        %min3A_572 = arith.minimumf %gather3A_567, %gather3A_570 : vector<16xf32>
        %max3A_573 = arith.maximumf %max3A_524, %max3A_571 : vector<16xf32>
        %min3A_574 = arith.minimumf %max3A_524, %max3A_571 : vector<16xf32>
        %max3A_575 = arith.maximumf %max3A_527, %min3A_572 : vector<16xf32>
        %max3A_576 = arith.maximumf %min3A_574, %max3A_575 : vector<16xf32>
        %min3A_577 = arith.minimumf %max3A_527, %min3A_572 : vector<16xf32>
        %min3A_578 = arith.minimumf %min3A_574, %max3A_575 : vector<16xf32>
        %max3A_579 = arith.maximumf %min3A_577, %max3A_531 : vector<16xf32>
        %max3A_580 = arith.maximumf %min3A_578, %max3A_579 : vector<16xf32>
        %min3A_581 = arith.minimumf %min3A_532, %min3A_572 : vector<16xf32>
        %max3A_582 = arith.maximumf %min3A_532, %min3A_572 : vector<16xf32>
        %min3A_583 = arith.minimumf %min3A_535, %max3A_571 : vector<16xf32>
        %min3A_584 = arith.minimumf %max3A_582, %min3A_583 : vector<16xf32>
        %max3A_585 = arith.maximumf %min3A_535, %max3A_571 : vector<16xf32>
        %max3A_586 = arith.maximumf %max3A_582, %min3A_583 : vector<16xf32>
        %min3A_587 = arith.minimumf %max3A_585, %min3A_539 : vector<16xf32>
        %min3A_588 = arith.minimumf %max3A_586, %min3A_587 : vector<16xf32>
        %add3A_589 = arith.addf %gather3A_565, %gather3A_568 : vector<16xf32>
        %add3A_590 = arith.addf %add3A_541, %add3A_589 : vector<16xf32>
        %add3A_591 = arith.addf %gather3A_566, %gather3A_569 : vector<16xf32>
        %add3A_592 = arith.addf %add3A_543, %add3A_591 : vector<16xf32>
        %add3A_593 = arith.addf %gather3A_567, %gather3A_570 : vector<16xf32>
        %add3A_594 = arith.addf %add3A_545, %add3A_593 : vector<16xf32>
        scf.yield %add3A_590, %add3A_592, %add3A_594, %max3A_573, %max3A_576, %max3A_580, %min3A_581, %min3A_584, %min3A_588 : vector<16xf32>, vector<16xf32>, vector<16xf32>, vector<16xf32>, vector<16xf32>, vector<16xf32>, vector<16xf32>, vector<16xf32>, vector<16xf32>
      }
      %scan3A_126 = arith.constant 64 : i32
      %mul3A_127 = arith.constant 7.812500e-03 : f32
      %mul3A_128 = vector.broadcast %mul3A_127 : f32 to vector<16xf32>
      %mul3A_129 = arith.mulf %scan3A_125#0, %mul3A_128 : vector<16xf32>
      %mul3A_130 = arith.constant 7.812500e-03 : f32
      %mul3A_131 = vector.broadcast %mul3A_130 : f32 to vector<16xf32>
      %mul3A_132 = arith.mulf %scan3A_125#1, %mul3A_131 : vector<16xf32>
      %mul3A_133 = arith.constant 7.812500e-03 : f32
      %mul3A_134 = vector.broadcast %mul3A_133 : f32 to vector<16xf32>
      %mul3A_135 = arith.mulf %scan3A_125#2, %mul3A_134 : vector<16xf32>
      %gather3A = tpu.vector_load_idx %arg4[%add3A_112, %broadcast_in_dim3A_5] : memref<16x128xf32, #tpu.memory_space<vmem>>[vector<16xi32>, vector<16xi32>], vector<16xf32>,
      %gather3A_136 = tpu.vector_load_idx %arg5[%add3A_112, %broadcast_in_dim3A_5] : memref<16x128xf32, #tpu.memory_space<vmem>>[vector<16xi32>, vector<16xi32>], vector<16xf32>,
      %sub3A = arith.subf %gather3A, %mul3A_129 : vector<16xf32>
      %sub3A_137 = arith.subf %gather3A_136, %mul3A_132 : vector<16xf32>
      %neg3A_138 = arith.constant 0.000000e+00 : f32
      %neg3A_139 = vector.broadcast %neg3A_138 : f32 to vector<16xf32>
      %neg3A_140 = arith.subf %neg3A_139, %broadcast_in_dim3A_1 : vector<16xf32>
      %neg3A_141 = arith.constant 0.000000e+00 : f32
      %neg3A_142 = vector.broadcast %neg3A_141 : f32 to vector<16xf32>
      %neg3A_143 = arith.subf %neg3A_142, %broadcast_in_dim3A_1 : vector<16xf32>
      %neg3A_144 = arith.constant 0.000000e+00 : f32
      %neg3A_145 = vector.broadcast %neg3A_144 : f32 to vector<16xf32>
      %neg3A_146 = arith.subf %neg3A_145, %broadcast_in_dim3A_1 : vector<16xf32>
      %neg3A_147 = arith.constant 0.000000e+00 : f32
      %neg3A_148 = vector.broadcast %neg3A_147 : f32 to vector<16xf32>
      %neg3A_149 = arith.subf %neg3A_148, %broadcast_in_dim3A_1 : vector<16xf32>
      %neg3A_150 = arith.constant 0.000000e+00 : f32
      %neg3A_151 = vector.broadcast %neg3A_150 : f32 to vector<16xf32>
      %neg3A_152 = arith.subf %neg3A_151, %broadcast_in_dim3A_1 : vector<16xf32>
      %neg3A_153 = arith.constant 0.000000e+00 : f32
      %neg3A_154 = vector.broadcast %neg3A_153 : f32 to vector<16xf32>
      %neg3A_155 = arith.subf %neg3A_154, %broadcast_in_dim3A_1 : vector<16xf32>
      %scan3A_156 = arith.constant 0 : i32
      %scan3A_157 = arith.constant 64 : i32
      %scan3A_158 = arith.addi %scan3A_156, %scan3A_157 : i32
      %scan3A_159 = arith.constant 4 : i32
      %scan3A_160:12 = scf.for %scan3A_394 = %scan3A_156 to %scan3A_158 step %scan3A_159 iter_args(%scan3A_395 = %neg3A_140, %scan3A_396 = %neg3A_143, %scan3A_397 = %neg3A_146, %scan3A_398 = %broadcast_in_dim3A_1, %scan3A_399 = %broadcast_in_dim3A_1, %scan3A_400 = %broadcast_in_dim3A_1, %scan3A_401 = %neg3A_149, %scan3A_402 = %neg3A_152, %scan3A_403 = %neg3A_155, %scan3A_404 = %broadcast_in_dim3A_1, %scan3A_405 = %broadcast_in_dim3A_1, %scan3A_406 = %broadcast_in_dim3A_1) -> (vector<16xf32>, vector<16xf32>, vector<16xf32>, vector<16xf32>, vector<16xf32>, vector<16xf32>, vector<16xf32>, vector<16xf32>, vector<16xf32>, vector<16xf32>, vector<16xf32>, vector<16xf32>)  : i32 {
        %mul3A_407 = arith.constant 2 : i32
        %mul3A_408 = arith.muli %mul3A_407, %scan3A_394 : i32
        %add3A_409 = vector.broadcast %mul3A_408 : i32 to vector<16xi32>
        %add3A_410 = arith.addi %mul3A_8, %add3A_409 : vector<16xi32>
        %and3A = arith.constant 127 : i32
        %and3A_411 = vector.broadcast %and3A : i32 to vector<16xi32>
        %and3A_412 = arith.andi %add3A_410, %and3A_411 : vector<16xi32>
        %mul3A_413 = arith.constant 2 : i32
        %mul3A_414 = arith.muli %mul3A_413, %scan3A_394 : i32
        %add3A_415 = vector.broadcast %mul3A_414 : i32 to vector<16xi32>
        %add3A_416 = arith.addi %mul3A_8, %add3A_415 : vector<16xi32>
        %add3A_417 = arith.constant 1 : i32
        %add3A_418 = vector.broadcast %add3A_417 : i32 to vector<16xi32>
        %add3A_419 = arith.addi %add3A_416, %add3A_418 : vector<16xi32>
        %and3A_420 = arith.constant 127 : i32
        %and3A_421 = vector.broadcast %and3A_420 : i32 to vector<16xi32>
        %and3A_422 = arith.andi %add3A_419, %and3A_421 : vector<16xi32>
        %gather3A_423 = tpu.vector_load_idx %arg4[%add3A_112, %and3A_412] : memref<16x128xf32, #tpu.memory_space<vmem>>[vector<16xi32>, vector<16xi32>], vector<16xf32>,
        %gather3A_424 = tpu.vector_load_idx %arg5[%add3A_112, %and3A_412] : memref<16x128xf32, #tpu.memory_space<vmem>>[vector<16xi32>, vector<16xi32>], vector<16xf32>,
        %gather3A_425 = tpu.vector_load_idx %arg4[%add3A_112, %and3A_422] : memref<16x128xf32, #tpu.memory_space<vmem>>[vector<16xi32>, vector<16xi32>], vector<16xf32>,
        %gather3A_426 = tpu.vector_load_idx %arg5[%add3A_112, %and3A_422] : memref<16x128xf32, #tpu.memory_space<vmem>>[vector<16xi32>, vector<16xi32>], vector<16xf32>,
        %mul3A_427 = arith.mulf %gather3A_423, %sub3A : vector<16xf32>
        %mul3A_428 = arith.mulf %gather3A_424, %sub3A_137 : vector<16xf32>
        %add3A_429 = arith.addf %mul3A_427, %mul3A_428 : vector<16xf32>
        %mul3A_430 = arith.mulf %gather3A_423, %sub3A_137 : vector<16xf32>
        %mul3A_431 = arith.mulf %gather3A_424, %sub3A : vector<16xf32>
        %sub3A_432 = arith.subf %mul3A_430, %mul3A_431 : vector<16xf32>
        %mul3A_433 = arith.mulf %gather3A_425, %sub3A : vector<16xf32>
        %mul3A_434 = arith.mulf %gather3A_426, %sub3A_137 : vector<16xf32>
        %add3A_435 = arith.addf %mul3A_433, %mul3A_434 : vector<16xf32>
        %mul3A_436 = arith.mulf %gather3A_425, %sub3A_137 : vector<16xf32>
        %mul3A_437 = arith.mulf %gather3A_426, %sub3A : vector<16xf32>
        %sub3A_438 = arith.subf %mul3A_436, %mul3A_437 : vector<16xf32>
        %max3A = arith.maximumf %add3A_429, %add3A_435 : vector<16xf32>
        %min3A = arith.minimumf %add3A_429, %add3A_435 : vector<16xf32>
        %max3A_439 = arith.maximumf %scan3A_395, %max3A : vector<16xf32>
        %min3A_440 = arith.minimumf %scan3A_395, %max3A : vector<16xf32>
        %max3A_441 = arith.maximumf %scan3A_396, %min3A : vector<16xf32>
        %max3A_442 = arith.maximumf %min3A_440, %max3A_441 : vector<16xf32>
        %min3A_443 = arith.minimumf %scan3A_396, %min3A : vector<16xf32>
        %min3A_444 = arith.minimumf %min3A_440, %max3A_441 : vector<16xf32>
        %max3A_445 = arith.maximumf %min3A_443, %scan3A_397 : vector<16xf32>
        %max3A_446 = arith.maximumf %min3A_444, %max3A_445 : vector<16xf32>
        %min3A_447 = arith.minimumf %scan3A_398, %min3A : vector<16xf32>
        %max3A_448 = arith.maximumf %scan3A_398, %min3A : vector<16xf32>
        %min3A_449 = arith.minimumf %scan3A_399, %max3A : vector<16xf32>
        %min3A_450 = arith.minimumf %max3A_448, %min3A_449 : vector<16xf32>
        %max3A_451 = arith.maximumf %scan3A_399, %max3A : vector<16xf32>
        %max3A_452 = arith.maximumf %max3A_448, %min3A_449 : vector<16xf32>
        %min3A_453 = arith.minimumf %max3A_451, %scan3A_400 : vector<16xf32>
        %min3A_454 = arith.minimumf %max3A_452, %min3A_453 : vector<16xf32>
        %max3A_455 = arith.maximumf %sub3A_432, %sub3A_438 : vector<16xf32>
        %min3A_456 = arith.minimumf %sub3A_432, %sub3A_438 : vector<16xf32>
        %max3A_457 = arith.maximumf %scan3A_401, %max3A_455 : vector<16xf32>
        %min3A_458 = arith.minimumf %scan3A_401, %max3A_455 : vector<16xf32>
        %max3A_459 = arith.maximumf %scan3A_402, %min3A_456 : vector<16xf32>
        %max3A_460 = arith.maximumf %min3A_458, %max3A_459 : vector<16xf32>
        %min3A_461 = arith.minimumf %scan3A_402, %min3A_456 : vector<16xf32>
        %min3A_462 = arith.minimumf %min3A_458, %max3A_459 : vector<16xf32>
        %max3A_463 = arith.maximumf %min3A_461, %scan3A_403 : vector<16xf32>
        %max3A_464 = arith.maximumf %min3A_462, %max3A_463 : vector<16xf32>
        %min3A_465 = arith.minimumf %scan3A_404, %min3A_456 : vector<16xf32>
        %max3A_466 = arith.maximumf %scan3A_404, %min3A_456 : vector<16xf32>
        %min3A_467 = arith.minimumf %scan3A_405, %max3A_455 : vector<16xf32>
        %min3A_468 = arith.minimumf %max3A_466, %min3A_467 : vector<16xf32>
        %max3A_469 = arith.maximumf %scan3A_405, %max3A_455 : vector<16xf32>
        %max3A_470 = arith.maximumf %max3A_466, %min3A_467 : vector<16xf32>
        %min3A_471 = arith.minimumf %max3A_469, %scan3A_406 : vector<16xf32>
        %min3A_472 = arith.minimumf %max3A_470, %min3A_471 : vector<16xf32>
        %scan3A_473 = arith.constant 1 : i32
        %scan3A_474 = arith.addi %scan3A_394, %scan3A_473 : i32
        %mul3A_475 = arith.constant 2 : i32
        %mul3A_476 = arith.muli %mul3A_475, %scan3A_474 : i32
        %add3A_477 = vector.broadcast %mul3A_476 : i32 to vector<16xi32>
        %add3A_478 = arith.addi %mul3A_8, %add3A_477 : vector<16xi32>
        %and3A_479 = arith.constant 127 : i32
        %and3A_480 = vector.broadcast %and3A_479 : i32 to vector<16xi32>
        %and3A_481 = arith.andi %add3A_478, %and3A_480 : vector<16xi32>
        %mul3A_482 = arith.constant 2 : i32
        %mul3A_483 = arith.muli %mul3A_482, %scan3A_474 : i32
        %add3A_484 = vector.broadcast %mul3A_483 : i32 to vector<16xi32>
        %add3A_485 = arith.addi %mul3A_8, %add3A_484 : vector<16xi32>
        %add3A_486 = arith.constant 1 : i32
        %add3A_487 = vector.broadcast %add3A_486 : i32 to vector<16xi32>
        %add3A_488 = arith.addi %add3A_485, %add3A_487 : vector<16xi32>
        %and3A_489 = arith.constant 127 : i32
        %and3A_490 = vector.broadcast %and3A_489 : i32 to vector<16xi32>
        %and3A_491 = arith.andi %add3A_488, %and3A_490 : vector<16xi32>
        %gather3A_492 = tpu.vector_load_idx %arg4[%add3A_112, %and3A_481] : memref<16x128xf32, #tpu.memory_space<vmem>>[vector<16xi32>, vector<16xi32>], vector<16xf32>,
        %gather3A_493 = tpu.vector_load_idx %arg5[%add3A_112, %and3A_481] : memref<16x128xf32, #tpu.memory_space<vmem>>[vector<16xi32>, vector<16xi32>], vector<16xf32>,
        %gather3A_494 = tpu.vector_load_idx %arg4[%add3A_112, %and3A_491] : memref<16x128xf32, #tpu.memory_space<vmem>>[vector<16xi32>, vector<16xi32>], vector<16xf32>,
        %gather3A_495 = tpu.vector_load_idx %arg5[%add3A_112, %and3A_491] : memref<16x128xf32, #tpu.memory_space<vmem>>[vector<16xi32>, vector<16xi32>], vector<16xf32>,
        %mul3A_496 = arith.mulf %gather3A_492, %sub3A : vector<16xf32>
        %mul3A_497 = arith.mulf %gather3A_493, %sub3A_137 : vector<16xf32>
        %add3A_498 = arith.addf %mul3A_496, %mul3A_497 : vector<16xf32>
        %mul3A_499 = arith.mulf %gather3A_492, %sub3A_137 : vector<16xf32>
        %mul3A_500 = arith.mulf %gather3A_493, %sub3A : vector<16xf32>
        %sub3A_501 = arith.subf %mul3A_499, %mul3A_500 : vector<16xf32>
        %mul3A_502 = arith.mulf %gather3A_494, %sub3A : vector<16xf32>
        %mul3A_503 = arith.mulf %gather3A_495, %sub3A_137 : vector<16xf32>
        %add3A_504 = arith.addf %mul3A_502, %mul3A_503 : vector<16xf32>
        %mul3A_505 = arith.mulf %gather3A_494, %sub3A_137 : vector<16xf32>
        %mul3A_506 = arith.mulf %gather3A_495, %sub3A : vector<16xf32>
        %sub3A_507 = arith.subf %mul3A_505, %mul3A_506 : vector<16xf32>
        %max3A_508 = arith.maximumf %add3A_498, %add3A_504 : vector<16xf32>
        %min3A_509 = arith.minimumf %add3A_498, %add3A_504 : vector<16xf32>
        %max3A_510 = arith.maximumf %max3A_439, %max3A_508 : vector<16xf32>
        %min3A_511 = arith.minimumf %max3A_439, %max3A_508 : vector<16xf32>
        %max3A_512 = arith.maximumf %max3A_442, %min3A_509 : vector<16xf32>
        %max3A_513 = arith.maximumf %min3A_511, %max3A_512 : vector<16xf32>
        %min3A_514 = arith.minimumf %max3A_442, %min3A_509 : vector<16xf32>
        %min3A_515 = arith.minimumf %min3A_511, %max3A_512 : vector<16xf32>
        %max3A_516 = arith.maximumf %min3A_514, %max3A_446 : vector<16xf32>
        %max3A_517 = arith.maximumf %min3A_515, %max3A_516 : vector<16xf32>
        %min3A_518 = arith.minimumf %min3A_447, %min3A_509 : vector<16xf32>
        %max3A_519 = arith.maximumf %min3A_447, %min3A_509 : vector<16xf32>
        %min3A_520 = arith.minimumf %min3A_450, %max3A_508 : vector<16xf32>
        %min3A_521 = arith.minimumf %max3A_519, %min3A_520 : vector<16xf32>
        %max3A_522 = arith.maximumf %min3A_450, %max3A_508 : vector<16xf32>
        %max3A_523 = arith.maximumf %max3A_519, %min3A_520 : vector<16xf32>
        %min3A_524 = arith.minimumf %max3A_522, %min3A_454 : vector<16xf32>
        %min3A_525 = arith.minimumf %max3A_523, %min3A_524 : vector<16xf32>
        %max3A_526 = arith.maximumf %sub3A_501, %sub3A_507 : vector<16xf32>
        %min3A_527 = arith.minimumf %sub3A_501, %sub3A_507 : vector<16xf32>
        %max3A_528 = arith.maximumf %max3A_457, %max3A_526 : vector<16xf32>
        %min3A_529 = arith.minimumf %max3A_457, %max3A_526 : vector<16xf32>
        %max3A_530 = arith.maximumf %max3A_460, %min3A_527 : vector<16xf32>
        %max3A_531 = arith.maximumf %min3A_529, %max3A_530 : vector<16xf32>
        %min3A_532 = arith.minimumf %max3A_460, %min3A_527 : vector<16xf32>
        %min3A_533 = arith.minimumf %min3A_529, %max3A_530 : vector<16xf32>
        %max3A_534 = arith.maximumf %min3A_532, %max3A_464 : vector<16xf32>
        %max3A_535 = arith.maximumf %min3A_533, %max3A_534 : vector<16xf32>
        %min3A_536 = arith.minimumf %min3A_465, %min3A_527 : vector<16xf32>
        %max3A_537 = arith.maximumf %min3A_465, %min3A_527 : vector<16xf32>
        %min3A_538 = arith.minimumf %min3A_468, %max3A_526 : vector<16xf32>
        %min3A_539 = arith.minimumf %max3A_537, %min3A_538 : vector<16xf32>
        %max3A_540 = arith.maximumf %min3A_468, %max3A_526 : vector<16xf32>
        %max3A_541 = arith.maximumf %max3A_537, %min3A_538 : vector<16xf32>
        %min3A_542 = arith.minimumf %max3A_540, %min3A_472 : vector<16xf32>
        %min3A_543 = arith.minimumf %max3A_541, %min3A_542 : vector<16xf32>
        %scan3A_544 = arith.constant 2 : i32
        %scan3A_545 = arith.addi %scan3A_394, %scan3A_544 : i32
        %mul3A_546 = arith.constant 2 : i32
        %mul3A_547 = arith.muli %mul3A_546, %scan3A_545 : i32
        %add3A_548 = vector.broadcast %mul3A_547 : i32 to vector<16xi32>
        %add3A_549 = arith.addi %mul3A_8, %add3A_548 : vector<16xi32>
        %and3A_550 = arith.constant 127 : i32
        %and3A_551 = vector.broadcast %and3A_550 : i32 to vector<16xi32>
        %and3A_552 = arith.andi %add3A_549, %and3A_551 : vector<16xi32>
        %mul3A_553 = arith.constant 2 : i32
        %mul3A_554 = arith.muli %mul3A_553, %scan3A_545 : i32
        %add3A_555 = vector.broadcast %mul3A_554 : i32 to vector<16xi32>
        %add3A_556 = arith.addi %mul3A_8, %add3A_555 : vector<16xi32>
        %add3A_557 = arith.constant 1 : i32
        %add3A_558 = vector.broadcast %add3A_557 : i32 to vector<16xi32>
        %add3A_559 = arith.addi %add3A_556, %add3A_558 : vector<16xi32>
        %and3A_560 = arith.constant 127 : i32
        %and3A_561 = vector.broadcast %and3A_560 : i32 to vector<16xi32>
        %and3A_562 = arith.andi %add3A_559, %and3A_561 : vector<16xi32>
        %gather3A_563 = tpu.vector_load_idx %arg4[%add3A_112, %and3A_552] : memref<16x128xf32, #tpu.memory_space<vmem>>[vector<16xi32>, vector<16xi32>], vector<16xf32>,
        %gather3A_564 = tpu.vector_load_idx %arg5[%add3A_112, %and3A_552] : memref<16x128xf32, #tpu.memory_space<vmem>>[vector<16xi32>, vector<16xi32>], vector<16xf32>,
        %gather3A_565 = tpu.vector_load_idx %arg4[%add3A_112, %and3A_562] : memref<16x128xf32, #tpu.memory_space<vmem>>[vector<16xi32>, vector<16xi32>], vector<16xf32>,
        %gather3A_566 = tpu.vector_load_idx %arg5[%add3A_112, %and3A_562] : memref<16x128xf32, #tpu.memory_space<vmem>>[vector<16xi32>, vector<16xi32>], vector<16xf32>,
        %mul3A_567 = arith.mulf %gather3A_563, %sub3A : vector<16xf32>
        %mul3A_568 = arith.mulf %gather3A_564, %sub3A_137 : vector<16xf32>
        %add3A_569 = arith.addf %mul3A_567, %mul3A_568 : vector<16xf32>
        %mul3A_570 = arith.mulf %gather3A_563, %sub3A_137 : vector<16xf32>
        %mul3A_571 = arith.mulf %gather3A_564, %sub3A : vector<16xf32>
        %sub3A_572 = arith.subf %mul3A_570, %mul3A_571 : vector<16xf32>
        %mul3A_573 = arith.mulf %gather3A_565, %sub3A : vector<16xf32>
        %mul3A_574 = arith.mulf %gather3A_566, %sub3A_137 : vector<16xf32>
        %add3A_575 = arith.addf %mul3A_573, %mul3A_574 : vector<16xf32>
        %mul3A_576 = arith.mulf %gather3A_565, %sub3A_137 : vector<16xf32>
        %mul3A_577 = arith.mulf %gather3A_566, %sub3A : vector<16xf32>
        %sub3A_578 = arith.subf %mul3A_576, %mul3A_577 : vector<16xf32>
        %max3A_579 = arith.maximumf %add3A_569, %add3A_575 : vector<16xf32>
        %min3A_580 = arith.minimumf %add3A_569, %add3A_575 : vector<16xf32>
        %max3A_581 = arith.maximumf %max3A_510, %max3A_579 : vector<16xf32>
        %min3A_582 = arith.minimumf %max3A_510, %max3A_579 : vector<16xf32>
        %max3A_583 = arith.maximumf %max3A_513, %min3A_580 : vector<16xf32>
        %max3A_584 = arith.maximumf %min3A_582, %max3A_583 : vector<16xf32>
        %min3A_585 = arith.minimumf %max3A_513, %min3A_580 : vector<16xf32>
        %min3A_586 = arith.minimumf %min3A_582, %max3A_583 : vector<16xf32>
        %max3A_587 = arith.maximumf %min3A_585, %max3A_517 : vector<16xf32>
        %max3A_588 = arith.maximumf %min3A_586, %max3A_587 : vector<16xf32>
        %min3A_589 = arith.minimumf %min3A_518, %min3A_580 : vector<16xf32>
        %max3A_590 = arith.maximumf %min3A_518, %min3A_580 : vector<16xf32>
        %min3A_591 = arith.minimumf %min3A_521, %max3A_579 : vector<16xf32>
        %min3A_592 = arith.minimumf %max3A_590, %min3A_591 : vector<16xf32>
        %max3A_593 = arith.maximumf %min3A_521, %max3A_579 : vector<16xf32>
        %max3A_594 = arith.maximumf %max3A_590, %min3A_591 : vector<16xf32>
        %min3A_595 = arith.minimumf %max3A_593, %min3A_525 : vector<16xf32>
        %min3A_596 = arith.minimumf %max3A_594, %min3A_595 : vector<16xf32>
        %max3A_597 = arith.maximumf %sub3A_572, %sub3A_578 : vector<16xf32>
        %min3A_598 = arith.minimumf %sub3A_572, %sub3A_578 : vector<16xf32>
        %max3A_599 = arith.maximumf %max3A_528, %max3A_597 : vector<16xf32>
        %min3A_600 = arith.minimumf %max3A_528, %max3A_597 : vector<16xf32>
        %max3A_601 = arith.maximumf %max3A_531, %min3A_598 : vector<16xf32>
        %max3A_602 = arith.maximumf %min3A_600, %max3A_601 : vector<16xf32>
        %min3A_603 = arith.minimumf %max3A_531, %min3A_598 : vector<16xf32>
        %min3A_604 = arith.minimumf %min3A_600, %max3A_601 : vector<16xf32>
        %max3A_605 = arith.maximumf %min3A_603, %max3A_535 : vector<16xf32>
        %max3A_606 = arith.maximumf %min3A_604, %max3A_605 : vector<16xf32>
        %min3A_607 = arith.minimumf %min3A_536, %min3A_598 : vector<16xf32>
        %max3A_608 = arith.maximumf %min3A_536, %min3A_598 : vector<16xf32>
        %min3A_609 = arith.minimumf %min3A_539, %max3A_597 : vector<16xf32>
        %min3A_610 = arith.minimumf %max3A_608, %min3A_609 : vector<16xf32>
        %max3A_611 = arith.maximumf %min3A_539, %max3A_597 : vector<16xf32>
        %max3A_612 = arith.maximumf %max3A_608, %min3A_609 : vector<16xf32>
        %min3A_613 = arith.minimumf %max3A_611, %min3A_543 : vector<16xf32>
        %min3A_614 = arith.minimumf %max3A_612, %min3A_613 : vector<16xf32>
        %scan3A_615 = arith.constant 3 : i32
        %scan3A_616 = arith.addi %scan3A_394, %scan3A_615 : i32
        %mul3A_617 = arith.constant 2 : i32
        %mul3A_618 = arith.muli %mul3A_617, %scan3A_616 : i32
        %add3A_619 = vector.broadcast %mul3A_618 : i32 to vector<16xi32>
        %add3A_620 = arith.addi %mul3A_8, %add3A_619 : vector<16xi32>
        %and3A_621 = arith.constant 127 : i32
        %and3A_622 = vector.broadcast %and3A_621 : i32 to vector<16xi32>
        %and3A_623 = arith.andi %add3A_620, %and3A_622 : vector<16xi32>
        %mul3A_624 = arith.constant 2 : i32
        %mul3A_625 = arith.muli %mul3A_624, %scan3A_616 : i32
        %add3A_626 = vector.broadcast %mul3A_625 : i32 to vector<16xi32>
        %add3A_627 = arith.addi %mul3A_8, %add3A_626 : vector<16xi32>
        %add3A_628 = arith.constant 1 : i32
        %add3A_629 = vector.broadcast %add3A_628 : i32 to vector<16xi32>
        %add3A_630 = arith.addi %add3A_627, %add3A_629 : vector<16xi32>
        %and3A_631 = arith.constant 127 : i32
        %and3A_632 = vector.broadcast %and3A_631 : i32 to vector<16xi32>
        %and3A_633 = arith.andi %add3A_630, %and3A_632 : vector<16xi32>
        %gather3A_634 = tpu.vector_load_idx %arg4[%add3A_112, %and3A_623] : memref<16x128xf32, #tpu.memory_space<vmem>>[vector<16xi32>, vector<16xi32>], vector<16xf32>,
        %gather3A_635 = tpu.vector_load_idx %arg5[%add3A_112, %and3A_623] : memref<16x128xf32, #tpu.memory_space<vmem>>[vector<16xi32>, vector<16xi32>], vector<16xf32>,
        %gather3A_636 = tpu.vector_load_idx %arg4[%add3A_112, %and3A_633] : memref<16x128xf32, #tpu.memory_space<vmem>>[vector<16xi32>, vector<16xi32>], vector<16xf32>,
        %gather3A_637 = tpu.vector_load_idx %arg5[%add3A_112, %and3A_633] : memref<16x128xf32, #tpu.memory_space<vmem>>[vector<16xi32>, vector<16xi32>], vector<16xf32>,
        %mul3A_638 = arith.mulf %gather3A_634, %sub3A : vector<16xf32>
        %mul3A_639 = arith.mulf %gather3A_635, %sub3A_137 : vector<16xf32>
        %add3A_640 = arith.addf %mul3A_638, %mul3A_639 : vector<16xf32>
        %mul3A_641 = arith.mulf %gather3A_634, %sub3A_137 : vector<16xf32>
        %mul3A_642 = arith.mulf %gather3A_635, %sub3A : vector<16xf32>
        %sub3A_643 = arith.subf %mul3A_641, %mul3A_642 : vector<16xf32>
        %mul3A_644 = arith.mulf %gather3A_636, %sub3A : vector<16xf32>
        %mul3A_645 = arith.mulf %gather3A_637, %sub3A_137 : vector<16xf32>
        %add3A_646 = arith.addf %mul3A_644, %mul3A_645 : vector<16xf32>
        %mul3A_647 = arith.mulf %gather3A_636, %sub3A_137 : vector<16xf32>
        %mul3A_648 = arith.mulf %gather3A_637, %sub3A : vector<16xf32>
        %sub3A_649 = arith.subf %mul3A_647, %mul3A_648 : vector<16xf32>
        %max3A_650 = arith.maximumf %add3A_640, %add3A_646 : vector<16xf32>
        %min3A_651 = arith.minimumf %add3A_640, %add3A_646 : vector<16xf32>
        %max3A_652 = arith.maximumf %max3A_581, %max3A_650 : vector<16xf32>
        %min3A_653 = arith.minimumf %max3A_581, %max3A_650 : vector<16xf32>
        %max3A_654 = arith.maximumf %max3A_584, %min3A_651 : vector<16xf32>
        %max3A_655 = arith.maximumf %min3A_653, %max3A_654 : vector<16xf32>
        %min3A_656 = arith.minimumf %max3A_584, %min3A_651 : vector<16xf32>
        %min3A_657 = arith.minimumf %min3A_653, %max3A_654 : vector<16xf32>
        %max3A_658 = arith.maximumf %min3A_656, %max3A_588 : vector<16xf32>
        %max3A_659 = arith.maximumf %min3A_657, %max3A_658 : vector<16xf32>
        %min3A_660 = arith.minimumf %min3A_589, %min3A_651 : vector<16xf32>
        %max3A_661 = arith.maximumf %min3A_589, %min3A_651 : vector<16xf32>
        %min3A_662 = arith.minimumf %min3A_592, %max3A_650 : vector<16xf32>
        %min3A_663 = arith.minimumf %max3A_661, %min3A_662 : vector<16xf32>
        %max3A_664 = arith.maximumf %min3A_592, %max3A_650 : vector<16xf32>
        %max3A_665 = arith.maximumf %max3A_661, %min3A_662 : vector<16xf32>
        %min3A_666 = arith.minimumf %max3A_664, %min3A_596 : vector<16xf32>
        %min3A_667 = arith.minimumf %max3A_665, %min3A_666 : vector<16xf32>
        %max3A_668 = arith.maximumf %sub3A_643, %sub3A_649 : vector<16xf32>
        %min3A_669 = arith.minimumf %sub3A_643, %sub3A_649 : vector<16xf32>
        %max3A_670 = arith.maximumf %max3A_599, %max3A_668 : vector<16xf32>
        %min3A_671 = arith.minimumf %max3A_599, %max3A_668 : vector<16xf32>
        %max3A_672 = arith.maximumf %max3A_602, %min3A_669 : vector<16xf32>
        %max3A_673 = arith.maximumf %min3A_671, %max3A_672 : vector<16xf32>
        %min3A_674 = arith.minimumf %max3A_602, %min3A_669 : vector<16xf32>
        %min3A_675 = arith.minimumf %min3A_671, %max3A_672 : vector<16xf32>
        %max3A_676 = arith.maximumf %min3A_674, %max3A_606 : vector<16xf32>
        %max3A_677 = arith.maximumf %min3A_675, %max3A_676 : vector<16xf32>
        %min3A_678 = arith.minimumf %min3A_607, %min3A_669 : vector<16xf32>
        %max3A_679 = arith.maximumf %min3A_607, %min3A_669 : vector<16xf32>
        %min3A_680 = arith.minimumf %min3A_610, %max3A_668 : vector<16xf32>
        %min3A_681 = arith.minimumf %max3A_679, %min3A_680 : vector<16xf32>
        %max3A_682 = arith.maximumf %min3A_610, %max3A_668 : vector<16xf32>
        %max3A_683 = arith.maximumf %max3A_679, %min3A_680 : vector<16xf32>
        %min3A_684 = arith.minimumf %max3A_682, %min3A_614 : vector<16xf32>
        %min3A_685 = arith.minimumf %max3A_683, %min3A_684 : vector<16xf32>
        scf.yield %max3A_652, %max3A_655, %max3A_659, %min3A_660, %min3A_663, %min3A_667, %max3A_670, %max3A_673, %max3A_677, %min3A_678, %min3A_681, %min3A_685 : vector<16xf32>, vector<16xf32>, vector<16xf32>, vector<16xf32>, vector<16xf32>, vector<16xf32>, vector<16xf32>, vector<16xf32>, vector<16xf32>, vector<16xf32>, vector<16xf32>, vector<16xf32>
      }
      %scan3A_161 = arith.constant 64 : i32
      %sub3A_162 = arith.subf %scan3A_160#0, %scan3A_160#3 : vector<16xf32>
      %mul3A_163 = arith.constant 0.571428597 : f32
      %mul3A_164 = vector.broadcast %mul3A_163 : f32 to vector<16xf32>
      %mul3A_165 = arith.mulf %mul3A_164, %sub3A_162 : vector<16xf32>
      %sub3A_166 = arith.subf %scan3A_160#1, %scan3A_160#4 : vector<16xf32>
      %mul3A_167 = arith.constant 0.285714298 : f32
      %mul3A_168 = vector.broadcast %mul3A_167 : f32 to vector<16xf32>
      %mul3A_169 = arith.mulf %mul3A_168, %sub3A_166 : vector<16xf32>
      %add3A_170 = arith.addf %mul3A_165, %mul3A_169 : vector<16xf32>
      %sub3A_171 = arith.subf %scan3A_160#2, %scan3A_160#5 : vector<16xf32>
      %mul3A_172 = arith.constant 0.142857149 : f32
      %mul3A_173 = vector.broadcast %mul3A_172 : f32 to vector<16xf32>
      %mul3A_174 = arith.mulf %mul3A_173, %sub3A_171 : vector<16xf32>
      %add3A_175 = arith.addf %add3A_170, %mul3A_174 : vector<16xf32>
      %sub3A_176 = arith.subf %scan3A_160#6, %scan3A_160#9 : vector<16xf32>
      %mul3A_177 = arith.constant 0.571428597 : f32
      %mul3A_178 = vector.broadcast %mul3A_177 : f32 to vector<16xf32>
      %mul3A_179 = arith.mulf %mul3A_178, %sub3A_176 : vector<16xf32>
      %sub3A_180 = arith.subf %scan3A_160#7, %scan3A_160#10 : vector<16xf32>
      %mul3A_181 = arith.constant 0.285714298 : f32
      %mul3A_182 = vector.broadcast %mul3A_181 : f32 to vector<16xf32>
      %mul3A_183 = arith.mulf %mul3A_182, %sub3A_180 : vector<16xf32>
      %add3A_184 = arith.addf %mul3A_179, %mul3A_183 : vector<16xf32>
      %sub3A_185 = arith.subf %scan3A_160#8, %scan3A_160#11 : vector<16xf32>
      %mul3A_186 = arith.constant 0.142857149 : f32
      %mul3A_187 = vector.broadcast %mul3A_186 : f32 to vector<16xf32>
      %mul3A_188 = arith.mulf %mul3A_187, %sub3A_185 : vector<16xf32>
      %add3A_189 = arith.addf %add3A_184, %mul3A_188 : vector<16xf32>
      %sub3A_190 = arith.subf %scan3A_125#3, %scan3A_125#6 : vector<16xf32>
      %mul3A_191 = arith.constant 0.571428597 : f32
      %mul3A_192 = vector.broadcast %mul3A_191 : f32 to vector<16xf32>
      %mul3A_193 = arith.mulf %mul3A_192, %sub3A_190 : vector<16xf32>
      %sub3A_194 = arith.subf %scan3A_125#4, %scan3A_125#7 : vector<16xf32>
      %mul3A_195 = arith.constant 0.285714298 : f32
      %mul3A_196 = vector.broadcast %mul3A_195 : f32 to vector<16xf32>
      %mul3A_197 = arith.mulf %mul3A_196, %sub3A_194 : vector<16xf32>
      %add3A_198 = arith.addf %mul3A_193, %mul3A_197 : vector<16xf32>
      %sub3A_199 = arith.subf %scan3A_125#5, %scan3A_125#8 : vector<16xf32>
      %mul3A_200 = arith.constant 0.142857149 : f32
      %mul3A_201 = vector.broadcast %mul3A_200 : f32 to vector<16xf32>
      %mul3A_202 = arith.mulf %mul3A_201, %sub3A_199 : vector<16xf32>
      %add3A_203 = arith.addf %add3A_198, %mul3A_202 : vector<16xf32>
      %mul3A_204 = arith.constant 16 : i32
      %mul3A_205 = arith.muli %mul3A_55, %mul3A_204 : i32
      %add3A_206 = arith.constant 0 : i32
      %add3A_207 = arith.addi %mul3A_205, %add3A_206 : i32
      %add3A_208 = arith.constant 0 : i32
      %add3A_209 = arith.addi %add3A_208, %add3A_207 : i32
      %swap3A = arith.index_cast %add3A_209 : i32 to index
      %swap3A_210 = tpu.vector_load %arg10[%swap3A] {strides = array<i32>} : memref<16384xf32, #tpu.memory_space<vmem>>, vector<16xf32>,
      tpu.vector_store %arg10[%swap3A], %mul3A_129 {strides = array<i32>} : memref<16384xf32, #tpu.memory_space<vmem>>, vector<16xf32>,
      %add3A_211 = arith.constant 2048 : i32
      %add3A_212 = arith.addi %add3A_211, %add3A_207 : i32
      %swap3A_213 = arith.index_cast %add3A_212 : i32 to index
      %swap3A_214 = tpu.vector_load %arg10[%swap3A_213] {strides = array<i32>} : memref<16384xf32, #tpu.memory_space<vmem>>, vector<16xf32>,
      tpu.vector_store %arg10[%swap3A_213], %mul3A_132 {strides = array<i32>} : memref<16384xf32, #tpu.memory_space<vmem>>, vector<16xf32>,
      %add3A_215 = arith.constant 4096 : i32
      %add3A_216 = arith.addi %add3A_215, %add3A_207 : i32
      %swap3A_217 = arith.index_cast %add3A_216 : i32 to index
      %swap3A_218 = tpu.vector_load %arg10[%swap3A_217] {strides = array<i32>} : memref<16384xf32, #tpu.memory_space<vmem>>, vector<16xf32>,
      tpu.vector_store %arg10[%swap3A_217], %mul3A_135 {strides = array<i32>} : memref<16384xf32, #tpu.memory_space<vmem>>, vector<16xf32>,
      %add3A_219 = arith.constant 6144 : i32
      %add3A_220 = arith.addi %add3A_219, %add3A_207 : i32
      %swap3A_221 = arith.index_cast %add3A_220 : i32 to index
      %swap3A_222 = tpu.vector_load %arg10[%swap3A_221] {strides = array<i32>} : memref<16384xf32, #tpu.memory_space<vmem>>, vector<16xf32>,
      tpu.vector_store %arg10[%swap3A_221], %sub3A {strides = array<i32>} : memref<16384xf32, #tpu.memory_space<vmem>>, vector<16xf32>,
      %add3A_223 = arith.constant 8192 : i32
      %add3A_224 = arith.addi %add3A_223, %add3A_207 : i32
      %swap3A_225 = arith.index_cast %add3A_224 : i32 to index
      %swap3A_226 = tpu.vector_load %arg10[%swap3A_225] {strides = array<i32>} : memref<16384xf32, #tpu.memory_space<vmem>>, vector<16xf32>,
      tpu.vector_store %arg10[%swap3A_225], %sub3A_137 {strides = array<i32>} : memref<16384xf32, #tpu.memory_space<vmem>>, vector<16xf32>,
      %add3A_227 = arith.constant 10240 : i32
      %add3A_228 = arith.addi %add3A_227, %add3A_207 : i32
      %swap3A_229 = arith.index_cast %add3A_228 : i32 to index
      %swap3A_230 = tpu.vector_load %arg10[%swap3A_229] {strides = array<i32>} : memref<16384xf32, #tpu.memory_space<vmem>>, vector<16xf32>,
      tpu.vector_store %arg10[%swap3A_229], %add3A_175 {strides = array<i32>} : memref<16384xf32, #tpu.memory_space<vmem>>, vector<16xf32>,
      %add3A_231 = arith.constant 12288 : i32
      %add3A_232 = arith.addi %add3A_231, %add3A_207 : i32
      %swap3A_233 = arith.index_cast %add3A_232 : i32 to index
      %swap3A_234 = tpu.vector_load %arg10[%swap3A_233] {strides = array<i32>} : memref<16384xf32, #tpu.memory_space<vmem>>, vector<16xf32>,
      tpu.vector_store %arg10[%swap3A_233], %add3A_189 {strides = array<i32>} : memref<16384xf32, #tpu.memory_space<vmem>>, vector<16xf32>,
      %add3A_235 = arith.constant 14336 : i32
      %add3A_236 = arith.addi %add3A_235, %add3A_207 : i32
      %swap3A_237 = arith.index_cast %add3A_236 : i32 to index
      %swap3A_238 = tpu.vector_load %arg10[%swap3A_237] {strides = array<i32>} : memref<16384xf32, #tpu.memory_space<vmem>>, vector<16xf32>,
      tpu.vector_store %arg10[%swap3A_237], %add3A_203 {strides = array<i32>} : memref<16384xf32, #tpu.memory_space<vmem>>, vector<16xf32>,
      %lt3A = arith.constant 63 : i32
      %lt3A_239 = arith.cmpi slt, %scan3A_53, %lt3A : i32
      %convert_element_type3A = arith.extui %lt3A_239 : i1 to i32
      %cond3A = arith.constant 0 : i32
      %cond3A_240 = arith.cmpi ne, %convert_element_type3A, %cond3A : i32
      scf.if %cond3A_240 {
        %add3A_394 = arith.constant 2 : i32
        %add3A_395 = arith.addi %mul3A_55, %add3A_394 : i32
        %mul3A_396 = arith.constant 16 : i32
        %mul3A_397 = arith.muli %add3A_395, %mul3A_396 : i32
        %mul3A_398 = arith.constant 3 : i32
        %mul3A_399 = arith.muli %add3A, %mul3A_398 : i32
        %add3A_400 = arith.constant 0 : i32
        %add3A_401 = arith.addi %mul3A_399, %add3A_400 : i32
        %mul3A_402 = arith.constant 2048 : i32
        %mul3A_403 = arith.muli %add3A_401, %mul3A_402 : i32
        %add3A_404 = arith.addi %mul3A_403, %mul3A_397 : i32
        %dma_start3A_405 = arith.constant 0 : i32
        %dma_start3A_406 = tpu.memref_slice %arg2[%add3A_404, %dma_start3A_405] : memref<196608x128xf32, #tpu.memory_space<hbm>> -> memref<16x128xf32, #tpu.memory_space<hbm>>
        %dma_start3A_407 = arith.constant 0 : i32
        %dma_start3A_408 = tpu.memref_slice %arg2[%add3A_404, %dma_start3A_407] : memref<196608x128xf32, #tpu.memory_space<hbm>> -> memref<16x128xf32, #tpu.memory_space<hbm>>
        tpu.enqueue_dma source(%dma_start3A_408 : memref<16x128xf32, #tpu.memory_space<hbm>>) target(%arg4 : memref<16x128xf32, #tpu.memory_space<vmem>>) target_semaphore(%arg11 : memref<!tpu.dma_semaphore, #tpu.memory_space<semaphore_mem>>)
        %mul3A_409 = arith.constant 3 : i32
        %mul3A_410 = arith.muli %add3A, %mul3A_409 : i32
        %add3A_411 = arith.constant 1 : i32
        %add3A_412 = arith.addi %mul3A_410, %add3A_411 : i32
        %mul3A_413 = arith.constant 2048 : i32
        %mul3A_414 = arith.muli %add3A_412, %mul3A_413 : i32
        %add3A_415 = arith.addi %mul3A_414, %mul3A_397 : i32
        %dma_start3A_416 = arith.constant 0 : i32
        %dma_start3A_417 = tpu.memref_slice %arg2[%add3A_415, %dma_start3A_416] : memref<196608x128xf32, #tpu.memory_space<hbm>> -> memref<16x128xf32, #tpu.memory_space<hbm>>
        %dma_start3A_418 = arith.constant 0 : i32
        %dma_start3A_419 = tpu.memref_slice %arg2[%add3A_415, %dma_start3A_418] : memref<196608x128xf32, #tpu.memory_space<hbm>> -> memref<16x128xf32, #tpu.memory_space<hbm>>
        tpu.enqueue_dma source(%dma_start3A_419 : memref<16x128xf32, #tpu.memory_space<hbm>>) target(%arg5 : memref<16x128xf32, #tpu.memory_space<vmem>>) target_semaphore(%arg11 : memref<!tpu.dma_semaphore, #tpu.memory_space<semaphore_mem>>)
        %mul3A_420 = arith.constant 3 : i32
        %mul3A_421 = arith.muli %add3A, %mul3A_420 : i32
        %add3A_422 = arith.constant 2 : i32
        %add3A_423 = arith.addi %mul3A_421, %add3A_422 : i32
        %mul3A_424 = arith.constant 2048 : i32
        %mul3A_425 = arith.muli %add3A_423, %mul3A_424 : i32
        %add3A_426 = arith.addi %mul3A_425, %mul3A_397 : i32
        %dma_start3A_427 = arith.constant 0 : i32
        %dma_start3A_428 = tpu.memref_slice %arg2[%add3A_426, %dma_start3A_427] : memref<196608x128xf32, #tpu.memory_space<hbm>> -> memref<16x128xf32, #tpu.memory_space<hbm>>
        %dma_start3A_429 = arith.constant 0 : i32
        %dma_start3A_430 = tpu.memref_slice %arg2[%add3A_426, %dma_start3A_429] : memref<196608x128xf32, #tpu.memory_space<hbm>> -> memref<16x128xf32, #tpu.memory_space<hbm>>
        tpu.enqueue_dma source(%dma_start3A_430 : memref<16x128xf32, #tpu.memory_space<hbm>>) target(%arg6 : memref<16x128xf32, #tpu.memory_space<vmem>>) target_semaphore(%arg11 : memref<!tpu.dma_semaphore, #tpu.memory_space<semaphore_mem>>)
      } else {
      }
      %dma_wait3A_241 = arith.constant 0 : i32
      %dma_wait3A_242 = arith.constant 0 : i32
      %dma_wait3A_243 = tpu.memref_slice %arg2[%dma_wait3A_241, %dma_wait3A_242] : memref<196608x128xf32, #tpu.memory_space<hbm>> -> memref<16x128xf32, #tpu.memory_space<hbm>>
      %dma_wait3A_244 = arith.constant 0 : i32
      %dma_wait3A_245 = arith.constant 0 : i32
      %dma_wait3A_246 = tpu.memref_slice %arg2[%dma_wait3A_244, %dma_wait3A_245] : memref<196608x128xf32, #tpu.memory_space<hbm>> -> memref<16x128xf32, #tpu.memory_space<hbm>>
      tpu.wait_dma2 semaphore(%arg12 : memref<!tpu.dma_semaphore, #tpu.memory_space<semaphore_mem>>) src(%dma_wait3A_246 : memref<16x128xf32, #tpu.memory_space<hbm>>) dst(%arg7 : memref<16x128xf32, #tpu.memory_space<vmem>>)
      %dma_wait3A_247 = arith.constant 0 : i32
      %dma_wait3A_248 = arith.constant 0 : i32
      %dma_wait3A_249 = tpu.memref_slice %arg2[%dma_wait3A_247, %dma_wait3A_248] : memref<196608x128xf32, #tpu.memory_space<hbm>> -> memref<16x128xf32, #tpu.memory_space<hbm>>
      %dma_wait3A_250 = arith.constant 0 : i32
      %dma_wait3A_251 = arith.constant 0 : i32
      %dma_wait3A_252 = tpu.memref_slice %arg2[%dma_wait3A_250, %dma_wait3A_251] : memref<196608x128xf32, #tpu.memory_space<hbm>> -> memref<16x128xf32, #tpu.memory_space<hbm>>
      tpu.wait_dma2 semaphore(%arg12 : memref<!tpu.dma_semaphore, #tpu.memory_space<semaphore_mem>>) src(%dma_wait3A_252 : memref<16x128xf32, #tpu.memory_space<hbm>>) dst(%arg8 : memref<16x128xf32, #tpu.memory_space<vmem>>)
      %dma_wait3A_253 = arith.constant 0 : i32
      %dma_wait3A_254 = arith.constant 0 : i32
      %dma_wait3A_255 = tpu.memref_slice %arg2[%dma_wait3A_253, %dma_wait3A_254] : memref<196608x128xf32, #tpu.memory_space<hbm>> -> memref<16x128xf32, #tpu.memory_space<hbm>>
      %dma_wait3A_256 = arith.constant 0 : i32
      %dma_wait3A_257 = arith.constant 0 : i32
      %dma_wait3A_258 = tpu.memref_slice %arg2[%dma_wait3A_256, %dma_wait3A_257] : memref<196608x128xf32, #tpu.memory_space<hbm>> -> memref<16x128xf32, #tpu.memory_space<hbm>>
      tpu.wait_dma2 semaphore(%arg12 : memref<!tpu.dma_semaphore, #tpu.memory_space<semaphore_mem>>) src(%dma_wait3A_258 : memref<16x128xf32, #tpu.memory_space<hbm>>) dst(%arg9 : memref<16x128xf32, #tpu.memory_space<vmem>>)
      %add3A_259 = arith.constant 1 : i32
      %add3A_260 = arith.addi %mul3A_55, %add3A_259 : i32
      %add3A_261 = arith.constant 0 : i32
      %add3A_262 = vector.broadcast %add3A_261 : i32 to vector<16xi32>
      %add3A_263 = arith.addi %iota3A, %add3A_262 : vector<16xi32>
      %neg3A_264 = arith.constant 0.000000e+00 : f32
      %neg3A_265 = vector.broadcast %neg3A_264 : f32 to vector<16xf32>
      %neg3A_266 = arith.subf %neg3A_265, %broadcast_in_dim3A_1 : vector<16xf32>
      %neg3A_267 = arith.constant 0.000000e+00 : f32
      %neg3A_268 = vector.broadcast %neg3A_267 : f32 to vector<16xf32>
      %neg3A_269 = arith.subf %neg3A_268, %broadcast_in_dim3A_1 : vector<16xf32>
      %neg3A_270 = arith.constant 0.000000e+00 : f32
      %neg3A_271 = vector.broadcast %neg3A_270 : f32 to vector<16xf32>
      %neg3A_272 = arith.subf %neg3A_271, %broadcast_in_dim3A_1 : vector<16xf32>
      %scan3A_273 = arith.constant 0 : i32
      %scan3A_274 = arith.constant 64 : i32
      %scan3A_275 = arith.addi %scan3A_273, %scan3A_274 : i32
      %scan3A_276 = arith.constant 4 : i32
      %scan3A_277:9 = scf.for %scan3A_394 = %scan3A_273 to %scan3A_275 step %scan3A_276 iter_args(%scan3A_395 = %broadcast_in_dim3A_3, %scan3A_396 = %broadcast_in_dim3A_3, %scan3A_397 = %broadcast_in_dim3A_3, %scan3A_398 = %neg3A_266, %scan3A_399 = %neg3A_269, %scan3A_400 = %neg3A_272, %scan3A_401 = %broadcast_in_dim3A_1, %scan3A_402 = %broadcast_in_dim3A_1, %scan3A_403 = %broadcast_in_dim3A_1) -> (vector<16xf32>, vector<16xf32>, vector<16xf32>, vector<16xf32>, vector<16xf32>, vector<16xf32>, vector<16xf32>, vector<16xf32>, vector<16xf32>)  : i32 {
        %mul3A_404 = arith.constant 2 : i32
        %mul3A_405 = arith.muli %mul3A_404, %scan3A_394 : i32
        %add3A_406 = vector.broadcast %mul3A_405 : i32 to vector<16xi32>
        %add3A_407 = arith.addi %mul3A_8, %add3A_406 : vector<16xi32>
        %and3A = arith.constant 127 : i32
        %and3A_408 = vector.broadcast %and3A : i32 to vector<16xi32>
        %and3A_409 = arith.andi %add3A_407, %and3A_408 : vector<16xi32>
        %mul3A_410 = arith.constant 2 : i32
        %mul3A_411 = arith.muli %mul3A_410, %scan3A_394 : i32
        %add3A_412 = vector.broadcast %mul3A_411 : i32 to vector<16xi32>
        %add3A_413 = arith.addi %mul3A_8, %add3A_412 : vector<16xi32>
        %add3A_414 = arith.constant 1 : i32
        %add3A_415 = vector.broadcast %add3A_414 : i32 to vector<16xi32>
        %add3A_416 = arith.addi %add3A_413, %add3A_415 : vector<16xi32>
        %and3A_417 = arith.constant 127 : i32
        %and3A_418 = vector.broadcast %and3A_417 : i32 to vector<16xi32>
        %and3A_419 = arith.andi %add3A_416, %and3A_418 : vector<16xi32>
        %gather3A_420 = tpu.vector_load_idx %arg7[%add3A_263, %and3A_409] : memref<16x128xf32, #tpu.memory_space<vmem>>[vector<16xi32>, vector<16xi32>], vector<16xf32>,
        %gather3A_421 = tpu.vector_load_idx %arg8[%add3A_263, %and3A_409] : memref<16x128xf32, #tpu.memory_space<vmem>>[vector<16xi32>, vector<16xi32>], vector<16xf32>,
        %gather3A_422 = tpu.vector_load_idx %arg9[%add3A_263, %and3A_409] : memref<16x128xf32, #tpu.memory_space<vmem>>[vector<16xi32>, vector<16xi32>], vector<16xf32>,
        %gather3A_423 = tpu.vector_load_idx %arg7[%add3A_263, %and3A_419] : memref<16x128xf32, #tpu.memory_space<vmem>>[vector<16xi32>, vector<16xi32>], vector<16xf32>,
        %gather3A_424 = tpu.vector_load_idx %arg8[%add3A_263, %and3A_419] : memref<16x128xf32, #tpu.memory_space<vmem>>[vector<16xi32>, vector<16xi32>], vector<16xf32>,
        %gather3A_425 = tpu.vector_load_idx %arg9[%add3A_263, %and3A_419] : memref<16x128xf32, #tpu.memory_space<vmem>>[vector<16xi32>, vector<16xi32>], vector<16xf32>,
        %max3A = arith.maximumf %gather3A_422, %gather3A_425 : vector<16xf32>
        %min3A = arith.minimumf %gather3A_422, %gather3A_425 : vector<16xf32>
        %max3A_426 = arith.maximumf %scan3A_398, %max3A : vector<16xf32>
        %min3A_427 = arith.minimumf %scan3A_398, %max3A : vector<16xf32>
        %max3A_428 = arith.maximumf %scan3A_399, %min3A : vector<16xf32>
        %max3A_429 = arith.maximumf %min3A_427, %max3A_428 : vector<16xf32>
        %min3A_430 = arith.minimumf %scan3A_399, %min3A : vector<16xf32>
        %min3A_431 = arith.minimumf %min3A_427, %max3A_428 : vector<16xf32>
        %max3A_432 = arith.maximumf %min3A_430, %scan3A_400 : vector<16xf32>
        %max3A_433 = arith.maximumf %min3A_431, %max3A_432 : vector<16xf32>
        %min3A_434 = arith.minimumf %scan3A_401, %min3A : vector<16xf32>
        %max3A_435 = arith.maximumf %scan3A_401, %min3A : vector<16xf32>
        %min3A_436 = arith.minimumf %scan3A_402, %max3A : vector<16xf32>
        %min3A_437 = arith.minimumf %max3A_435, %min3A_436 : vector<16xf32>
        %max3A_438 = arith.maximumf %scan3A_402, %max3A : vector<16xf32>
        %max3A_439 = arith.maximumf %max3A_435, %min3A_436 : vector<16xf32>
        %min3A_440 = arith.minimumf %max3A_438, %scan3A_403 : vector<16xf32>
        %min3A_441 = arith.minimumf %max3A_439, %min3A_440 : vector<16xf32>
        %add3A_442 = arith.addf %gather3A_420, %gather3A_423 : vector<16xf32>
        %add3A_443 = arith.addf %scan3A_395, %add3A_442 : vector<16xf32>
        %add3A_444 = arith.addf %gather3A_421, %gather3A_424 : vector<16xf32>
        %add3A_445 = arith.addf %scan3A_396, %add3A_444 : vector<16xf32>
        %add3A_446 = arith.addf %gather3A_422, %gather3A_425 : vector<16xf32>
        %add3A_447 = arith.addf %scan3A_397, %add3A_446 : vector<16xf32>
        %scan3A_448 = arith.constant 1 : i32
        %scan3A_449 = arith.addi %scan3A_394, %scan3A_448 : i32
        %mul3A_450 = arith.constant 2 : i32
        %mul3A_451 = arith.muli %mul3A_450, %scan3A_449 : i32
        %add3A_452 = vector.broadcast %mul3A_451 : i32 to vector<16xi32>
        %add3A_453 = arith.addi %mul3A_8, %add3A_452 : vector<16xi32>
        %and3A_454 = arith.constant 127 : i32
        %and3A_455 = vector.broadcast %and3A_454 : i32 to vector<16xi32>
        %and3A_456 = arith.andi %add3A_453, %and3A_455 : vector<16xi32>
        %mul3A_457 = arith.constant 2 : i32
        %mul3A_458 = arith.muli %mul3A_457, %scan3A_449 : i32
        %add3A_459 = vector.broadcast %mul3A_458 : i32 to vector<16xi32>
        %add3A_460 = arith.addi %mul3A_8, %add3A_459 : vector<16xi32>
        %add3A_461 = arith.constant 1 : i32
        %add3A_462 = vector.broadcast %add3A_461 : i32 to vector<16xi32>
        %add3A_463 = arith.addi %add3A_460, %add3A_462 : vector<16xi32>
        %and3A_464 = arith.constant 127 : i32
        %and3A_465 = vector.broadcast %and3A_464 : i32 to vector<16xi32>
        %and3A_466 = arith.andi %add3A_463, %and3A_465 : vector<16xi32>
        %gather3A_467 = tpu.vector_load_idx %arg7[%add3A_263, %and3A_456] : memref<16x128xf32, #tpu.memory_space<vmem>>[vector<16xi32>, vector<16xi32>], vector<16xf32>,
        %gather3A_468 = tpu.vector_load_idx %arg8[%add3A_263, %and3A_456] : memref<16x128xf32, #tpu.memory_space<vmem>>[vector<16xi32>, vector<16xi32>], vector<16xf32>,
        %gather3A_469 = tpu.vector_load_idx %arg9[%add3A_263, %and3A_456] : memref<16x128xf32, #tpu.memory_space<vmem>>[vector<16xi32>, vector<16xi32>], vector<16xf32>,
        %gather3A_470 = tpu.vector_load_idx %arg7[%add3A_263, %and3A_466] : memref<16x128xf32, #tpu.memory_space<vmem>>[vector<16xi32>, vector<16xi32>], vector<16xf32>,
        %gather3A_471 = tpu.vector_load_idx %arg8[%add3A_263, %and3A_466] : memref<16x128xf32, #tpu.memory_space<vmem>>[vector<16xi32>, vector<16xi32>], vector<16xf32>,
        %gather3A_472 = tpu.vector_load_idx %arg9[%add3A_263, %and3A_466] : memref<16x128xf32, #tpu.memory_space<vmem>>[vector<16xi32>, vector<16xi32>], vector<16xf32>,
        %max3A_473 = arith.maximumf %gather3A_469, %gather3A_472 : vector<16xf32>
        %min3A_474 = arith.minimumf %gather3A_469, %gather3A_472 : vector<16xf32>
        %max3A_475 = arith.maximumf %max3A_426, %max3A_473 : vector<16xf32>
        %min3A_476 = arith.minimumf %max3A_426, %max3A_473 : vector<16xf32>
        %max3A_477 = arith.maximumf %max3A_429, %min3A_474 : vector<16xf32>
        %max3A_478 = arith.maximumf %min3A_476, %max3A_477 : vector<16xf32>
        %min3A_479 = arith.minimumf %max3A_429, %min3A_474 : vector<16xf32>
        %min3A_480 = arith.minimumf %min3A_476, %max3A_477 : vector<16xf32>
        %max3A_481 = arith.maximumf %min3A_479, %max3A_433 : vector<16xf32>
        %max3A_482 = arith.maximumf %min3A_480, %max3A_481 : vector<16xf32>
        %min3A_483 = arith.minimumf %min3A_434, %min3A_474 : vector<16xf32>
        %max3A_484 = arith.maximumf %min3A_434, %min3A_474 : vector<16xf32>
        %min3A_485 = arith.minimumf %min3A_437, %max3A_473 : vector<16xf32>
        %min3A_486 = arith.minimumf %max3A_484, %min3A_485 : vector<16xf32>
        %max3A_487 = arith.maximumf %min3A_437, %max3A_473 : vector<16xf32>
        %max3A_488 = arith.maximumf %max3A_484, %min3A_485 : vector<16xf32>
        %min3A_489 = arith.minimumf %max3A_487, %min3A_441 : vector<16xf32>
        %min3A_490 = arith.minimumf %max3A_488, %min3A_489 : vector<16xf32>
        %add3A_491 = arith.addf %gather3A_467, %gather3A_470 : vector<16xf32>
        %add3A_492 = arith.addf %add3A_443, %add3A_491 : vector<16xf32>
        %add3A_493 = arith.addf %gather3A_468, %gather3A_471 : vector<16xf32>
        %add3A_494 = arith.addf %add3A_445, %add3A_493 : vector<16xf32>
        %add3A_495 = arith.addf %gather3A_469, %gather3A_472 : vector<16xf32>
        %add3A_496 = arith.addf %add3A_447, %add3A_495 : vector<16xf32>
        %scan3A_497 = arith.constant 2 : i32
        %scan3A_498 = arith.addi %scan3A_394, %scan3A_497 : i32
        %mul3A_499 = arith.constant 2 : i32
        %mul3A_500 = arith.muli %mul3A_499, %scan3A_498 : i32
        %add3A_501 = vector.broadcast %mul3A_500 : i32 to vector<16xi32>
        %add3A_502 = arith.addi %mul3A_8, %add3A_501 : vector<16xi32>
        %and3A_503 = arith.constant 127 : i32
        %and3A_504 = vector.broadcast %and3A_503 : i32 to vector<16xi32>
        %and3A_505 = arith.andi %add3A_502, %and3A_504 : vector<16xi32>
        %mul3A_506 = arith.constant 2 : i32
        %mul3A_507 = arith.muli %mul3A_506, %scan3A_498 : i32
        %add3A_508 = vector.broadcast %mul3A_507 : i32 to vector<16xi32>
        %add3A_509 = arith.addi %mul3A_8, %add3A_508 : vector<16xi32>
        %add3A_510 = arith.constant 1 : i32
        %add3A_511 = vector.broadcast %add3A_510 : i32 to vector<16xi32>
        %add3A_512 = arith.addi %add3A_509, %add3A_511 : vector<16xi32>
        %and3A_513 = arith.constant 127 : i32
        %and3A_514 = vector.broadcast %and3A_513 : i32 to vector<16xi32>
        %and3A_515 = arith.andi %add3A_512, %and3A_514 : vector<16xi32>
        %gather3A_516 = tpu.vector_load_idx %arg7[%add3A_263, %and3A_505] : memref<16x128xf32, #tpu.memory_space<vmem>>[vector<16xi32>, vector<16xi32>], vector<16xf32>,
        %gather3A_517 = tpu.vector_load_idx %arg8[%add3A_263, %and3A_505] : memref<16x128xf32, #tpu.memory_space<vmem>>[vector<16xi32>, vector<16xi32>], vector<16xf32>,
        %gather3A_518 = tpu.vector_load_idx %arg9[%add3A_263, %and3A_505] : memref<16x128xf32, #tpu.memory_space<vmem>>[vector<16xi32>, vector<16xi32>], vector<16xf32>,
        %gather3A_519 = tpu.vector_load_idx %arg7[%add3A_263, %and3A_515] : memref<16x128xf32, #tpu.memory_space<vmem>>[vector<16xi32>, vector<16xi32>], vector<16xf32>,
        %gather3A_520 = tpu.vector_load_idx %arg8[%add3A_263, %and3A_515] : memref<16x128xf32, #tpu.memory_space<vmem>>[vector<16xi32>, vector<16xi32>], vector<16xf32>,
        %gather3A_521 = tpu.vector_load_idx %arg9[%add3A_263, %and3A_515] : memref<16x128xf32, #tpu.memory_space<vmem>>[vector<16xi32>, vector<16xi32>], vector<16xf32>,
        %max3A_522 = arith.maximumf %gather3A_518, %gather3A_521 : vector<16xf32>
        %min3A_523 = arith.minimumf %gather3A_518, %gather3A_521 : vector<16xf32>
        %max3A_524 = arith.maximumf %max3A_475, %max3A_522 : vector<16xf32>
        %min3A_525 = arith.minimumf %max3A_475, %max3A_522 : vector<16xf32>
        %max3A_526 = arith.maximumf %max3A_478, %min3A_523 : vector<16xf32>
        %max3A_527 = arith.maximumf %min3A_525, %max3A_526 : vector<16xf32>
        %min3A_528 = arith.minimumf %max3A_478, %min3A_523 : vector<16xf32>
        %min3A_529 = arith.minimumf %min3A_525, %max3A_526 : vector<16xf32>
        %max3A_530 = arith.maximumf %min3A_528, %max3A_482 : vector<16xf32>
        %max3A_531 = arith.maximumf %min3A_529, %max3A_530 : vector<16xf32>
        %min3A_532 = arith.minimumf %min3A_483, %min3A_523 : vector<16xf32>
        %max3A_533 = arith.maximumf %min3A_483, %min3A_523 : vector<16xf32>
        %min3A_534 = arith.minimumf %min3A_486, %max3A_522 : vector<16xf32>
        %min3A_535 = arith.minimumf %max3A_533, %min3A_534 : vector<16xf32>
        %max3A_536 = arith.maximumf %min3A_486, %max3A_522 : vector<16xf32>
        %max3A_537 = arith.maximumf %max3A_533, %min3A_534 : vector<16xf32>
        %min3A_538 = arith.minimumf %max3A_536, %min3A_490 : vector<16xf32>
        %min3A_539 = arith.minimumf %max3A_537, %min3A_538 : vector<16xf32>
        %add3A_540 = arith.addf %gather3A_516, %gather3A_519 : vector<16xf32>
        %add3A_541 = arith.addf %add3A_492, %add3A_540 : vector<16xf32>
        %add3A_542 = arith.addf %gather3A_517, %gather3A_520 : vector<16xf32>
        %add3A_543 = arith.addf %add3A_494, %add3A_542 : vector<16xf32>
        %add3A_544 = arith.addf %gather3A_518, %gather3A_521 : vector<16xf32>
        %add3A_545 = arith.addf %add3A_496, %add3A_544 : vector<16xf32>
        %scan3A_546 = arith.constant 3 : i32
        %scan3A_547 = arith.addi %scan3A_394, %scan3A_546 : i32
        %mul3A_548 = arith.constant 2 : i32
        %mul3A_549 = arith.muli %mul3A_548, %scan3A_547 : i32
        %add3A_550 = vector.broadcast %mul3A_549 : i32 to vector<16xi32>
        %add3A_551 = arith.addi %mul3A_8, %add3A_550 : vector<16xi32>
        %and3A_552 = arith.constant 127 : i32
        %and3A_553 = vector.broadcast %and3A_552 : i32 to vector<16xi32>
        %and3A_554 = arith.andi %add3A_551, %and3A_553 : vector<16xi32>
        %mul3A_555 = arith.constant 2 : i32
        %mul3A_556 = arith.muli %mul3A_555, %scan3A_547 : i32
        %add3A_557 = vector.broadcast %mul3A_556 : i32 to vector<16xi32>
        %add3A_558 = arith.addi %mul3A_8, %add3A_557 : vector<16xi32>
        %add3A_559 = arith.constant 1 : i32
        %add3A_560 = vector.broadcast %add3A_559 : i32 to vector<16xi32>
        %add3A_561 = arith.addi %add3A_558, %add3A_560 : vector<16xi32>
        %and3A_562 = arith.constant 127 : i32
        %and3A_563 = vector.broadcast %and3A_562 : i32 to vector<16xi32>
        %and3A_564 = arith.andi %add3A_561, %and3A_563 : vector<16xi32>
        %gather3A_565 = tpu.vector_load_idx %arg7[%add3A_263, %and3A_554] : memref<16x128xf32, #tpu.memory_space<vmem>>[vector<16xi32>, vector<16xi32>], vector<16xf32>,
        %gather3A_566 = tpu.vector_load_idx %arg8[%add3A_263, %and3A_554] : memref<16x128xf32, #tpu.memory_space<vmem>>[vector<16xi32>, vector<16xi32>], vector<16xf32>,
        %gather3A_567 = tpu.vector_load_idx %arg9[%add3A_263, %and3A_554] : memref<16x128xf32, #tpu.memory_space<vmem>>[vector<16xi32>, vector<16xi32>], vector<16xf32>,
        %gather3A_568 = tpu.vector_load_idx %arg7[%add3A_263, %and3A_564] : memref<16x128xf32, #tpu.memory_space<vmem>>[vector<16xi32>, vector<16xi32>], vector<16xf32>,
        %gather3A_569 = tpu.vector_load_idx %arg8[%add3A_263, %and3A_564] : memref<16x128xf32, #tpu.memory_space<vmem>>[vector<16xi32>, vector<16xi32>], vector<16xf32>,
        %gather3A_570 = tpu.vector_load_idx %arg9[%add3A_263, %and3A_564] : memref<16x128xf32, #tpu.memory_space<vmem>>[vector<16xi32>, vector<16xi32>], vector<16xf32>,
        %max3A_571 = arith.maximumf %gather3A_567, %gather3A_570 : vector<16xf32>
        %min3A_572 = arith.minimumf %gather3A_567, %gather3A_570 : vector<16xf32>
        %max3A_573 = arith.maximumf %max3A_524, %max3A_571 : vector<16xf32>
        %min3A_574 = arith.minimumf %max3A_524, %max3A_571 : vector<16xf32>
        %max3A_575 = arith.maximumf %max3A_527, %min3A_572 : vector<16xf32>
        %max3A_576 = arith.maximumf %min3A_574, %max3A_575 : vector<16xf32>
        %min3A_577 = arith.minimumf %max3A_527, %min3A_572 : vector<16xf32>
        %min3A_578 = arith.minimumf %min3A_574, %max3A_575 : vector<16xf32>
        %max3A_579 = arith.maximumf %min3A_577, %max3A_531 : vector<16xf32>
        %max3A_580 = arith.maximumf %min3A_578, %max3A_579 : vector<16xf32>
        %min3A_581 = arith.minimumf %min3A_532, %min3A_572 : vector<16xf32>
        %max3A_582 = arith.maximumf %min3A_532, %min3A_572 : vector<16xf32>
        %min3A_583 = arith.minimumf %min3A_535, %max3A_571 : vector<16xf32>
        %min3A_584 = arith.minimumf %max3A_582, %min3A_583 : vector<16xf32>
        %max3A_585 = arith.maximumf %min3A_535, %max3A_571 : vector<16xf32>
        %max3A_586 = arith.maximumf %max3A_582, %min3A_583 : vector<16xf32>
        %min3A_587 = arith.minimumf %max3A_585, %min3A_539 : vector<16xf32>
        %min3A_588 = arith.minimumf %max3A_586, %min3A_587 : vector<16xf32>
        %add3A_589 = arith.addf %gather3A_565, %gather3A_568 : vector<16xf32>
        %add3A_590 = arith.addf %add3A_541, %add3A_589 : vector<16xf32>
        %add3A_591 = arith.addf %gather3A_566, %gather3A_569 : vector<16xf32>
        %add3A_592 = arith.addf %add3A_543, %add3A_591 : vector<16xf32>
        %add3A_593 = arith.addf %gather3A_567, %gather3A_570 : vector<16xf32>
        %add3A_594 = arith.addf %add3A_545, %add3A_593 : vector<16xf32>
        scf.yield %add3A_590, %add3A_592, %add3A_594, %max3A_573, %max3A_576, %max3A_580, %min3A_581, %min3A_584, %min3A_588 : vector<16xf32>, vector<16xf32>, vector<16xf32>, vector<16xf32>, vector<16xf32>, vector<16xf32>, vector<16xf32>, vector<16xf32>, vector<16xf32>
      }
      %scan3A_278 = arith.constant 64 : i32
      %mul3A_279 = arith.constant 7.812500e-03 : f32
      %mul3A_280 = vector.broadcast %mul3A_279 : f32 to vector<16xf32>
      %mul3A_281 = arith.mulf %scan3A_277#0, %mul3A_280 : vector<16xf32>
      %mul3A_282 = arith.constant 7.812500e-03 : f32
      %mul3A_283 = vector.broadcast %mul3A_282 : f32 to vector<16xf32>
      %mul3A_284 = arith.mulf %scan3A_277#1, %mul3A_283 : vector<16xf32>
      %mul3A_285 = arith.constant 7.812500e-03 : f32
      %mul3A_286 = vector.broadcast %mul3A_285 : f32 to vector<16xf32>
      %mul3A_287 = arith.mulf %scan3A_277#2, %mul3A_286 : vector<16xf32>
      %gather3A_288 = tpu.vector_load_idx %arg7[%add3A_263, %broadcast_in_dim3A_5] : memref<16x128xf32, #tpu.memory_space<vmem>>[vector<16xi32>, vector<16xi32>], vector<16xf32>,
      %gather3A_289 = tpu.vector_load_idx %arg8[%add3A_263, %broadcast_in_dim3A_5] : memref<16x128xf32, #tpu.memory_space<vmem>>[vector<16xi32>, vector<16xi32>], vector<16xf32>,
      %sub3A_290 = arith.subf %gather3A_288, %mul3A_281 : vector<16xf32>
      %sub3A_291 = arith.subf %gather3A_289, %mul3A_284 : vector<16xf32>
      %neg3A_292 = arith.constant 0.000000e+00 : f32
      %neg3A_293 = vector.broadcast %neg3A_292 : f32 to vector<16xf32>
      %neg3A_294 = arith.subf %neg3A_293, %broadcast_in_dim3A_1 : vector<16xf32>
      %neg3A_295 = arith.constant 0.000000e+00 : f32
      %neg3A_296 = vector.broadcast %neg3A_295 : f32 to vector<16xf32>
      %neg3A_297 = arith.subf %neg3A_296, %broadcast_in_dim3A_1 : vector<16xf32>
      %neg3A_298 = arith.constant 0.000000e+00 : f32
      %neg3A_299 = vector.broadcast %neg3A_298 : f32 to vector<16xf32>
      %neg3A_300 = arith.subf %neg3A_299, %broadcast_in_dim3A_1 : vector<16xf32>
      %neg3A_301 = arith.constant 0.000000e+00 : f32
      %neg3A_302 = vector.broadcast %neg3A_301 : f32 to vector<16xf32>
      %neg3A_303 = arith.subf %neg3A_302, %broadcast_in_dim3A_1 : vector<16xf32>
      %neg3A_304 = arith.constant 0.000000e+00 : f32
      %neg3A_305 = vector.broadcast %neg3A_304 : f32 to vector<16xf32>
      %neg3A_306 = arith.subf %neg3A_305, %broadcast_in_dim3A_1 : vector<16xf32>
      %neg3A_307 = arith.constant 0.000000e+00 : f32
      %neg3A_308 = vector.broadcast %neg3A_307 : f32 to vector<16xf32>
      %neg3A_309 = arith.subf %neg3A_308, %broadcast_in_dim3A_1 : vector<16xf32>
      %scan3A_310 = arith.constant 0 : i32
      %scan3A_311 = arith.constant 64 : i32
      %scan3A_312 = arith.addi %scan3A_310, %scan3A_311 : i32
      %scan3A_313 = arith.constant 4 : i32
      %scan3A_314:12 = scf.for %scan3A_394 = %scan3A_310 to %scan3A_312 step %scan3A_313 iter_args(%scan3A_395 = %neg3A_294, %scan3A_396 = %neg3A_297, %scan3A_397 = %neg3A_300, %scan3A_398 = %broadcast_in_dim3A_1, %scan3A_399 = %broadcast_in_dim3A_1, %scan3A_400 = %broadcast_in_dim3A_1, %scan3A_401 = %neg3A_303, %scan3A_402 = %neg3A_306, %scan3A_403 = %neg3A_309, %scan3A_404 = %broadcast_in_dim3A_1, %scan3A_405 = %broadcast_in_dim3A_1, %scan3A_406 = %broadcast_in_dim3A_1) -> (vector<16xf32>, vector<16xf32>, vector<16xf32>, vector<16xf32>, vector<16xf32>, vector<16xf32>, vector<16xf32>, vector<16xf32>, vector<16xf32>, vector<16xf32>, vector<16xf32>, vector<16xf32>)  : i32 {
        %mul3A_407 = arith.constant 2 : i32
        %mul3A_408 = arith.muli %mul3A_407, %scan3A_394 : i32
        %add3A_409 = vector.broadcast %mul3A_408 : i32 to vector<16xi32>
        %add3A_410 = arith.addi %mul3A_8, %add3A_409 : vector<16xi32>
        %and3A = arith.constant 127 : i32
        %and3A_411 = vector.broadcast %and3A : i32 to vector<16xi32>
        %and3A_412 = arith.andi %add3A_410, %and3A_411 : vector<16xi32>
        %mul3A_413 = arith.constant 2 : i32
        %mul3A_414 = arith.muli %mul3A_413, %scan3A_394 : i32
        %add3A_415 = vector.broadcast %mul3A_414 : i32 to vector<16xi32>
        %add3A_416 = arith.addi %mul3A_8, %add3A_415 : vector<16xi32>
        %add3A_417 = arith.constant 1 : i32
        %add3A_418 = vector.broadcast %add3A_417 : i32 to vector<16xi32>
        %add3A_419 = arith.addi %add3A_416, %add3A_418 : vector<16xi32>
        %and3A_420 = arith.constant 127 : i32
        %and3A_421 = vector.broadcast %and3A_420 : i32 to vector<16xi32>
        %and3A_422 = arith.andi %add3A_419, %and3A_421 : vector<16xi32>
        %gather3A_423 = tpu.vector_load_idx %arg7[%add3A_263, %and3A_412] : memref<16x128xf32, #tpu.memory_space<vmem>>[vector<16xi32>, vector<16xi32>], vector<16xf32>,
        %gather3A_424 = tpu.vector_load_idx %arg8[%add3A_263, %and3A_412] : memref<16x128xf32, #tpu.memory_space<vmem>>[vector<16xi32>, vector<16xi32>], vector<16xf32>,
        %gather3A_425 = tpu.vector_load_idx %arg7[%add3A_263, %and3A_422] : memref<16x128xf32, #tpu.memory_space<vmem>>[vector<16xi32>, vector<16xi32>], vector<16xf32>,
        %gather3A_426 = tpu.vector_load_idx %arg8[%add3A_263, %and3A_422] : memref<16x128xf32, #tpu.memory_space<vmem>>[vector<16xi32>, vector<16xi32>], vector<16xf32>,
        %mul3A_427 = arith.mulf %gather3A_423, %sub3A_290 : vector<16xf32>
        %mul3A_428 = arith.mulf %gather3A_424, %sub3A_291 : vector<16xf32>
        %add3A_429 = arith.addf %mul3A_427, %mul3A_428 : vector<16xf32>
        %mul3A_430 = arith.mulf %gather3A_423, %sub3A_291 : vector<16xf32>
        %mul3A_431 = arith.mulf %gather3A_424, %sub3A_290 : vector<16xf32>
        %sub3A_432 = arith.subf %mul3A_430, %mul3A_431 : vector<16xf32>
        %mul3A_433 = arith.mulf %gather3A_425, %sub3A_290 : vector<16xf32>
        %mul3A_434 = arith.mulf %gather3A_426, %sub3A_291 : vector<16xf32>
        %add3A_435 = arith.addf %mul3A_433, %mul3A_434 : vector<16xf32>
        %mul3A_436 = arith.mulf %gather3A_425, %sub3A_291 : vector<16xf32>
        %mul3A_437 = arith.mulf %gather3A_426, %sub3A_290 : vector<16xf32>
        %sub3A_438 = arith.subf %mul3A_436, %mul3A_437 : vector<16xf32>
        %max3A = arith.maximumf %add3A_429, %add3A_435 : vector<16xf32>
        %min3A = arith.minimumf %add3A_429, %add3A_435 : vector<16xf32>
        %max3A_439 = arith.maximumf %scan3A_395, %max3A : vector<16xf32>
        %min3A_440 = arith.minimumf %scan3A_395, %max3A : vector<16xf32>
        %max3A_441 = arith.maximumf %scan3A_396, %min3A : vector<16xf32>
        %max3A_442 = arith.maximumf %min3A_440, %max3A_441 : vector<16xf32>
        %min3A_443 = arith.minimumf %scan3A_396, %min3A : vector<16xf32>
        %min3A_444 = arith.minimumf %min3A_440, %max3A_441 : vector<16xf32>
        %max3A_445 = arith.maximumf %min3A_443, %scan3A_397 : vector<16xf32>
        %max3A_446 = arith.maximumf %min3A_444, %max3A_445 : vector<16xf32>
        %min3A_447 = arith.minimumf %scan3A_398, %min3A : vector<16xf32>
        %max3A_448 = arith.maximumf %scan3A_398, %min3A : vector<16xf32>
        %min3A_449 = arith.minimumf %scan3A_399, %max3A : vector<16xf32>
        %min3A_450 = arith.minimumf %max3A_448, %min3A_449 : vector<16xf32>
        %max3A_451 = arith.maximumf %scan3A_399, %max3A : vector<16xf32>
        %max3A_452 = arith.maximumf %max3A_448, %min3A_449 : vector<16xf32>
        %min3A_453 = arith.minimumf %max3A_451, %scan3A_400 : vector<16xf32>
        %min3A_454 = arith.minimumf %max3A_452, %min3A_453 : vector<16xf32>
        %max3A_455 = arith.maximumf %sub3A_432, %sub3A_438 : vector<16xf32>
        %min3A_456 = arith.minimumf %sub3A_432, %sub3A_438 : vector<16xf32>
        %max3A_457 = arith.maximumf %scan3A_401, %max3A_455 : vector<16xf32>
        %min3A_458 = arith.minimumf %scan3A_401, %max3A_455 : vector<16xf32>
        %max3A_459 = arith.maximumf %scan3A_402, %min3A_456 : vector<16xf32>
        %max3A_460 = arith.maximumf %min3A_458, %max3A_459 : vector<16xf32>
        %min3A_461 = arith.minimumf %scan3A_402, %min3A_456 : vector<16xf32>
        %min3A_462 = arith.minimumf %min3A_458, %max3A_459 : vector<16xf32>
        %max3A_463 = arith.maximumf %min3A_461, %scan3A_403 : vector<16xf32>
        %max3A_464 = arith.maximumf %min3A_462, %max3A_463 : vector<16xf32>
        %min3A_465 = arith.minimumf %scan3A_404, %min3A_456 : vector<16xf32>
        %max3A_466 = arith.maximumf %scan3A_404, %min3A_456 : vector<16xf32>
        %min3A_467 = arith.minimumf %scan3A_405, %max3A_455 : vector<16xf32>
        %min3A_468 = arith.minimumf %max3A_466, %min3A_467 : vector<16xf32>
        %max3A_469 = arith.maximumf %scan3A_405, %max3A_455 : vector<16xf32>
        %max3A_470 = arith.maximumf %max3A_466, %min3A_467 : vector<16xf32>
        %min3A_471 = arith.minimumf %max3A_469, %scan3A_406 : vector<16xf32>
        %min3A_472 = arith.minimumf %max3A_470, %min3A_471 : vector<16xf32>
        %scan3A_473 = arith.constant 1 : i32
        %scan3A_474 = arith.addi %scan3A_394, %scan3A_473 : i32
        %mul3A_475 = arith.constant 2 : i32
        %mul3A_476 = arith.muli %mul3A_475, %scan3A_474 : i32
        %add3A_477 = vector.broadcast %mul3A_476 : i32 to vector<16xi32>
        %add3A_478 = arith.addi %mul3A_8, %add3A_477 : vector<16xi32>
        %and3A_479 = arith.constant 127 : i32
        %and3A_480 = vector.broadcast %and3A_479 : i32 to vector<16xi32>
        %and3A_481 = arith.andi %add3A_478, %and3A_480 : vector<16xi32>
        %mul3A_482 = arith.constant 2 : i32
        %mul3A_483 = arith.muli %mul3A_482, %scan3A_474 : i32
        %add3A_484 = vector.broadcast %mul3A_483 : i32 to vector<16xi32>
        %add3A_485 = arith.addi %mul3A_8, %add3A_484 : vector<16xi32>
        %add3A_486 = arith.constant 1 : i32
        %add3A_487 = vector.broadcast %add3A_486 : i32 to vector<16xi32>
        %add3A_488 = arith.addi %add3A_485, %add3A_487 : vector<16xi32>
        %and3A_489 = arith.constant 127 : i32
        %and3A_490 = vector.broadcast %and3A_489 : i32 to vector<16xi32>
        %and3A_491 = arith.andi %add3A_488, %and3A_490 : vector<16xi32>
        %gather3A_492 = tpu.vector_load_idx %arg7[%add3A_263, %and3A_481] : memref<16x128xf32, #tpu.memory_space<vmem>>[vector<16xi32>, vector<16xi32>], vector<16xf32>,
        %gather3A_493 = tpu.vector_load_idx %arg8[%add3A_263, %and3A_481] : memref<16x128xf32, #tpu.memory_space<vmem>>[vector<16xi32>, vector<16xi32>], vector<16xf32>,
        %gather3A_494 = tpu.vector_load_idx %arg7[%add3A_263, %and3A_491] : memref<16x128xf32, #tpu.memory_space<vmem>>[vector<16xi32>, vector<16xi32>], vector<16xf32>,
        %gather3A_495 = tpu.vector_load_idx %arg8[%add3A_263, %and3A_491] : memref<16x128xf32, #tpu.memory_space<vmem>>[vector<16xi32>, vector<16xi32>], vector<16xf32>,
        %mul3A_496 = arith.mulf %gather3A_492, %sub3A_290 : vector<16xf32>
        %mul3A_497 = arith.mulf %gather3A_493, %sub3A_291 : vector<16xf32>
        %add3A_498 = arith.addf %mul3A_496, %mul3A_497 : vector<16xf32>
        %mul3A_499 = arith.mulf %gather3A_492, %sub3A_291 : vector<16xf32>
        %mul3A_500 = arith.mulf %gather3A_493, %sub3A_290 : vector<16xf32>
        %sub3A_501 = arith.subf %mul3A_499, %mul3A_500 : vector<16xf32>
        %mul3A_502 = arith.mulf %gather3A_494, %sub3A_290 : vector<16xf32>
        %mul3A_503 = arith.mulf %gather3A_495, %sub3A_291 : vector<16xf32>
        %add3A_504 = arith.addf %mul3A_502, %mul3A_503 : vector<16xf32>
        %mul3A_505 = arith.mulf %gather3A_494, %sub3A_291 : vector<16xf32>
        %mul3A_506 = arith.mulf %gather3A_495, %sub3A_290 : vector<16xf32>
        %sub3A_507 = arith.subf %mul3A_505, %mul3A_506 : vector<16xf32>
        %max3A_508 = arith.maximumf %add3A_498, %add3A_504 : vector<16xf32>
        %min3A_509 = arith.minimumf %add3A_498, %add3A_504 : vector<16xf32>
        %max3A_510 = arith.maximumf %max3A_439, %max3A_508 : vector<16xf32>
        %min3A_511 = arith.minimumf %max3A_439, %max3A_508 : vector<16xf32>
        %max3A_512 = arith.maximumf %max3A_442, %min3A_509 : vector<16xf32>
        %max3A_513 = arith.maximumf %min3A_511, %max3A_512 : vector<16xf32>
        %min3A_514 = arith.minimumf %max3A_442, %min3A_509 : vector<16xf32>
        %min3A_515 = arith.minimumf %min3A_511, %max3A_512 : vector<16xf32>
        %max3A_516 = arith.maximumf %min3A_514, %max3A_446 : vector<16xf32>
        %max3A_517 = arith.maximumf %min3A_515, %max3A_516 : vector<16xf32>
        %min3A_518 = arith.minimumf %min3A_447, %min3A_509 : vector<16xf32>
        %max3A_519 = arith.maximumf %min3A_447, %min3A_509 : vector<16xf32>
        %min3A_520 = arith.minimumf %min3A_450, %max3A_508 : vector<16xf32>
        %min3A_521 = arith.minimumf %max3A_519, %min3A_520 : vector<16xf32>
        %max3A_522 = arith.maximumf %min3A_450, %max3A_508 : vector<16xf32>
        %max3A_523 = arith.maximumf %max3A_519, %min3A_520 : vector<16xf32>
        %min3A_524 = arith.minimumf %max3A_522, %min3A_454 : vector<16xf32>
        %min3A_525 = arith.minimumf %max3A_523, %min3A_524 : vector<16xf32>
        %max3A_526 = arith.maximumf %sub3A_501, %sub3A_507 : vector<16xf32>
        %min3A_527 = arith.minimumf %sub3A_501, %sub3A_507 : vector<16xf32>
        %max3A_528 = arith.maximumf %max3A_457, %max3A_526 : vector<16xf32>
        %min3A_529 = arith.minimumf %max3A_457, %max3A_526 : vector<16xf32>
        %max3A_530 = arith.maximumf %max3A_460, %min3A_527 : vector<16xf32>
        %max3A_531 = arith.maximumf %min3A_529, %max3A_530 : vector<16xf32>
        %min3A_532 = arith.minimumf %max3A_460, %min3A_527 : vector<16xf32>
        %min3A_533 = arith.minimumf %min3A_529, %max3A_530 : vector<16xf32>
        %max3A_534 = arith.maximumf %min3A_532, %max3A_464 : vector<16xf32>
        %max3A_535 = arith.maximumf %min3A_533, %max3A_534 : vector<16xf32>
        %min3A_536 = arith.minimumf %min3A_465, %min3A_527 : vector<16xf32>
        %max3A_537 = arith.maximumf %min3A_465, %min3A_527 : vector<16xf32>
        %min3A_538 = arith.minimumf %min3A_468, %max3A_526 : vector<16xf32>
        %min3A_539 = arith.minimumf %max3A_537, %min3A_538 : vector<16xf32>
        %max3A_540 = arith.maximumf %min3A_468, %max3A_526 : vector<16xf32>
        %max3A_541 = arith.maximumf %max3A_537, %min3A_538 : vector<16xf32>
        %min3A_542 = arith.minimumf %max3A_540, %min3A_472 : vector<16xf32>
        %min3A_543 = arith.minimumf %max3A_541, %min3A_542 : vector<16xf32>
        %scan3A_544 = arith.constant 2 : i32
        %scan3A_545 = arith.addi %scan3A_394, %scan3A_544 : i32
        %mul3A_546 = arith.constant 2 : i32
        %mul3A_547 = arith.muli %mul3A_546, %scan3A_545 : i32
        %add3A_548 = vector.broadcast %mul3A_547 : i32 to vector<16xi32>
        %add3A_549 = arith.addi %mul3A_8, %add3A_548 : vector<16xi32>
        %and3A_550 = arith.constant 127 : i32
        %and3A_551 = vector.broadcast %and3A_550 : i32 to vector<16xi32>
        %and3A_552 = arith.andi %add3A_549, %and3A_551 : vector<16xi32>
        %mul3A_553 = arith.constant 2 : i32
        %mul3A_554 = arith.muli %mul3A_553, %scan3A_545 : i32
        %add3A_555 = vector.broadcast %mul3A_554 : i32 to vector<16xi32>
        %add3A_556 = arith.addi %mul3A_8, %add3A_555 : vector<16xi32>
        %add3A_557 = arith.constant 1 : i32
        %add3A_558 = vector.broadcast %add3A_557 : i32 to vector<16xi32>
        %add3A_559 = arith.addi %add3A_556, %add3A_558 : vector<16xi32>
        %and3A_560 = arith.constant 127 : i32
        %and3A_561 = vector.broadcast %and3A_560 : i32 to vector<16xi32>
        %and3A_562 = arith.andi %add3A_559, %and3A_561 : vector<16xi32>
        %gather3A_563 = tpu.vector_load_idx %arg7[%add3A_263, %and3A_552] : memref<16x128xf32, #tpu.memory_space<vmem>>[vector<16xi32>, vector<16xi32>], vector<16xf32>,
        %gather3A_564 = tpu.vector_load_idx %arg8[%add3A_263, %and3A_552] : memref<16x128xf32, #tpu.memory_space<vmem>>[vector<16xi32>, vector<16xi32>], vector<16xf32>,
        %gather3A_565 = tpu.vector_load_idx %arg7[%add3A_263, %and3A_562] : memref<16x128xf32, #tpu.memory_space<vmem>>[vector<16xi32>, vector<16xi32>], vector<16xf32>,
        %gather3A_566 = tpu.vector_load_idx %arg8[%add3A_263, %and3A_562] : memref<16x128xf32, #tpu.memory_space<vmem>>[vector<16xi32>, vector<16xi32>], vector<16xf32>,
        %mul3A_567 = arith.mulf %gather3A_563, %sub3A_290 : vector<16xf32>
        %mul3A_568 = arith.mulf %gather3A_564, %sub3A_291 : vector<16xf32>
        %add3A_569 = arith.addf %mul3A_567, %mul3A_568 : vector<16xf32>
        %mul3A_570 = arith.mulf %gather3A_563, %sub3A_291 : vector<16xf32>
        %mul3A_571 = arith.mulf %gather3A_564, %sub3A_290 : vector<16xf32>
        %sub3A_572 = arith.subf %mul3A_570, %mul3A_571 : vector<16xf32>
        %mul3A_573 = arith.mulf %gather3A_565, %sub3A_290 : vector<16xf32>
        %mul3A_574 = arith.mulf %gather3A_566, %sub3A_291 : vector<16xf32>
        %add3A_575 = arith.addf %mul3A_573, %mul3A_574 : vector<16xf32>
        %mul3A_576 = arith.mulf %gather3A_565, %sub3A_291 : vector<16xf32>
        %mul3A_577 = arith.mulf %gather3A_566, %sub3A_290 : vector<16xf32>
        %sub3A_578 = arith.subf %mul3A_576, %mul3A_577 : vector<16xf32>
        %max3A_579 = arith.maximumf %add3A_569, %add3A_575 : vector<16xf32>
        %min3A_580 = arith.minimumf %add3A_569, %add3A_575 : vector<16xf32>
        %max3A_581 = arith.maximumf %max3A_510, %max3A_579 : vector<16xf32>
        %min3A_582 = arith.minimumf %max3A_510, %max3A_579 : vector<16xf32>
        %max3A_583 = arith.maximumf %max3A_513, %min3A_580 : vector<16xf32>
        %max3A_584 = arith.maximumf %min3A_582, %max3A_583 : vector<16xf32>
        %min3A_585 = arith.minimumf %max3A_513, %min3A_580 : vector<16xf32>
        %min3A_586 = arith.minimumf %min3A_582, %max3A_583 : vector<16xf32>
        %max3A_587 = arith.maximumf %min3A_585, %max3A_517 : vector<16xf32>
        %max3A_588 = arith.maximumf %min3A_586, %max3A_587 : vector<16xf32>
        %min3A_589 = arith.minimumf %min3A_518, %min3A_580 : vector<16xf32>
        %max3A_590 = arith.maximumf %min3A_518, %min3A_580 : vector<16xf32>
        %min3A_591 = arith.minimumf %min3A_521, %max3A_579 : vector<16xf32>
        %min3A_592 = arith.minimumf %max3A_590, %min3A_591 : vector<16xf32>
        %max3A_593 = arith.maximumf %min3A_521, %max3A_579 : vector<16xf32>
        %max3A_594 = arith.maximumf %max3A_590, %min3A_591 : vector<16xf32>
        %min3A_595 = arith.minimumf %max3A_593, %min3A_525 : vector<16xf32>
        %min3A_596 = arith.minimumf %max3A_594, %min3A_595 : vector<16xf32>
        %max3A_597 = arith.maximumf %sub3A_572, %sub3A_578 : vector<16xf32>
        %min3A_598 = arith.minimumf %sub3A_572, %sub3A_578 : vector<16xf32>
        %max3A_599 = arith.maximumf %max3A_528, %max3A_597 : vector<16xf32>
        %min3A_600 = arith.minimumf %max3A_528, %max3A_597 : vector<16xf32>
        %max3A_601 = arith.maximumf %max3A_531, %min3A_598 : vector<16xf32>
        %max3A_602 = arith.maximumf %min3A_600, %max3A_601 : vector<16xf32>
        %min3A_603 = arith.minimumf %max3A_531, %min3A_598 : vector<16xf32>
        %min3A_604 = arith.minimumf %min3A_600, %max3A_601 : vector<16xf32>
        %max3A_605 = arith.maximumf %min3A_603, %max3A_535 : vector<16xf32>
        %max3A_606 = arith.maximumf %min3A_604, %max3A_605 : vector<16xf32>
        %min3A_607 = arith.minimumf %min3A_536, %min3A_598 : vector<16xf32>
        %max3A_608 = arith.maximumf %min3A_536, %min3A_598 : vector<16xf32>
        %min3A_609 = arith.minimumf %min3A_539, %max3A_597 : vector<16xf32>
        %min3A_610 = arith.minimumf %max3A_608, %min3A_609 : vector<16xf32>
        %max3A_611 = arith.maximumf %min3A_539, %max3A_597 : vector<16xf32>
        %max3A_612 = arith.maximumf %max3A_608, %min3A_609 : vector<16xf32>
        %min3A_613 = arith.minimumf %max3A_611, %min3A_543 : vector<16xf32>
        %min3A_614 = arith.minimumf %max3A_612, %min3A_613 : vector<16xf32>
        %scan3A_615 = arith.constant 3 : i32
        %scan3A_616 = arith.addi %scan3A_394, %scan3A_615 : i32
        %mul3A_617 = arith.constant 2 : i32
        %mul3A_618 = arith.muli %mul3A_617, %scan3A_616 : i32
        %add3A_619 = vector.broadcast %mul3A_618 : i32 to vector<16xi32>
        %add3A_620 = arith.addi %mul3A_8, %add3A_619 : vector<16xi32>
        %and3A_621 = arith.constant 127 : i32
        %and3A_622 = vector.broadcast %and3A_621 : i32 to vector<16xi32>
        %and3A_623 = arith.andi %add3A_620, %and3A_622 : vector<16xi32>
        %mul3A_624 = arith.constant 2 : i32
        %mul3A_625 = arith.muli %mul3A_624, %scan3A_616 : i32
        %add3A_626 = vector.broadcast %mul3A_625 : i32 to vector<16xi32>
        %add3A_627 = arith.addi %mul3A_8, %add3A_626 : vector<16xi32>
        %add3A_628 = arith.constant 1 : i32
        %add3A_629 = vector.broadcast %add3A_628 : i32 to vector<16xi32>
        %add3A_630 = arith.addi %add3A_627, %add3A_629 : vector<16xi32>
        %and3A_631 = arith.constant 127 : i32
        %and3A_632 = vector.broadcast %and3A_631 : i32 to vector<16xi32>
        %and3A_633 = arith.andi %add3A_630, %and3A_632 : vector<16xi32>
        %gather3A_634 = tpu.vector_load_idx %arg7[%add3A_263, %and3A_623] : memref<16x128xf32, #tpu.memory_space<vmem>>[vector<16xi32>, vector<16xi32>], vector<16xf32>,
        %gather3A_635 = tpu.vector_load_idx %arg8[%add3A_263, %and3A_623] : memref<16x128xf32, #tpu.memory_space<vmem>>[vector<16xi32>, vector<16xi32>], vector<16xf32>,
        %gather3A_636 = tpu.vector_load_idx %arg7[%add3A_263, %and3A_633] : memref<16x128xf32, #tpu.memory_space<vmem>>[vector<16xi32>, vector<16xi32>], vector<16xf32>,
        %gather3A_637 = tpu.vector_load_idx %arg8[%add3A_263, %and3A_633] : memref<16x128xf32, #tpu.memory_space<vmem>>[vector<16xi32>, vector<16xi32>], vector<16xf32>,
        %mul3A_638 = arith.mulf %gather3A_634, %sub3A_290 : vector<16xf32>
        %mul3A_639 = arith.mulf %gather3A_635, %sub3A_291 : vector<16xf32>
        %add3A_640 = arith.addf %mul3A_638, %mul3A_639 : vector<16xf32>
        %mul3A_641 = arith.mulf %gather3A_634, %sub3A_291 : vector<16xf32>
        %mul3A_642 = arith.mulf %gather3A_635, %sub3A_290 : vector<16xf32>
        %sub3A_643 = arith.subf %mul3A_641, %mul3A_642 : vector<16xf32>
        %mul3A_644 = arith.mulf %gather3A_636, %sub3A_290 : vector<16xf32>
        %mul3A_645 = arith.mulf %gather3A_637, %sub3A_291 : vector<16xf32>
        %add3A_646 = arith.addf %mul3A_644, %mul3A_645 : vector<16xf32>
        %mul3A_647 = arith.mulf %gather3A_636, %sub3A_291 : vector<16xf32>
        %mul3A_648 = arith.mulf %gather3A_637, %sub3A_290 : vector<16xf32>
        %sub3A_649 = arith.subf %mul3A_647, %mul3A_648 : vector<16xf32>
        %max3A_650 = arith.maximumf %add3A_640, %add3A_646 : vector<16xf32>
        %min3A_651 = arith.minimumf %add3A_640, %add3A_646 : vector<16xf32>
        %max3A_652 = arith.maximumf %max3A_581, %max3A_650 : vector<16xf32>
        %min3A_653 = arith.minimumf %max3A_581, %max3A_650 : vector<16xf32>
        %max3A_654 = arith.maximumf %max3A_584, %min3A_651 : vector<16xf32>
        %max3A_655 = arith.maximumf %min3A_653, %max3A_654 : vector<16xf32>
        %min3A_656 = arith.minimumf %max3A_584, %min3A_651 : vector<16xf32>
        %min3A_657 = arith.minimumf %min3A_653, %max3A_654 : vector<16xf32>
        %max3A_658 = arith.maximumf %min3A_656, %max3A_588 : vector<16xf32>
        %max3A_659 = arith.maximumf %min3A_657, %max3A_658 : vector<16xf32>
        %min3A_660 = arith.minimumf %min3A_589, %min3A_651 : vector<16xf32>
        %max3A_661 = arith.maximumf %min3A_589, %min3A_651 : vector<16xf32>
        %min3A_662 = arith.minimumf %min3A_592, %max3A_650 : vector<16xf32>
        %min3A_663 = arith.minimumf %max3A_661, %min3A_662 : vector<16xf32>
        %max3A_664 = arith.maximumf %min3A_592, %max3A_650 : vector<16xf32>
        %max3A_665 = arith.maximumf %max3A_661, %min3A_662 : vector<16xf32>
        %min3A_666 = arith.minimumf %max3A_664, %min3A_596 : vector<16xf32>
        %min3A_667 = arith.minimumf %max3A_665, %min3A_666 : vector<16xf32>
        %max3A_668 = arith.maximumf %sub3A_643, %sub3A_649 : vector<16xf32>
        %min3A_669 = arith.minimumf %sub3A_643, %sub3A_649 : vector<16xf32>
        %max3A_670 = arith.maximumf %max3A_599, %max3A_668 : vector<16xf32>
        %min3A_671 = arith.minimumf %max3A_599, %max3A_668 : vector<16xf32>
        %max3A_672 = arith.maximumf %max3A_602, %min3A_669 : vector<16xf32>
        %max3A_673 = arith.maximumf %min3A_671, %max3A_672 : vector<16xf32>
        %min3A_674 = arith.minimumf %max3A_602, %min3A_669 : vector<16xf32>
        %min3A_675 = arith.minimumf %min3A_671, %max3A_672 : vector<16xf32>
        %max3A_676 = arith.maximumf %min3A_674, %max3A_606 : vector<16xf32>
        %max3A_677 = arith.maximumf %min3A_675, %max3A_676 : vector<16xf32>
        %min3A_678 = arith.minimumf %min3A_607, %min3A_669 : vector<16xf32>
        %max3A_679 = arith.maximumf %min3A_607, %min3A_669 : vector<16xf32>
        %min3A_680 = arith.minimumf %min3A_610, %max3A_668 : vector<16xf32>
        %min3A_681 = arith.minimumf %max3A_679, %min3A_680 : vector<16xf32>
        %max3A_682 = arith.maximumf %min3A_610, %max3A_668 : vector<16xf32>
        %max3A_683 = arith.maximumf %max3A_679, %min3A_680 : vector<16xf32>
        %min3A_684 = arith.minimumf %max3A_682, %min3A_614 : vector<16xf32>
        %min3A_685 = arith.minimumf %max3A_683, %min3A_684 : vector<16xf32>
        scf.yield %max3A_652, %max3A_655, %max3A_659, %min3A_660, %min3A_663, %min3A_667, %max3A_670, %max3A_673, %max3A_677, %min3A_678, %min3A_681, %min3A_685 : vector<16xf32>, vector<16xf32>, vector<16xf32>, vector<16xf32>, vector<16xf32>, vector<16xf32>, vector<16xf32>, vector<16xf32>, vector<16xf32>, vector<16xf32>, vector<16xf32>, vector<16xf32>
      }
      %scan3A_315 = arith.constant 64 : i32
      %sub3A_316 = arith.subf %scan3A_314#0, %scan3A_314#3 : vector<16xf32>
      %mul3A_317 = arith.constant 0.571428597 : f32
      %mul3A_318 = vector.broadcast %mul3A_317 : f32 to vector<16xf32>
      %mul3A_319 = arith.mulf %mul3A_318, %sub3A_316 : vector<16xf32>
      %sub3A_320 = arith.subf %scan3A_314#1, %scan3A_314#4 : vector<16xf32>
      %mul3A_321 = arith.constant 0.285714298 : f32
      %mul3A_322 = vector.broadcast %mul3A_321 : f32 to vector<16xf32>
      %mul3A_323 = arith.mulf %mul3A_322, %sub3A_320 : vector<16xf32>
      %add3A_324 = arith.addf %mul3A_319, %mul3A_323 : vector<16xf32>
      %sub3A_325 = arith.subf %scan3A_314#2, %scan3A_314#5 : vector<16xf32>
      %mul3A_326 = arith.constant 0.142857149 : f32
      %mul3A_327 = vector.broadcast %mul3A_326 : f32 to vector<16xf32>
      %mul3A_328 = arith.mulf %mul3A_327, %sub3A_325 : vector<16xf32>
      %add3A_329 = arith.addf %add3A_324, %mul3A_328 : vector<16xf32>
      %sub3A_330 = arith.subf %scan3A_314#6, %scan3A_314#9 : vector<16xf32>
      %mul3A_331 = arith.constant 0.571428597 : f32
      %mul3A_332 = vector.broadcast %mul3A_331 : f32 to vector<16xf32>
      %mul3A_333 = arith.mulf %mul3A_332, %sub3A_330 : vector<16xf32>
      %sub3A_334 = arith.subf %scan3A_314#7, %scan3A_314#10 : vector<16xf32>
      %mul3A_335 = arith.constant 0.285714298 : f32
      %mul3A_336 = vector.broadcast %mul3A_335 : f32 to vector<16xf32>
      %mul3A_337 = arith.mulf %mul3A_336, %sub3A_334 : vector<16xf32>
      %add3A_338 = arith.addf %mul3A_333, %mul3A_337 : vector<16xf32>
      %sub3A_339 = arith.subf %scan3A_314#8, %scan3A_314#11 : vector<16xf32>
      %mul3A_340 = arith.constant 0.142857149 : f32
      %mul3A_341 = vector.broadcast %mul3A_340 : f32 to vector<16xf32>
      %mul3A_342 = arith.mulf %mul3A_341, %sub3A_339 : vector<16xf32>
      %add3A_343 = arith.addf %add3A_338, %mul3A_342 : vector<16xf32>
      %sub3A_344 = arith.subf %scan3A_277#3, %scan3A_277#6 : vector<16xf32>
      %mul3A_345 = arith.constant 0.571428597 : f32
      %mul3A_346 = vector.broadcast %mul3A_345 : f32 to vector<16xf32>
      %mul3A_347 = arith.mulf %mul3A_346, %sub3A_344 : vector<16xf32>
      %sub3A_348 = arith.subf %scan3A_277#4, %scan3A_277#7 : vector<16xf32>
      %mul3A_349 = arith.constant 0.285714298 : f32
      %mul3A_350 = vector.broadcast %mul3A_349 : f32 to vector<16xf32>
      %mul3A_351 = arith.mulf %mul3A_350, %sub3A_348 : vector<16xf32>
      %add3A_352 = arith.addf %mul3A_347, %mul3A_351 : vector<16xf32>
      %sub3A_353 = arith.subf %scan3A_277#5, %scan3A_277#8 : vector<16xf32>
      %mul3A_354 = arith.constant 0.142857149 : f32
      %mul3A_355 = vector.broadcast %mul3A_354 : f32 to vector<16xf32>
      %mul3A_356 = arith.mulf %mul3A_355, %sub3A_353 : vector<16xf32>
      %add3A_357 = arith.addf %add3A_352, %mul3A_356 : vector<16xf32>
      %mul3A_358 = arith.constant 16 : i32
      %mul3A_359 = arith.muli %add3A_260, %mul3A_358 : i32
      %add3A_360 = arith.constant 0 : i32
      %add3A_361 = arith.addi %mul3A_359, %add3A_360 : i32
      %add3A_362 = arith.constant 0 : i32
      %add3A_363 = arith.addi %add3A_362, %add3A_361 : i32
      %swap3A_364 = arith.index_cast %add3A_363 : i32 to index
      %swap3A_365 = tpu.vector_load %arg10[%swap3A_364] {strides = array<i32>} : memref<16384xf32, #tpu.memory_space<vmem>>, vector<16xf32>,
      tpu.vector_store %arg10[%swap3A_364], %mul3A_281 {strides = array<i32>} : memref<16384xf32, #tpu.memory_space<vmem>>, vector<16xf32>,
      %add3A_366 = arith.constant 2048 : i32
      %add3A_367 = arith.addi %add3A_366, %add3A_361 : i32
      %swap3A_368 = arith.index_cast %add3A_367 : i32 to index
      %swap3A_369 = tpu.vector_load %arg10[%swap3A_368] {strides = array<i32>} : memref<16384xf32, #tpu.memory_space<vmem>>, vector<16xf32>,
      tpu.vector_store %arg10[%swap3A_368], %mul3A_284 {strides = array<i32>} : memref<16384xf32, #tpu.memory_space<vmem>>, vector<16xf32>,
      %add3A_370 = arith.constant 4096 : i32
      %add3A_371 = arith.addi %add3A_370, %add3A_361 : i32
      %swap3A_372 = arith.index_cast %add3A_371 : i32 to index
      %swap3A_373 = tpu.vector_load %arg10[%swap3A_372] {strides = array<i32>} : memref<16384xf32, #tpu.memory_space<vmem>>, vector<16xf32>,
      tpu.vector_store %arg10[%swap3A_372], %mul3A_287 {strides = array<i32>} : memref<16384xf32, #tpu.memory_space<vmem>>, vector<16xf32>,
      %add3A_374 = arith.constant 6144 : i32
      %add3A_375 = arith.addi %add3A_374, %add3A_361 : i32
      %swap3A_376 = arith.index_cast %add3A_375 : i32 to index
      %swap3A_377 = tpu.vector_load %arg10[%swap3A_376] {strides = array<i32>} : memref<16384xf32, #tpu.memory_space<vmem>>, vector<16xf32>,
      tpu.vector_store %arg10[%swap3A_376], %sub3A_290 {strides = array<i32>} : memref<16384xf32, #tpu.memory_space<vmem>>, vector<16xf32>,
      %add3A_378 = arith.constant 8192 : i32
      %add3A_379 = arith.addi %add3A_378, %add3A_361 : i32
      %swap3A_380 = arith.index_cast %add3A_379 : i32 to index
      %swap3A_381 = tpu.vector_load %arg10[%swap3A_380] {strides = array<i32>} : memref<16384xf32, #tpu.memory_space<vmem>>, vector<16xf32>,
      tpu.vector_store %arg10[%swap3A_380], %sub3A_291 {strides = array<i32>} : memref<16384xf32, #tpu.memory_space<vmem>>, vector<16xf32>,
      %add3A_382 = arith.constant 10240 : i32
      %add3A_383 = arith.addi %add3A_382, %add3A_361 : i32
      %swap3A_384 = arith.index_cast %add3A_383 : i32 to index
      %swap3A_385 = tpu.vector_load %arg10[%swap3A_384] {strides = array<i32>} : memref<16384xf32, #tpu.memory_space<vmem>>, vector<16xf32>,
      tpu.vector_store %arg10[%swap3A_384], %add3A_329 {strides = array<i32>} : memref<16384xf32, #tpu.memory_space<vmem>>, vector<16xf32>,
      %add3A_386 = arith.constant 12288 : i32
      %add3A_387 = arith.addi %add3A_386, %add3A_361 : i32
      %swap3A_388 = arith.index_cast %add3A_387 : i32 to index
      %swap3A_389 = tpu.vector_load %arg10[%swap3A_388] {strides = array<i32>} : memref<16384xf32, #tpu.memory_space<vmem>>, vector<16xf32>,
      tpu.vector_store %arg10[%swap3A_388], %add3A_343 {strides = array<i32>} : memref<16384xf32, #tpu.memory_space<vmem>>, vector<16xf32>,
      %add3A_390 = arith.constant 14336 : i32
      %add3A_391 = arith.addi %add3A_390, %add3A_361 : i32
      %swap3A_392 = arith.index_cast %add3A_391 : i32 to index
      %swap3A_393 = tpu.vector_load %arg10[%swap3A_392] {strides = array<i32>} : memref<16384xf32, #tpu.memory_space<vmem>>, vector<16xf32>,
      tpu.vector_store %arg10[%swap3A_392], %add3A_357 {strides = array<i32>} : memref<16384xf32, #tpu.memory_space<vmem>>, vector<16xf32>,
    }
    %scan3A_48 = arith.constant 64 : i32
    %mul3A_49 = arith.constant 8 : i32
    %mul3A_50 = arith.muli %add3A, %mul3A_49 : i32
    %mul3A_51 = arith.constant 2048 : i32
    %mul3A_52 = arith.muli %mul3A_50, %mul3A_51 : i32
    "tpu.region"() ({
      %run_scoped3A = tpu.sem_alloc : memref<!tpu.dma_semaphore, #tpu.memory_space<semaphore_mem>>
      %dma_start3A_53 = tpu.memref_slice %arg3[%mul3A_52] : memref<524288xf32, #tpu.memory_space<hbm>> -> memref<16384xf32, #tpu.memory_space<hbm>>
      %dma_start3A_54 = tpu.memref_slice %arg3[%mul3A_52] : memref<524288xf32, #tpu.memory_space<hbm>> -> memref<16384xf32, #tpu.memory_space<hbm>>
      tpu.enqueue_dma source(%arg10 : memref<16384xf32, #tpu.memory_space<vmem>>) target(%dma_start3A_54 : memref<16384xf32, #tpu.memory_space<hbm>>) target_semaphore(%run_scoped3A : memref<!tpu.dma_semaphore, #tpu.memory_space<semaphore_mem>>)
      %dma_wait3A = tpu.memref_slice %arg3[%mul3A_52] : memref<524288xf32, #tpu.memory_space<hbm>> -> memref<16384xf32, #tpu.memory_space<hbm>>
      %dma_wait3A_55 = tpu.memref_slice %arg3[%mul3A_52] : memref<524288xf32, #tpu.memory_space<hbm>> -> memref<16384xf32, #tpu.memory_space<hbm>>
      tpu.wait_dma2 semaphore(%run_scoped3A : memref<!tpu.dma_semaphore, #tpu.memory_space<semaphore_mem>>) src(%arg10 : memref<16384xf32, #tpu.memory_space<vmem>>) dst(%dma_wait3A_55 : memref<16384xf32, #tpu.memory_space<hbm>>)
      tpu.yield
    }) : () -> ()
    return
  }
}

module attributes {stable_mosaic.version = 14 : i64} {
  func.func @_tc_post_kernel(%arg0: i32, %arg1: memref<1x8x2048xf32, #tpu.memory_space<vmem>>, %arg2: memref<1x8x2048xf32, #tpu.memory_space<vmem>>) attributes {dimension_semantics = [#tpu.dimension_semantics<arbitrary>], iteration_bounds = array<i64: 32>, scalar_prefetch = 0 : i64, scratch_operands = 0 : i64, tpu.core_type = #tpu.core_type<tc>, window_params = [{transform_indices = @transform_0, window_bounds = array<i64: 1, 8, 2048>}, {transform_indices = @transform_1, window_bounds = array<i64: 1, 8, 2048>}]} {
    %get3A = arith.constant 0 : index
    %get3A_0 = arith.constant 0 : index
    %get3A_1 = arith.constant 0 : index
    %get3A_2 = vector.load %arg1[%get3A, %get3A_0, %get3A_1] : memref<1x8x2048xf32, #tpu.memory_space<vmem>>, vector<1x8x2048xf32>
    %get3A_3 = vector.shape_cast %get3A_2 : vector<1x8x2048xf32> to vector<8x2048xf32>
    %slice3A = vector.extract_strided_slice %get3A_3 {offsets = [0, 0], sizes = [1, 2048], strides = [1, 1]} : vector<8x2048xf32> to vector<1x2048xf32>
    %squeeze3A = vector.shape_cast %slice3A : vector<1x2048xf32> to vector<2048xf32>
    %slice3A_4 = vector.extract_strided_slice %get3A_3 {offsets = [1, 0], sizes = [1, 2048], strides = [1, 1]} : vector<8x2048xf32> to vector<1x2048xf32>
    %squeeze3A_5 = vector.shape_cast %slice3A_4 : vector<1x2048xf32> to vector<2048xf32>
    %slice3A_6 = vector.extract_strided_slice %get3A_3 {offsets = [2, 0], sizes = [1, 2048], strides = [1, 1]} : vector<8x2048xf32> to vector<1x2048xf32>
    %squeeze3A_7 = vector.shape_cast %slice3A_6 : vector<1x2048xf32> to vector<2048xf32>
    %slice3A_8 = vector.extract_strided_slice %get3A_3 {offsets = [3, 0], sizes = [1, 2048], strides = [1, 1]} : vector<8x2048xf32> to vector<1x2048xf32>
    %squeeze3A_9 = vector.shape_cast %slice3A_8 : vector<1x2048xf32> to vector<2048xf32>
    %slice3A_10 = vector.extract_strided_slice %get3A_3 {offsets = [4, 0], sizes = [1, 2048], strides = [1, 1]} : vector<8x2048xf32> to vector<1x2048xf32>
    %squeeze3A_11 = vector.shape_cast %slice3A_10 : vector<1x2048xf32> to vector<2048xf32>
    %slice3A_12 = vector.extract_strided_slice %get3A_3 {offsets = [5, 0], sizes = [1, 2048], strides = [1, 1]} : vector<8x2048xf32> to vector<1x2048xf32>
    %squeeze3A_13 = vector.shape_cast %slice3A_12 : vector<1x2048xf32> to vector<2048xf32>
    %slice3A_14 = vector.extract_strided_slice %get3A_3 {offsets = [6, 0], sizes = [1, 2048], strides = [1, 1]} : vector<8x2048xf32> to vector<1x2048xf32>
    %squeeze3A_15 = vector.shape_cast %slice3A_14 : vector<1x2048xf32> to vector<2048xf32>
    %slice3A_16 = vector.extract_strided_slice %get3A_3 {offsets = [7, 0], sizes = [1, 2048], strides = [1, 1]} : vector<8x2048xf32> to vector<1x2048xf32>
    %squeeze3A_17 = vector.shape_cast %slice3A_16 : vector<1x2048xf32> to vector<2048xf32>
    %mul3A = arith.mulf %squeeze3A_9, %squeeze3A_9 : vector<2048xf32>
    %mul3A_18 = arith.mulf %squeeze3A_11, %squeeze3A_11 : vector<2048xf32>
    %add3A = arith.addf %mul3A, %mul3A_18 : vector<2048xf32>
    %sqrt3A = math.sqrt %add3A : vector<2048xf32>
    %max3A = arith.constant 9.99999996E-13 : f32
    %max3A_19 = vector.broadcast %max3A : f32 to vector<2048xf32>
    %max3A_20 = arith.maximumf %sqrt3A, %max3A_19 : vector<2048xf32>
    %div3A = arith.constant 1.000000e+00 : f32
    %div3A_21 = vector.broadcast %div3A : f32 to vector<2048xf32>
    %div3A_22 = arith.divf %div3A_21, %max3A_20 : vector<2048xf32>
    %mul3A_23 = arith.mulf %squeeze3A_11, %div3A_22 : vector<2048xf32>
    %mul3A_24 = arith.mulf %squeeze3A_9, %div3A_22 : vector<2048xf32>
    %log3A = math.log %max3A_20 : vector<2048xf32>
    %log3A_25 = math.log %squeeze3A_13 : vector<2048xf32>
    %sub3A = arith.subf %log3A_25, %log3A : vector<2048xf32>
    %log3A_26 = math.log %squeeze3A_15 : vector<2048xf32>
    %sub3A_27 = arith.subf %log3A_26, %log3A : vector<2048xf32>
    %log3A_28 = math.log %squeeze3A_17 : vector<2048xf32>
    %stack3A = vector.shape_cast %squeeze3A : vector<2048xf32> to vector<1x2048xf32>
    %stack3A_29 = vector.shape_cast %squeeze3A_5 : vector<2048xf32> to vector<1x2048xf32>
    %stack3A_30 = vector.shape_cast %sub3A : vector<2048xf32> to vector<1x2048xf32>
    %stack3A_31 = vector.shape_cast %sub3A_27 : vector<2048xf32> to vector<1x2048xf32>
    %stack3A_32 = vector.shape_cast %squeeze3A_7 : vector<2048xf32> to vector<1x2048xf32>
    %stack3A_33 = vector.shape_cast %log3A_28 : vector<2048xf32> to vector<1x2048xf32>
    %stack3A_34 = vector.shape_cast %mul3A_23 : vector<2048xf32> to vector<1x2048xf32>
    %stack3A_35 = vector.shape_cast %mul3A_24 : vector<2048xf32> to vector<1x2048xf32>
    %stack3A_36 = tpu.concatenate %stack3A, %stack3A_29, %stack3A_30, %stack3A_31, %stack3A_32, %stack3A_33, %stack3A_34, %stack3A_35 in 0 : vector<1x2048xf32>, vector<1x2048xf32>, vector<1x2048xf32>, vector<1x2048xf32>, vector<1x2048xf32>, vector<1x2048xf32>, vector<1x2048xf32>, vector<1x2048xf32> -> vector<8x2048xf32>
    %broadcast_in_dim3A = vector.shape_cast %stack3A_36 : vector<8x2048xf32> to vector<1x8x2048xf32>
    %swap3A = arith.constant 0 : index
    %swap3A_37 = arith.constant 0 : index
    %swap3A_38 = arith.constant 0 : index
    %swap3A_39 = vector.load %arg2[%swap3A, %swap3A_37, %swap3A_38] : memref<1x8x2048xf32, #tpu.memory_space<vmem>>, vector<1x8x2048xf32>
    tpu.vector_store %arg2[%swap3A, %swap3A_37, %swap3A_38], %broadcast_in_dim3A {strides = array<i32>} : memref<1x8x2048xf32, #tpu.memory_space<vmem>>, vector<1x8x2048xf32>,
    return
  }
  func.func @transform_0(%arg0: i32) -> (i32, i32, i32) {
    %c0_i32 = arith.constant 0 : i32
    %c0_i32_0 = arith.constant 0 : i32
    %c0_i32_1 = arith.constant 0 : i32
    return %arg0, %c0_i32, %c0_i32_0 : i32, i32, i32
  }
  func.func @transform_1(%arg0: i32) -> (i32, i32, i32) {
    %c0_i32 = arith.constant 0 : i32
    %c0_i32_0 = arith.constant 0 : i32
    %c0_i32_1 = arith.constant 0 : i32
    return %arg0, %c0_i32, %c0_i32_0 : i32, i32, i32
  }
}

</mosaic_0001>

<sc_bundles>
// kernel: kernel.4.cloned.1.call-start
scs
__scs_entry_jumppad:
0x0: {  	(pc) =	sbr.rel $0x88, $3  }
0x1: {  	(tag) =	ssettag $0x0;
	lr =	simm.s32 $0x1  }
0x2: {  	[smem:$0x3FA0] =	sst lr;
	_ =	strace $0xD0000000  }
0x3: {  	_ = 	snop  }
0x4: {  	_ = 	snop  }
0x5: {  	_ = 	snop  }
0x6: {  	_ = 	snop  }
0x7: {  	_ = 	snop  }
__scs_overlays_trampoline_lowered:
0x8: {  	[smem:$0x3FAF] =	sst s0  }
0x9: {  	[smem:$0x3FB0] =	sst s1  }
0xa: {  	[smem:$0x3FB1] =	sst s2  }
0xb: {  	[smem:$0x3FB2] =	sst s3  }
0xc: {  	[smem:$0x3FB3] =	sst s4  }
0xd: {  	[smem:$0x3FB4] =	sst s5  }
0xe: {  	[smem:$0x3FB5] =	sst s6  }
0xf: {  	[smem:$0x3FB6] =	sst s7  }
0x10: {  	[smem:$0x3FB7] =	sst s8  }
0x11: {  	[smem:$0x3FB8] =	sst s9;
	s0 =	simm.s32 @!p0 $0x0  }
0x12: {  	s1 =	sld [smem:$0x3F9E];
	s0 =	simm.s32 @p0 $0x1  }
0x13: {  	[smem:$0x3FB9] =	sst s0;
	s0 =	simm.s32 @!p1 $0x0  }
0x14: {  	s2 =	sld [smem:$0x3F9D];
	s0 =	simm.s32 @p1 $0x1  }
0x15: {  	[smem:$0x3FBA] =	sst s0;
	s0 =	simm.s32 @!p2 $0x0  }
0x16: {  	s3 =	sld [smem:$0x3FDB];
	s0 =	simm.s32 @p2 $0x1  }
0x17: {  	s4 =	simm.s32 $0x1BF5;
	[smem:$0x3FBC] =	sst s0  }
0x18: {  	s0 =	sld [smem:$0x3F9F];
	_ =	swait.ge [sflag:s4], $0x0  }
0x19: {  	s7 =	sld [smem:$0x3FA0]  }
0x1a: {  	s8 =	sadd.s32 $0xFFFFE003, lr  }
0x1b: {  	s9 =	sadd.s32 $0xFFFFFEF7, lr;
	s5 =	simm.s32 $0xFFFFFFFF;
	p2 =	slt.u32 s8, $0xFFFFF086  }
0x1c: {  	p1 =	slt.u32 s9, $0xF7A;
	s5 =	simm.s32 @!p2 $0x0  }
0x1d: {  	s5 =	simm.s32 @p1 $0x1;
	p0 =	seq.s32 s7, s2  }
0x1e: {  	s7 =	smul.u32 @!p0 $0xF7A, s2;
	p2 =	seq.s32 @!p0 s5, $0x0  }
0x1f: {  	s9 =	smul.u32 $0xF7A, s1;
	s8 =	simm.s32 @!p0 $0x1BF5;
	p2 =	por !p2, p0  }
0x20: {  	[sflag:s8] =	ssyncset.s32 @!p0 $0xFFFFF086;
	s6 =	sadd.s32 @!p0 s3, s7;
	s7 =	simm.s32 @!p0 $0x108  }
0x21: {  	s3 =	sadd.s32 s3, s9;
	s6 =	sadd.s32 @!p0 $0x88, s6;
	s7 =	simm.s32 @p2 $0x1082  }
0x22: {  	[simem:s7], [sflag:s8] =	dma.local @!p0 [hbm:s6], $0xF7A  }
0x23: {  	s9 =	sor.u32 $0xD0000000, s2;
	s6 =	simm.s32 $0x108;
	_ =	swait.ge @!p0 [sflag:s8], $0x0  }
0x24: {  	s3 =	sadd.s32 $0x88, s3;
	s6 =	simm.s32 @!p1 $0x1082;
	[sflag:s4] =	ssyncset.s32 $0xFFFFF086  }
0x25: {  	[simem:s6], [sflag:s4] =	dma.local [hbm:s3], $0xF7A  }
0x26: {  	[smem:$0x3FA0] =	sst s1;
	(tag) =	ssettag s2;
	_ =	strace s9  }
0x27: {  	s1 =	sld [smem:$0x3FB0]  }
0x28: {  	s2 =	sld [smem:$0x3FB1]  }
0x29: {  	s4 =	sld [smem:$0x3FB3]  }
0x2a: {  	p0 =	seq.s32 s5, $0x0;
	s5 =	sld [smem:$0x3FB4]  }
0x2b: {  	s6 =	sld [smem:$0x3FB5]  }
0x2c: {  	s7 =	sld [smem:$0x3FB6]  }
0x2d: {  	s3 =	simm.s32 $0x108;
	s8 =	sld [smem:$0x3FB7]  }
0x2e: {  	s3 =	simm.s32 @!p0 $0x1082;
	s9 =	sld [smem:$0x3FB8]  }
0x2f: {  	lr =	sadd.s32 s0, s3;
	s0 =	sld [smem:$0x3FAF]  }
0x30: {  	s3 =	sld [smem:$0x3FB2]  }
0x31: {  	[smem:$0x3FBB] =	sst s10  }
0x32: {  	s10 =	sld [smem:$0x3FB9];
	_ =	sdelay $0x3  }
0x33: {  	p0 =	seq.s32 s10, $0x1;
	s10 =	sld [smem:$0x3FBB];
	_ =	sdelay $0x3  }
0x34: {  	[smem:$0x3FBB] =	sst s10  }
0x35: {  	s10 =	sld [smem:$0x3FBA];
	_ =	sdelay $0x3  }
0x36: {  	p1 =	seq.s32 s10, $0x1;
	s10 =	sld [smem:$0x3FBB];
	_ =	sdelay $0x3  }
0x37: {  	[smem:$0x3FBB] =	sst s10  }
0x38: {  	s10 =	sld [smem:$0x3FBC]  }
0x39: {  	_ = 	snop;
	(pc) =	sbr.ind lr, $3  }
0x3a: {  	_ = 	snop  }
0x3b: {  	_ = 	snop  }
0x3c: {  	p2 =	seq.s32 s10, $0x1;
	s10 =	sld [smem:$0x3FBB]  }
0x3d: {  	_ =	shalt  }
0x3e: {  	_ =	shalt  }
0x3f: {  	_ =	shalt  }
0x40: {  	_ =	shalt  }
0x41: {  	_ =	shalt  }
0x42: {  	_ =	shalt  }
0x43: {  	_ =	shalt  }
0x44: {  	_ =	shalt  }
0x45: {  	_ =	shalt  }
0x46: {  	_ =	shalt  }
0x47: {  	_ =	shalt  }
0x48: {  	_ =	shalt  }
0x49: {  	_ =	shalt  }
0x4a: {  	_ =	shalt  }
0x4b: {  	_ =	shalt  }
0x4c: {  	_ =	shalt  }
0x4d: {  	_ =	shalt  }
0x4e: {  	_ =	shalt  }
0x4f: {  	_ =	shalt  }
0x50: {  	_ =	shalt  }
0x51: {  	_ =	shalt  }
0x52: {  	_ =	shalt  }
0x53: {  	_ =	shalt  }
0x54: {  	_ =	shalt  }
0x55: {  	_ =	shalt  }
0x56: {  	_ =	shalt  }
0x57: {  	_ =	shalt  }
0x58: {  	_ =	shalt  }
0x59: {  	_ =	shalt  }
0x5a: {  	_ =	shalt  }
0x5b: {  	_ =	shalt  }
0x5c: {  	_ =	shalt  }
0x5d: {  	_ =	shalt  }
0x5e: {  	_ =	shalt  }
0x5f: {  	_ =	shalt  }
0x60: {  	_ =	shalt  }
0x61: {  	_ =	shalt  }
0x62: {  	_ =	shalt  }
0x63: {  	_ =	shalt  }
0x64: {  	_ =	shalt  }
0x65: {  	_ =	shalt  }
0x66: {  	_ =	shalt  }
0x67: {  	_ =	shalt  }
0x68: {  	_ =	shalt  }
0x69: {  	_ =	shalt  }
0x6a: {  	_ =	shalt  }
0x6b: {  	_ =	shalt  }
0x6c: {  	_ =	shalt  }
0x6d: {  	_ =	shalt  }
0x6e: {  	_ =	shalt  }
0x6f: {  	_ =	shalt  }
0x70: {  	_ =	shalt  }
0x71: {  	_ =	shalt  }
0x72: {  	_ =	shalt  }
0x73: {  	_ =	shalt  }
0x74: {  	_ =	shalt  }
0x75: {  	_ =	shalt  }
0x76: {  	_ =	shalt  }
0x77: {  	_ =	shalt  }
0x78: {  	_ =	shalt  }
0x79: {  	_ =	shalt  }
0x7a: {  	_ =	shalt  }
0x7b: {  	_ =	shalt  }
0x7c: {  	_ =	shalt  }
0x7d: {  	_ =	shalt  }
0x7e: {  	_ =	shalt  }
0x7f: {  	_ =	shalt  }
0x80: {  	_ =	shalt  }
0x81: {  	_ =	shalt  }
0x82: {  	_ =	shalt  }
0x83: {  	_ =	shalt  }
0x84: {  	_ =	shalt  }
0x85: {  	_ =	shalt  }
0x86: {  	_ =	shalt  }
0x87: {  	_ =	shalt  }
.Lfunc_end0:
.L_simem_size_0:
called_computation_lowered:
.L_overlay_start_0:
0x88: {  	s2 =	sld [smem:$0x3FD9]  }
0x89: {  	s3 =	sld [smem:$0x3FFE];
	_ =	sdelay $0x1  }
0x8a: {  	s1 =	srdreg.scid  }
0x8b: {  	s0 =	sand.u32 $0x1, s1  }
0x8c: {  	s18 =	sshll.u32 s0, $0xA;
	s2 =	sadd.s32 s3, s2  }
0x8d: {  	s2 =	sadd.s32 s2, s18  }
0x8e: {  	[smem:$0x3FC7] =	sst s2  }
0x8f: {  	_ = 	snop  }
0x90: {  	s2 =	sld [smem:$0x3FC9]  }
0x91: {  	s19 =	sld [smem:$0x3FD0];
	(tm) =	ssettm $0x1  }
0x92: {  	s4 =	sld [smem:$0x3FFB];
	_ =	sdelay $0x3  }
0x93: {  	_ =	strace s4  }
0x94: {  	s4 =	sld [smem:$0x3FFC];
	_ =	sdelay $0x3  }
0x95: {  	_ =	strace s4  }
0x96: {  	s4 =	sld [smem:$0x3FFD];
	_ =	sdelay $0x3  }
0x97: {  	_ =	strace s4  }
0x98: {  	_ =	strace $0x8FFFFFFF  }
0x99: {  	s20 =	sld [smem:$0x3FDB];
	_ =	sdelay $0x1  }
0x9a: {  	s5 =	simm.s32 $_scs_section_size  }
0x9b: {  	s6 =	simm.s32 $_size__tile_overlayer_lowered;
	s7 =	simm.s32 $_tile_overlayer_lowered  }
0x9c: {  	s23 =	simm.s32 $0x1BFF;
	s22 =	sshll.u32 s7, $0x1;
	s4 =	sadd.s32 s5, s20  }
0x9d: {  	s8 =	simm.s32 $0x0;
	s21 =	sshll.u32 s6, $0x1;
	s6 =	sadd.s32 s22, s4  }
0x9e: {  	[timem:s8], [sflag:s23] =	dma.local [hbm:s6], s21  }
0x9f: {  	_ =	swait.ge [sflag:s23], s21  }
0xa0: {  	s5 =	ssub.s32 $0x0, s21;
	[sflag:s23] =	ssyncset.done $0x0  }
0xa1: {  	[sflag:s23] =	ssyncadd.s32 s5;
	_ =	sdelay $0x1  }
0xa2: {  	s24 =	simm.s32 $0x1B8B  }
0xa3: {  	_ =	swait.ge [sflag:s24], $0x1  }
0xa4: {  	[sflag:s24] =	ssyncset.done $0x0  }
0xa5: {  	s25 =	simm.s32 $0x1B8E;
	[sflag:s24] =	ssyncadd.s32 $0xFFFFFFFF  }
0xa6: {  	s26 =	simm.s32 $execute0_lowered;
	[smem:$0x3FD2] =	sst s25  }
0xa7: {  	s5 =	sshll.u32 s26, $0x1;
	_ =	strace $0x80000046;
	[dreg:$0x1] =	wrdreg $0xFFFFFFFF  }
0xa8: {  	s28 =	simm.s32 $_size_execute0_lowered;
	s4 =	sadd.s32 s4, s5;
	[dreg:$0x0] =	wrdreg $0x0  }
0xa9: {  	s5 =	sshll.u32 s28, $0x1;
	[dreg:$0x2] =	wrdreg s4  }
0xaa: {  	[dreg:$0x3] =	wrdreg s5  }
0xab: {  	[dreg:$0x4] =	wrdreg $0xC0  }
0xac: {  	_ =	task [dreg:s8], $0x5FFFF  }
0xad: {  	[dreg:$0x1] =	wrdreg $0xFFFFFFFF  }
0xae: {  	[dreg:$0x0] =	wrdreg $0x60  }
0xaf: {  	[dreg:$0x2] =	wrdreg s2  }
0xb0: {  	[dreg:$0x3] =	wrdreg s19  }
0xb1: {  	[dreg:$0x4] =	wrdreg $0x9  }
0xb2: {  	_ =	task.clear_ibuf [dreg:s8], $0x5FFFF;
	_ =	strace $0x90000046  }
0xb3: {  	s29 =	simm.s32 $0x9;
	_ =	strace $0x80000048  }
0xb4: {  	_ =	swait.ge [sflag:s29], $0x1  }
0xb5: {  	[sflag:s29] =	ssyncadd.s32 $0xFFFFFFFF  }
0xb6: {  	_ =	strace $0x90000048  }
0xb7: {  	_ =	sfence  }
0xb8: {  	s30 =	sld [smem:$0x0];
	_ =	sdelay $0x2  }
0xb9: {  	s31 =	sshll.u32 s1, $0xD;
	s1 =	sshrl.u32 s1, $0x2  }
0xba: {  	s3 =	sand.u32 $0x4000, s31;
	s1 =	sadd.s32 s1, s30  }
0xbb: {  	s0 =	sor.u32 s3, s0;
	s1 =	sshll.u32 s1, $0x11  }
0xbc: {  	s0 =	sor.u32 s1, s0  }
0xbd: {  	s0 =	sadd.s32 $0x8F2B, s0  }
0xbe: {  	[sflag:s0] =	ssyncadd.remote.s32 $0x1  }
0xbf: {  	_ =	sfence.sel $0xFFFF  }
0xc0: {  	[dreg:$0x0] =	wrdreg $0xFFFFFFFF;
	(pc) =	sbr.abs _section_cstart, $3  }
0xc1: {  	[dreg:$0x1] =	wrdreg $0xFFFFFFFF  }
0xc2: {  	_ =	task.clear_ibuf [dreg:s8], $0x2FFFF;
	_ =	strace $0x9FFFFFFF  }
0xc3: {  	(tm) =	ssettm $0x7FFFFFFF  }
tec
execute0_lowered:
.L_overlay_start_1:
0x0: {  	(tag) =	ssettag $0x1  }
0x1: {  	s2 =	rddreg [dreg:$0x0]  }
0x2: {  	s1 =	srdreg.scid;
	s0 =	stileid.u32  }
0x3: {  	s10 =	rddreg [dreg:$0x1];
	s3 =	simm.s32 $0x0;
	s13 =	simm.s32 $0x1000  }
0x4: {  	s14 =	simm.s32 $0x1800;
	s15 =	simm.s32 $0x2000;
	s16 =	simm.s32 $0x2800  }
0x5: {  	s17 =	simm.s32 $0x1;
	s18 =	simm.s32 $0x2;
	s19 =	simm.s32 $0x3000  }
0x6: {  	s20 =	simm.s32 $0x3;
	s4 =	sand.u32 $0x1, s1;
	s5 =	sshll.u32 s0, $0x1  }
0x7: {  	s21 =	simm.s32 $0x0;
	s1 =	rddreg [dreg:$0x2];
	s11 =	sor.u32 s4, s5  }
0x8: {  	[smem:$0x7FF] =	sst s3;
	s31 =	ssub.s32 $0x2, s4;
	s4 =	smul.u32 $0x1800, s11  }
0x9: {  	s6 =	sshrl.u32 s31, $0x1;
	s7 =	smul.u32 $0x18000, s11;
	s11 =	sshll.u32 s11, $0xB  }
0xa: {  	v2 =	vlaneseq.u32;
	_ =	strace $0x80000047;
	s12 =	ssub.s32 s31, s6;
	s10 =	sadd.s32 s10, s11  }
0xb: {  	v0 =	vmul.u32 $0x11, v2;
	s5 =	sadd.s32 $0x800, s4;
	s6 =	sadd.s32 $0x1000, s4;
	s7 =	sadd.s32 s2, s7  }
0xc: {  	s11 =	smax.u32 s12, $0x1;
	s8 =	sshll.u32 s5, $0x4;
	s9 =	sshll.u32 s6, $0x4  }
0xd: {  	v2 =	vmul.u32 $0x80, v2;
	v1 =	vadd.s32 $0x1, v0;
	s12 =	simm.s32 $0x800;
	s8 =	sadd.s32 s2, s8;
	s9 =	sadd.s32 s2, s9  }
.LBB2_1:
0xe: {  	[tilespmem:s3], [sflag:$0x1] =	stream.linear.gather [hbm4b:s7+s3], $0x800, $0x38;
	[tilespmem:$0x7000] =	vst v63  }
0xf: {  	_ = 	snop  }
0x10: {  	[tilespmem:s12], [sflag:$0x1] =	stream.linear.gather [hbm4b:s8+s3], $0x800, $0x38;
	[tilespmem:$0x7000] =	vst v63  }
0x11: {  	s22 =	simm.s32 $0x0  }
0x12: {  	[tilespmem:s13], [sflag:$0x1] =	stream.linear.gather [hbm4b:s9+s3], $0x800, $0x38;
	[tilespmem:$0x7000] =	vst v63  }
.LBB2_2:
0x13: {  	s23 =	sshll.u32 s22, $0x5  }
0x14: {  	s24 =	sor.u32 $0x10, s23  }
0x15: {  	s25 =	sadd.s32 s4, s24  }
0x16: {  	s25 =	sshll.u32 s25, $0x4  }
0x17: {  	s26 =	sadd.s32 s5, s24;
	s25 =	sadd.s32 s2, s25  }
0x18: {  	[tilespmem:s14], [sflag:$0x2] =	stream.linear.gather [hbm4b:s25+s3], $0x800, $0x38;
	[tilespmem:$0x7000] =	vst v63  }
0x19: {  	s25 =	sshll.u32 s26, $0x4  }
0x1a: {  	s28 =	sadd.s32 s6, s24;
	s25 =	sadd.s32 s2, s25  }
0x1b: {  	[tilespmem:s15], [sflag:$0x2] =	stream.linear.gather [hbm4b:s25+s3], $0x800, $0x38;
	[tilespmem:$0x7000] =	vst v63  }
0x1c: {  	s25 =	sshll.u32 s28, $0x4  }
0x1d: {  	s25 =	sadd.s32 s2, s25  }
0x1e: {  	[tilespmem:s16], [sflag:$0x2] =	stream.linear.gather [hbm4b:s25+s3], $0x800, $0x38;
	[tilespmem:$0x7000] =	vst v63  }
0x1f: {  	_ =	swait.ge [sflag:s17], $0x800  }
0x20: {  	s29 =	simm.s32 $0x0;
	[sflag:s17] =	ssyncset.done $0x0  }
0x21: {  	v3 =	vadd.s32 s29, v1;
	[sflag:s17] =	ssyncadd.s32 $0xFFFFF800  }
0x22: {  	v3 =	vand.u32 $0x7F, v3;
	_ =	swait.ge [sflag:s17], $0x800  }
0x23: {  	v4 =	vadd.s32 s29, v0;
	v3 =	vor.u32 v2, v3;
	[sflag:s17] =	ssyncset.done $0x0  }
0x24: {  	s30 =	simm.s32 $0x4;
	v4 =	vand.u32 $0x7F, v4;
	[sflag:s17] =	ssyncadd.s32 $0xFFFFF800  }
0x25: {  	v5 =	vadd.s32 s30, v1;
	v4 =	vor.u32 v2, v4;
	_ =	swait.ge [sflag:s17], $0x800  }
0x26: {  	v5 =	vand.u32 $0x7F, v5;
	[sflag:s17] =	ssyncset.done $0x0  }
0x27: {  	v6 =	vadd.s32 s30, v0;
	v5 =	vor.u32 v2, v5;
	[sflag:s17] =	ssyncadd.s32 $0xFFFFF800  }
0x28: {  	s31 =	simm.s32 $0x2;
	v6 =	vand.u32 $0x7F, v6;
	v7 =	vld.idx.msk [tilespmem:v3+s3+$0x0], $0xffff  }
0x29: {  	v8 =	vadd.s32 s31, v0;
	v6 =	vor.u32 v2, v6;
	v9 =	vld.idx.msk [tilespmem:v3+s12+$0x0], $0xffff  }
0x2a: {  	v8 =	vand.u32 $0x7F, v8;
	s26 =	simm.s32 $0x6;
	v10 =	vld.idx.msk [tilespmem:v4+s12+$0x0], $0xffff  }
0x2b: {  	v8 =	vor.u32 v2, v8;
	v11 =	vadd.s32 s26, v0;
	v12 =	vld.idx.msk [tilespmem:v4+s3+$0x0], $0xffff  }
0x2c: {  	v11 =	vand.u32 $0x7F, v11;
	v13 =	vld.idx.msk [tilespmem:v5+s12+$0x0], $0xffff  }
0x2d: {  	v11 =	vor.u32 v2, v11;
	v15 =	vld.idx.msk [tilespmem:v3+s13+$0x0], $0xffff  }
0x2e: {  	v16 =	vld.idx.msk [tilespmem:v6+s12+$0x0], $0xffff  }
0x2f: {  	v3 =	vadd.s32 s31, v1;
	v14 =	vld.idx.msk [tilespmem:v5+s3+$0x0], $0xffff  }
0x30: {  	v17 =	vadd.s32 s26, v1;
	v18 =	vld.idx.msk [tilespmem:v8+s3+$0x0], $0xffff;
	v3 =	vand.u32 $0x7F, v3  }
0x31: {  	v17 =	vand.u32 $0x7F, v17;
	v4 =	vld.idx.msk [tilespmem:v4+s13+$0x0], $0xffff;
	v19 =	vor.u32 v2, v3  }
0x32: {  	v17 =	vor.u32 v2, v17;
	v20 =	vld.idx.msk [tilespmem:v11+s12+$0x0], $0xffff  }
0x33: {  	v21 =	vld.idx.msk [tilespmem:v8+s13+$0x0], $0xffff  }
0x34: {  	v5 =	vld.idx.msk [tilespmem:v5+s13+$0x0], $0xffff  }
0x35: {  	v22 =	vimm.f32 $-3.000000010e+38;
	v23 =	vimm.f32 $3.000000010e+38;
	v3 =	vld.idx.msk [tilespmem:v6+s3+$0x0], $0xffff;
	v9 =	vadd.f32 v9, v10  }
0x36: {  	v10 =	vimm.f32 $0.0e+00;
	v7 =	vadd.f32 v7, v12;
	v26 =	vmax.f32 v4, v15;
	v12 =	vld.idx.msk [tilespmem:v19+s13+$0x0], $0xffff  }
0x37: {  	v27 =	vmin.f32 v4, v15;
	v35 =	vadd.f32 v13, v16;
	v24 =	vadd.f32 v9, v10;
	v9 =	vld.idx.msk [tilespmem:v17+s12+$0x0], $0xffff  }
0x38: {  	v37 =	vadd.f32 v15, v4;
	v28 =	vmax.f32 v23, v27;
	v30 =	vmin.f32 v23, v26;
	v25 =	vld.idx.msk [tilespmem:v19+s3+$0x0], $0xffff  }
0x39: {  	v32 =	vld.idx.msk [tilespmem:v8+s12+$0x0], $0xffff;
	v31 =	vmin.f32 v22, v27;
	v33 =	vmax.f32 v23, v26;
	v34 =	vmin.f32 v22, v26  }
0x3a: {  	v36 =	vmax.f32 v22, v27;
	v27 =	vmin.f32 v23, v27;
	v4 =	vmax.f32 v22, v26;
	v19 =	vld.idx.msk [tilespmem:v19+s12+$0x0], $0xffff  }
0x3b: {  	v8 =	vld.idx.msk [tilespmem:v17+s13+$0x0], $0xffff;
	v29 =	vadd.f32 v7, v10;
	v3 =	vadd.f32 v14, v3;
	v14 =	vmin.f32 v28, v30  }
0x3c: {  	v6 =	vld.idx.msk [tilespmem:v6+s13+$0x0], $0xffff;
	v31 =	vmax.f32 v31, v22;
	v13 =	vmin.f32 v33, v23;
	v10 =	vadd.f32 v37, v10  }
0x3d: {  	v7 =	vld.idx.msk [tilespmem:v11+s13+$0x0], $0xffff;
	v38 =	vadd.f32 v25, v18;
	v16 =	vadd.f32 v9, v20;
	v22 =	vmax.f32 v21, v12  }
0x3e: {  	v26 =	vmin.f32 v21, v12;
	v18 =	vld.idx.msk [tilespmem:v11+s3+$0x0], $0xffff;
	v11 =	vmin.f32 v34, v36;
	v9 =	vadd.f32 v12, v21  }
0x3f: {  	v15 =	vld.idx.msk [tilespmem:v17+s3+$0x0], $0xffff;
	v12 =	vmax.f32 v28, v30;
	v19 =	vadd.f32 v19, v32;
	v30 =	vmax.f32 v34, v36  }
0x40: {  	v23 =	vmin.f32 v4, v22;
	v28 =	vmax.f32 v4, v22;
	v20 =	vmax.f32 v27, v26  }
0x41: {  	v25 =	vmin.f32 v12, v13;
	v12 =	vmin.f32 v14, v22;
	v4 =	vmax.f32 v6, v5  }
0x42: {  	v21 =	vmax.f32 v11, v31;
	v11 =	vmin.f32 v7, v8;
	v13 =	vmin.f32 v20, v12  }
0x43: {  	v17 =	vmax.f32 v28, v4;
	v20 =	vmax.f32 v20, v12;
	v12 =	vadd.f32 v19, v24  }
0x44: {  	v24 =	vadd.f32 v15, v18;
	v18 =	vmin.f32 v27, v26;
	v27 =	vmin.f32 v6, v5  }
0x45: {  	v31 =	vadd.f32 v38, v29;
	v29 =	vadd.f32 v35, v12;
	v19 =	vmin.f32 v18, v27  }
0x46: {  	s26 =	simm.s32 $0xE;
	s25 =	simm.s32 $0x0;
	v15 =	vmin.f32 v13, v4;
	v18 =	vmax.f32 v18, v27;
	v12 =	vmax.f32 v19, v11  }
.LBB2_3:
0x47: {  	s28 =	sadd.s32 $0xFFFFFFFA, s26;
	s29 =	sadd.s32 $0xFFFFFFFC, s26;
	s25 =	sadd.s32 $0x4, s25;
	v32 =	vmax.f32 v30, v26;
	v26 =	vmin.f32 v30, v26;
	v28 =	vmin.f32 v28, v4  }
0x48: {  	v30 =	vadd.s32 s28, v0;
	v33 =	vadd.s32 s28, v1;
	s28 =	sadd.s32 $0xFFFFFFFE, s26;
	p0 =	slt.u32 s25, $0x3C;
	v34 =	vmin.f32 v23, v32  }
0x49: {  	v14 =	vmax.f32 v14, v22;
	v30 =	vand.u32 $0x7F, v30;
	v33 =	vand.u32 $0x7F, v33  }
0x4a: {  	v23 =	vmax.f32 v23, v32;
	v22 =	vor.u32 v2, v30;
	v30 =	vor.u32 v2, v33  }
0x4b: {  	v14 =	vmin.f32 v14, v25;
	v32 =	vadd.s32 s28, v0;
	v33 =	vadd.s32 s28, v1  }
0x4c: {  	v25 =	vadd.s32 s29, v0;
	v35 =	vadd.s32 s29, v1;
	v3 =	vadd.f32 v3, v31  }
0x4d: {  	v16 =	vadd.f32 v16, v29;
	v31 =	vand.u32 $0x7F, v33;
	v33 =	vmax.f32 v7, v8  }
0x4e: {  	v29 =	vand.u32 $0x7F, v32;
	v32 =	vmax.f32 v23, v27;
	v31 =	vor.u32 v2, v31  }
0x4f: {  	v25 =	vand.u32 $0x7F, v25;
	v23 =	vmin.f32 v23, v27;
	v29 =	vor.u32 v2, v29;
	v36 =	vld.idx.msk [tilespmem:v30+s3+$0x0], $0xffff  }
0x50: {  	v21 =	vmax.f32 v26, v21;
	v25 =	vor.u32 v2, v25;
	v3 =	vadd.f32 v24, v3;
	v27 =	vld.idx.msk [tilespmem:v30+s12+$0x0], $0xffff  }
0x51: {  	v37 =	vadd.s32 s26, v1;
	v26 =	vadd.s32 s26, v0;
	v38 =	vmin.f32 v17, v33;
	v24 =	vld.idx.msk [tilespmem:v22+s12+$0x0], $0xffff  }
0x52: {  	v40 =	vmin.f32 v18, v15;
	v37 =	vand.u32 $0x7F, v37;
	v26 =	vand.u32 $0x7F, v26;
	v39 =	vld.idx.msk [tilespmem:v22+s3+$0x0], $0xffff  }
0x53: {  	v14 =	vmin.f32 v20, v14;
	v42 =	vor.u32 v2, v26;
	v26 =	vor.u32 v2, v37;
	v41 =	vld.idx.msk [tilespmem:v31+s12+$0x0], $0xffff  }
0x54: {  	v17 =	vmax.f32 v17, v33;
	v37 =	vmin.f32 v40, v33;
	v20 =	vld.idx.msk [tilespmem:v30+s13+$0x0], $0xffff;
	v30 =	vmax.f32 v28, v32  }
0x55: {  	v4 =	vmax.f32 v13, v4;
	v35 =	vand.u32 $0x7F, v35;
	v21 =	vmax.f32 v34, v21;
	v43 =	vld.idx.msk [tilespmem:v29+s12+$0x0], $0xffff  }
0x56: {  	v19 =	vmin.f32 v19, v11;
	v13 =	vor.u32 v2, v35;
	v28 =	vmin.f32 v28, v32;
	v34 =	vld.idx.msk [tilespmem:v31+s3+$0x0], $0xffff  }
0x57: {  	v15 =	vmax.f32 v18, v15;
	v4 =	vmin.f32 v4, v14;
	v21 =	vmax.f32 v23, v21;
	v32 =	vld.idx.msk [tilespmem:v25+s3+$0x0], $0xffff  }
0x58: {  	v4 =	vmin.f32 v15, v4;
	v21 =	vmax.f32 v28, v21;
	v14 =	vadd.f32 v27, v24;
	v18 =	vld.idx.msk [tilespmem:v29+s3+$0x0], $0xffff  }
0x59: {  	v24 =	vmin.f32 v30, v11;
	v27 =	vmax.f32 v40, v33;
	v15 =	vadd.f32 v36, v39;
	v23 =	vld.idx.msk [tilespmem:v42+s12+$0x0], $0xffff  }
0x5a: {  	v11 =	vmax.f32 v30, v11;
	v4 =	vmin.f32 v27, v4;
	v33 =	vadd.f32 v14, v16;
	v22 =	vld.idx.msk [tilespmem:v22+s13+$0x0], $0xffff  }
0x5b: {  	v6 =	vadd.f32 v5, v6;
	v16 =	vmin.f32 v38, v11;
	v14 =	vmax.f32 v12, v37;
	v27 =	vld.idx.msk [tilespmem:v25+s13+$0x0], $0xffff  }
0x5c: {  	v9 =	vadd.f32 v9, v10;
	v10 =	vmin.f32 v12, v37;
	v4 =	vmin.f32 v14, v4;
	v5 =	vld.idx.msk [tilespmem:v31+s13+$0x0], $0xffff  }
0x5d: {  	v8 =	vadd.f32 v8, v7;
	v11 =	vmax.f32 v38, v11;
	v12 =	vadd.f32 v15, v3;
	v15 =	vld.idx.msk [tilespmem:v13+s13+$0x0], $0xffff  }
0x5e: {  	v6 =	vadd.f32 v6, v9;
	v28 =	vld.idx.msk [tilespmem:v26+s12+$0x0], $0xffff  }
0x5f: {  	v3 =	vadd.f32 v34, v18;
	v18 =	vmax.f32 v24, v21;
	v9 =	vld.idx.msk [tilespmem:v13+s3+$0x0], $0xffff  }
0x60: {  	v31 =	vadd.f32 v8, v6;
	v21 =	vmax.f32 v22, v20;
	v24 =	vmin.f32 v22, v20;
	v7 =	vld.idx.msk [tilespmem:v42+s13+$0x0], $0xffff  }
0x61: {  	v6 =	vmin.f32 v11, v24;
	v30 =	vmax.f32 v19, v24;
	v34 =	vmin.f32 v10, v21;
	v35 =	vld.idx.msk [tilespmem:v25+s12+$0x0], $0xffff  }
0x62: {  	v8 =	vmax.f32 v16, v18;
	v10 =	vmax.f32 v10, v21;
	v14 =	vmin.f32 v30, v34;
	v36 =	vld.idx.msk [tilespmem:v13+s12+$0x0], $0xffff  }
0x63: {  	v18 =	vmin.f32 v17, v21;
	v13 =	vmax.f32 v6, v8;
	v6 =	vld.idx.msk [tilespmem:v29+s13+$0x0], $0xffff;
	v29 =	vadd.f32 v41, v43  }
0x64: {  	v37 =	vadd.f32 v20, v22;
	v11 =	vmax.f32 v11, v24;
	v19 =	vmin.f32 v19, v24;
	v8 =	vld.idx.msk [tilespmem:v26+s13+$0x0], $0xffff  }
0x65: {  	v17 =	vmax.f32 v17, v21;
	v16 =	vadd.f32 v28, v23;
	v32 =	vadd.f32 v9, v32;
	v24 =	vld.idx.msk [tilespmem:v26+s3+$0x0], $0xffff  }
0x66: {  	v4 =	vmin.f32 v10, v4;
	v22 =	vmax.f32 v27, v15;
	v26 =	vmin.f32 v27, v15;
	v10 =	vld.idx.msk [tilespmem:v42+s3+$0x0], $0xffff  }
0x67: {  	v20 =	vmin.f32 v18, v11;
	v23 =	vmin.f32 v17, v22;
	v9 =	vadd.f32 v15, v27  }
0x68: {  	v28 =	vmax.f32 v17, v22;
	v15 =	vmax.f32 v30, v34;
	v27 =	vmax.f32 v19, v26  }
0x69: {  	v25 =	vmin.f32 v15, v4;
	v15 =	vmin.f32 v14, v22;
	v4 =	vmax.f32 v6, v5  }
0x6a: {  	v21 =	vmax.f32 v20, v13;
	v13 =	vmin.f32 v27, v15;
	v34 =	vadd.f32 v36, v35  }
.Ltmp0:
0x6b: {  	v30 =	vmax.f32 v18, v11;
	v17 =	vmax.f32 v28, v4;
	v11 =	vmin.f32 v7, v8;
	(pc) =	sbr.rel @p0 .LBB2_3-.Ltmp0, $4  }
0x6c: {  	v20 =	vmax.f32 v27, v15;
	v33 =	vadd.f32 v34, v33;
	v24 =	vadd.f32 v24, v10  }
0x6d: {  	v18 =	vmin.f32 v19, v26;
	v27 =	vmin.f32 v6, v5;
	v15 =	vmin.f32 v13, v4  }
0x6e: {  	v19 =	vmin.f32 v18, v27;
	v18 =	vmax.f32 v18, v27;
	v10 =	vadd.f32 v37, v31  }
0x6f: {  	s26 =	sadd.s32 $0x8, s26;
	v31 =	vadd.f32 v32, v12;
	v29 =	vadd.f32 v29, v33;
	v12 =	vmax.f32 v19, v11  }
0x70: {  	v32 =	vmax.f32 v30, v26  }
0x71: {  	v26 =	vmin.f32 v30, v26;
	v28 =	vmin.f32 v28, v4;
	v14 =	vmax.f32 v14, v22  }
0x72: {  	v4 =	vmax.f32 v13, v4;
	v10 =	vadd.f32 v9, v10;
	v61 =	vmin.f32 v23, v32  }
0x73: {  	v22 =	vmax.f32 v23, v32;
	v14 =	vmin.f32 v14, v25;
	v3 =	vadd.f32 v3, v31  }
0x74: {  	s28 =	simm.s32 $0x2;
	v23 =	vmax.f32 v7, v8;
	v16 =	vadd.f32 v16, v29;
	v21 =	vmax.f32 v26, v21  }
0x75: {  	v9 =	vadd.s32 s28, v1;
	v25 =	vmax.f32 v22, v27;
	v22 =	vmin.f32 v22, v27  }
0x76: {  	v26 =	vmin.f32 v17, v23;
	v27 =	vmin.f32 v18, v15;
	v14 =	vmin.f32 v20, v14  }
0x77: {  	v21 =	vmax.f32 v61, v21;
	v15 =	vmax.f32 v18, v15;
	v9 =	vand.u32 $0x7F, v9  }
0x78: {  	v24 =	vadd.f32 v24, v3;
	v20 =	vmax.f32 v28, v25;
	v3 =	vmax.f32 v17, v23  }
0x79: {  	v17 =	vmin.f32 v27, v23;
	v13 =	vmin.f32 v28, v25;
	v21 =	vmax.f32 v22, v21  }
0x7a: {  	s25 =	simm.s32 $0x6;
	s26 =	simm.s32 $0x0;
	v14 =	vmin.f32 v4, v14;
	v4 =	vmin.f32 v19, v11;
	v18 =	vmax.f32 v27, v23  }
0x7b: {  	v19 =	vadd.s32 s25, v1;
	v23 =	vadd.s32 s26, v0;
	v25 =	vor.u32 v2, v9  }
0x7c: {  	v13 =	vmax.f32 v13, v21;
	v14 =	vmin.f32 v15, v14;
	v15 =	vmin.f32 v20, v11  }
0x7d: {  	v11 =	vmax.f32 v20, v11;
	v14 =	vmin.f32 v18, v14;
	v18 =	vand.u32 $0x7F, v19  }
0x7e: {  	v19 =	vadd.f32 v5, v6;
	v5 =	vadd.s32 s26, v1;
	v18 =	vor.u32 v2, v18  }
0x7f: {  	v20 =	vmin.f32 v26, v11;
	v6 =	vmax.f32 v12, v17;
	v5 =	vand.u32 $0x7F, v5  }
0x80: {  	v22 =	vld.idx.msk [tilespmem:v2+s12+$0x0], $0xffff;
	v21 =	vor.u32 v2, v5;
	v5 =	vmin.f32 v12, v17;
	v17 =	vadd.s32 s25, v0  }
0x81: {  	v6 =	vmin.f32 v6, v14;
	v14 =	vand.u32 $0x7F, v23;
	v12 =	vld.idx.msk [tilespmem:v2+s3+$0x0], $0xffff;
	v9 =	vand.u32 $0x7F, v17  }
0x82: {  	v14 =	vor.u32 v2, v14;
	v17 =	vor.u32 v2, v9;
	v9 =	vmax.f32 v26, v11;
	v26 =	vld.idx.msk [tilespmem:v25+s3+$0x0], $0xffff  }
0x83: {  	s31 =	simm.s32 $0x4;
	v7 =	vadd.f32 v8, v7;
	v23 =	vld.idx.msk [tilespmem:v18+s3+$0x0], $0xffff  }
0x84: {  	v8 =	vadd.f32 v19, v10;
	v19 =	vadd.s32 s31, v0;
	v10 =	vmul.f32 $7.812500000e-03, v16;
	v18 =	vld.idx.msk [tilespmem:v18+s12+$0x0], $0xffff  }
0x85: {  	v15 =	vmax.f32 v15, v13;
	v16 =	vand.u32 $0x7F, v19;
	v11 =	vmul.f32 $7.812500000e-03, v24;
	v24 =	vld.idx.msk [tilespmem:v21+s3+$0x0], $0xffff  }
0x86: {  	v13 =	vadd.f32 v7, v8;
	v8 =	vsub.f32 v22, v10;
	v22 =	vadd.s32 s28, v0;
	v19 =	vld.idx.msk [tilespmem:v21+s12+$0x0], $0xffff  }
0x87: {  	v7 =	vsub.f32 v12, v11;
	v21 =	vor.u32 v2, v16;
	v12 =	vmax.f32 v20, v15;
	v20 =	vld.idx.msk [tilespmem:v14+s3+$0x0], $0xffff  }
0x88: {  	v16 =	vadd.s32 s31, v1;
	v15 =	vand.u32 $0x7F, v22;
	v14 =	vld.idx.msk [tilespmem:v14+s12+$0x0], $0xffff;
	v47 =	vmul.f32 v26, v8  }
0x89: {  	v16 =	vand.u32 $0x7F, v16;
	v27 =	vld.idx.msk [tilespmem:v17+s3+$0x0], $0xffff;
	v26 =	vmul.f32 v26, v7;
	v28 =	vmul.f32 v23, v7  }
0x8a: {  	v15 =	vor.u32 v2, v15;
	v29 =	vld.idx.msk [tilespmem:v17+s12+$0x0], $0xffff;
	v23 =	vmul.f32 v23, v8;
	v62 =	vmul.f32 v18, v8  }
0x8b: {  	v22 =	vor.u32 v2, v16;
	v63 =	vmul.f32 v18, v7;
	v18 =	vld.idx.msk [tilespmem:v25+s12+$0x0], $0xffff;
	v25 =	vmul.f32 v24, v7  }
0x8c: {  	v17 =	vimm.f32 $-3.000000010e+38;
	v46 =	vmul.f32 v19, v8;
	v24 =	vmul.f32 v24, v8  }
0x8d: {  	v16 =	vimm.f32 $3.000000010e+38;
	v33 =	vld.idx.msk [tilespmem:v21+s3+$0x0], $0xffff;
	v19 =	vmul.f32 v19, v7;
	v39 =	vmul.f32 v14, v8  }
0x8e: {  	v21 =	vld.idx.msk [tilespmem:v21+s12+$0x0], $0xffff;
	v14 =	vmul.f32 v14, v7;
	v28 =	vadd.f32 v62, v28;
	v34 =	vmul.f32 v27, v7  }
0x8f: {  	v36 =	vld.idx.msk [tilespmem:v15+s3+$0x0], $0xffff;
	v23 =	vsub.f32 v23, v63;
	v27 =	vmul.f32 v27, v8;
	v35 =	vmul.f32 v29, v8  }
0x90: {  	v38 =	vld.idx.msk [tilespmem:v15+s12+$0x0], $0xffff;
	v19 =	vsub.f32 v24, v19;
	v24 =	vmul.f32 v20, v8;
	v15 =	vmul.f32 v29, v7  }
0x91: {  	v25 =	vadd.f32 v46, v25;
	v20 =	vmul.f32 v20, v7;
	v37 =	vmul.f32 v18, v7  }
0x92: {  	v29 =	vadd.f32 v35, v34;
	v34 =	vmul.f32 v18, v8;
	v14 =	vsub.f32 v24, v14  }
0x93: {  	v48 =	vld.idx.msk [tilespmem:v22+s3+$0x0], $0xffff;
	v20 =	vadd.f32 v39, v20;
	v35 =	vmul.f32 v21, v8;
	v40 =	vmul.f32 v33, v8  }
0x94: {  	v49 =	vld.idx.msk [tilespmem:v22+s12+$0x0], $0xffff;
	v15 =	vsub.f32 v27, v15;
	v21 =	vmul.f32 v21, v7;
	v63 =	vmul.f32 v33, v7  }
0x95: {  	v30 =	vsub.f32 v47, v37;
	v18 =	vmin.f32 v29, v28;
	v22 =	vmax.f32 v29, v28  }
0x96: {  	v28 =	vmul.f32 v36, v8;
	v29 =	vmul.f32 v38, v7;
	v50 =	vmax.f32 v14, v19  }
0x97: {  	v14 =	vmin.f32 v14, v19;
	v19 =	vmul.f32 v36, v7;
	v46 =	vmax.f32 v15, v23  }
0x98: {  	v23 =	vmin.f32 v15, v23;
	v26 =	vadd.f32 v34, v26;
	v41 =	vmul.f32 v48, v7  }
0x99: {  	v24 =	vmul.f32 v48, v8;
	v51 =	vmin.f32 v17, v50;
	v39 =	vmul.f32 v49, v8  }
0x9a: {  	v37 =	vmul.f32 v49, v7;
	v42 =	vmax.f32 v17, v14;
	v43 =	vmax.f32 v16, v50  }
0x9b: {  	v21 =	vsub.f32 v40, v21;
	v52 =	vmin.f32 v17, v14;
	v53 =	vmin.f32 v16, v14  }
0x9c: {  	v14 =	vmax.f32 v16, v14;
	v44 =	vmax.f32 v17, v50;
	v32 =	vmin.f32 v16, v50  }
0x9d: {  	v28 =	vsub.f32 v28, v29;
	v29 =	vmax.f32 v51, v42;
	v36 =	vmin.f32 v51, v42  }
0x9e: {  	v27 =	vmin.f32 v14, v32;
	v56 =	vmin.f32 v43, v16;
	v14 =	vmax.f32 v14, v32  }
0x9f: {  	v40 =	vmax.f32 v52, v17;
	v24 =	vsub.f32 v24, v37;
	v31 =	vmin.f32 v14, v56  }
0xa0: {  	v36 =	vmax.f32 v36, v40;
	v40 =	vadd.f32 v39, v41;
	v41 =	vmul.f32 v38, v8  }
0xa1: {  	v54 =	vmax.f32 v28, v30;
	v28 =	vmin.f32 v28, v30;
	v55 =	vmin.f32 v21, v24  }
0xa2: {  	v45 =	vmin.f32 v44, v54;
	v21 =	vmax.f32 v21, v24;
	v24 =	vmin.f32 v29, v28  }
0xa3: {  	v57 =	vmin.f32 v53, v28;
	v37 =	vmax.f32 v53, v28;
	v15 =	vmax.f32 v44, v54  }
0xa4: {  	v14 =	vmin.f32 v27, v54;
	v27 =	vmax.f32 v27, v54;
	v28 =	vmax.f32 v29, v28  }
0xa5: {  	v19 =	vadd.f32 v41, v19;
	v58 =	vmax.f32 v57, v55;
	v43 =	vmin.f32 v57, v55  }
0xa6: {  	v59 =	vmin.f32 v37, v14;
	v47 =	vmax.f32 v15, v21;
	v15 =	vmin.f32 v15, v21  }
0xa7: {  	v61 =	vmax.f32 v45, v28;
	v28 =	vmin.f32 v45, v28;
	v24 =	vmax.f32 v24, v36  }
0xa8: {  	v42 =	vmax.f32 v43, v23;
	v48 =	vmin.f32 v59, v21;
	v44 =	vmax.f32 v59, v21  }
0xa9: {  	v60 =	vmin.f32 v47, v46;
	v24 =	vmax.f32 v28, v24;
	v28 =	vmax.f32 v61, v55  }
0xaa: {  	v30 =	vmin.f32 v61, v55;
	v53 =	vmax.f32 v19, v26;
	v19 =	vmin.f32 v19, v26  }
0xab: {  	v49 =	vmin.f32 v58, v48;
	v32 =	vmax.f32 v58, v48;
	v62 =	vmax.f32 v15, v28  }
0xac: {  	v15 =	vmin.f32 v15, v28;
	v24 =	vmax.f32 v30, v24;
	v29 =	vmin.f32 v49, v46  }
0xad: {  	v15 =	vmax.f32 v15, v24;
	v24 =	vmax.f32 v62, v23;
	v28 =	vmin.f32 v62, v23  }
0xae: {  	v49 =	vmax.f32 v49, v46;
	v36 =	vmin.f32 v60, v24;
	v15 =	vmax.f32 v28, v15  }
0xaf: {  	v28 =	vmax.f32 v37, v14;
	v14 =	vmax.f32 v36, v15;
	v15 =	vmin.f32 v27, v31  }
0xb0: {  	v21 =	vmax.f32 v42, v29;
	v27 =	vadd.f32 v35, v63;
	v28 =	vmin.f32 v28, v15  }
0xb1: {  	v15 =	vmax.f32 v60, v24;
	v24 =	vmax.f32 v20, v25;
	v20 =	vmin.f32 v20, v25  }
0xb2: {  	v33 =	vmax.f32 v27, v40;
	v25 =	vmax.f32 v17, v24;
	v27 =	vmin.f32 v27, v40  }
0xb3: {  	v45 =	vmin.f32 v17, v20;
	v28 =	vmin.f32 v44, v28;
	v48 =	vmax.f32 v17, v20  }
0xb4: {  	v50 =	vmin.f32 v16, v24;
	v51 =	vmax.f32 v16, v20;
	v20 =	vmin.f32 v16, v20  }
0xb5: {  	v30 =	vmax.f32 v45, v17;
	v17 =	vmin.f32 v17, v24;
	v24 =	vmax.f32 v16, v24  }
0xb6: {  	v52 =	vmax.f32 v51, v50;
	v54 =	vmax.f32 v25, v53;
	v25 =	vmin.f32 v25, v53  }
0xb7: {  	v56 =	vmin.f32 v20, v19;
	v34 =	vmin.f32 v51, v50;
	v26 =	vmax.f32 v17, v48  }
0xb8: {  	v17 =	vmin.f32 v17, v48;
	v57 =	vmax.f32 v54, v33;
	v58 =	vmin.f32 v56, v27  }
0xb9: {  	v16 =	vmin.f32 v24, v16;
	v17 =	vmax.f32 v17, v30;
	v55 =	vmax.f32 v26, v19  }
0xba: {  	v26 =	vmin.f32 v26, v19;
	v59 =	vmin.f32 v57, v22;
	v30 =	vmin.f32 v54, v33  }
0xbb: {  	v16 =	vmin.f32 v52, v16;
	v19 =	vmax.f32 v20, v19;
	v20 =	vmin.f32 v34, v53  }
0xbc: {  	v63 =	vmax.f32 v58, v18;
	v60 =	vmax.f32 v25, v55;
	v17 =	vmax.f32 v26, v17  }
0xbd: {  	v25 =	vmin.f32 v25, v55;
	v26 =	vmax.f32 v34, v53;
	v34 =	vmin.f32 v19, v20  }
0xbe: {  	v19 =	vmax.f32 v19, v20;
	v24 =	vmax.f32 v60, v27;
	v61 =	vmin.f32 v60, v27  }
0xbf: {  	v16 =	vmin.f32 v26, v16;
	v26 =	vmax.f32 v56, v27;
	v20 =	vmax.f32 v34, v33  }
0xc0: {  	v17 =	vmax.f32 v25, v17;
	v62 =	vmax.f32 v30, v24;
	v16 =	vmin.f32 v19, v16  }
0xc1: {  	v19 =	vmin.f32 v34, v33;
	v24 =	vmin.f32 v30, v24;
	v17 =	vmax.f32 v61, v17  }
0xc2: {  	v27 =	vmin.f32 v62, v18;
	v35 =	vmax.f32 v62, v18;
	v25 =	vmin.f32 v26, v19  }
0xc3: {  	v16 =	vmin.f32 v20, v16;
	v19 =	vmax.f32 v26, v19;
	v24 =	vmax.f32 v24, v17  }
0xc4: {  	v18 =	vmin.f32 v58, v18;
	v26 =	vmin.f32 v43, v23;
	v20 =	vmin.f32 v25, v22  }
0xc5: {  	v16 =	vmin.f32 v19, v16;
	v19 =	vmax.f32 v25, v22;
	v24 =	vmax.f32 v27, v24  }
0xc6: {  	v22 =	vmax.f32 v57, v22;
	v27 =	vmin.f32 v42, v29;
	v25 =	vmax.f32 v63, v20  }
0xc7: {  	v17 =	vmin.f32 v63, v20;
	v16 =	vmin.f32 v19, v16;
	v20 =	vmin.f32 v59, v35  }
0xc8: {  	v19 =	vmax.f32 v59, v35;
	v20 =	vmax.f32 v20, v24;
	v24 =	vmin.f32 v32, v28  }
0xc9: {  	s26 =	simm.s32 $0xE;
	s25 =	simm.s32 $0x0;
	v16 =	vmin.f32 v25, v16;
	v25 =	vmax.f32 v47, v46;
	v23 =	vmin.f32 v49, v24  }
.LBB2_5:
0xca: {  	s28 =	sadd.s32 $0xFFFFFFFA, s26;
	s29 =	sadd.s32 $0xFFFFFFFC, s26;
	s30 =	sadd.s32 $0xFFFFFFFE, s26;
	v24 =	vadd.s32 s26, v0;
	v28 =	vadd.s32 s26, v1;
	v21 =	vmin.f32 v21, v23  }
0xcb: {  	s25 =	sadd.s32 $0x4, s25;
	v23 =	vadd.s32 s28, v0;
	v29 =	vadd.s32 s28, v1;
	v28 =	vand.u32 $0x7F, v28  }
0xcc: {  	p0 =	slt.u32 s25, $0x3C;
	v23 =	vand.u32 $0x7F, v23;
	v29 =	vand.u32 $0x7F, v29;
	v28 =	vor.u32 v2, v28  }
0xcd: {  	v30 =	vadd.s32 s30, v1;
	v23 =	vor.u32 v2, v23;
	v29 =	vor.u32 v2, v29  }
0xce: {  	v31 =	vadd.s32 s29, v0;
	v32 =	vadd.s32 s29, v1;
	v33 =	vadd.s32 s30, v0  }
0xcf: {  	v31 =	vand.u32 $0x7F, v31;
	v32 =	vand.u32 $0x7F, v32;
	v30 =	vand.u32 $0x7F, v30  }
0xd0: {  	v24 =	vand.u32 $0x7F, v24;
	v33 =	vand.u32 $0x7F, v33;
	v32 =	vor.u32 v2, v32  }
0xd1: {  	v24 =	vor.u32 v2, v24;
	v31 =	vor.u32 v2, v31;
	v33 =	vor.u32 v2, v33;
	v34 =	vld.idx.msk [tilespmem:v28+s3+$0x0], $0xffff  }
0xd2: {  	v35 =	vld.idx.msk [tilespmem:v28+s12+$0x0], $0xffff  }
0xd3: {  	v36 =	vld.idx.msk [tilespmem:v29+s3+$0x0], $0xffff  }
0xd4: {  	v37 =	vor.u32 v2, v30;
	v29 =	vld.idx.msk [tilespmem:v29+s12+$0x0], $0xffff  }
0xd5: {  	v28 =	vld.idx.msk [tilespmem:v32+s3+$0x0], $0xffff  }
0xd6: {  	v38 =	vld.idx.msk [tilespmem:v24+s3+$0x0], $0xffff  }
0xd7: {  	v30 =	vmul.f32 v34, v7;
	v34 =	vmul.f32 v34, v8;
	v39 =	vld.idx.msk [tilespmem:v23+s3+$0x0], $0xffff  }
0xd8: {  	v40 =	vmul.f32 v35, v8;
	v41 =	vmul.f32 v35, v7;
	v24 =	vld.idx.msk [tilespmem:v24+s12+$0x0], $0xffff  }
0xd9: {  	v32 =	vld.idx.msk [tilespmem:v32+s12+$0x0], $0xffff  }
0xda: {  	v42 =	vmul.f32 v36, v7;
	v43 =	vmul.f32 v29, v8;
	v40 =	vadd.f32 v40, v30;
	v35 =	vld.idx.msk [tilespmem:v33+s3+$0x0], $0xffff  }
0xdb: {  	v36 =	vmul.f32 v36, v8;
	v29 =	vmul.f32 v29, v7;
	v33 =	vld.idx.msk [tilespmem:v33+s12+$0x0], $0xffff  }
0xdc: {  	v30 =	vadd.f32 v43, v42;
	v42 =	vmul.f32 v28, v8;
	v23 =	vld.idx.msk [tilespmem:v23+s12+$0x0], $0xffff  }
0xdd: {  	v29 =	vsub.f32 v36, v29;
	v44 =	vmul.f32 v38, v7;
	v38 =	vmul.f32 v38, v8;
	v43 =	vld.idx.msk [tilespmem:v37+s3+$0x0], $0xffff  }
0xde: {  	v45 =	vmul.f32 v39, v8;
	v47 =	vmul.f32 v24, v8;
	v46 =	vld.idx.msk [tilespmem:v31+s3+$0x0], $0xffff  }
0xdf: {  	v48 =	vmul.f32 v24, v7;
	v36 =	vld.idx.msk [tilespmem:v31+s12+$0x0], $0xffff;
	v31 =	vmul.f32 v32, v7  }
0xe0: {  	v39 =	vmul.f32 v39, v7;
	v49 =	vmul.f32 v32, v8;
	v24 =	vadd.f32 v47, v44  }
0xe1: {  	v31 =	vsub.f32 v42, v31;
	v32 =	vld.idx.msk [tilespmem:v37+s12+$0x0], $0xffff;
	v37 =	vmul.f32 v33, v8  }
0xe2: {  	v42 =	vmul.f32 v23, v8;
	v44 =	vmul.f32 v23, v7;
	v23 =	vmin.f32 v24, v40  }
0xe3: {  	v47 =	vmul.f32 v35, v8;
	v24 =	vmax.f32 v24, v40;
	v50 =	vmul.f32 v43, v7  }
0xe4: {  	v33 =	vmul.f32 v33, v7;
	v43 =	vmul.f32 v43, v8;
	v40 =	vsub.f32 v45, v44  }
0xe5: {  	v39 =	vadd.f32 v42, v39;
	v42 =	vmul.f32 v46, v8;
	v44 =	vmul.f32 v36, v7  }
0xe6: {  	v45 =	vmax.f32 v40, v29;
	v29 =	vmin.f32 v40, v29;
	v40 =	vmul.f32 v46, v7  }
0xe7: {  	v46 =	vmin.f32 v25, v45;
	v51 =	vmul.f32 v32, v8;
	v32 =	vmul.f32 v32, v7  }
0xe8: {  	v33 =	vsub.f32 v47, v33;
	v52 =	vmax.f32 v15, v29;
	v53 =	vmax.f32 v27, v45  }
0xe9: {  	v15 =	vmin.f32 v15, v29;
	v42 =	vsub.f32 v42, v44;
	v32 =	vsub.f32 v43, v32  }
0xea: {  	v44 =	vmin.f32 v46, v52;
	v43 =	vmax.f32 v46, v52;
	v46 =	vmin.f32 v26, v29  }
0xeb: {  	v14 =	vmax.f32 v15, v14;
	v15 =	vmax.f32 v26, v29;
	v47 =	vmax.f32 v42, v31  }
0xec: {  	v29 =	vmax.f32 v25, v45;
	v42 =	vmin.f32 v42, v31;
	v52 =	vmin.f32 v33, v32  }
0xed: {  	v27 =	vmin.f32 v27, v45;
	v45 =	vmin.f32 v29, v47;
	v54 =	vmax.f32 v33, v32  }
0xee: {  	v26 =	vsub.f32 v38, v48;
	v31 =	vsub.f32 v34, v41;
	v55 =	vmin.f32 v43, v42  }
0xef: {  	v21 =	vmin.f32 v53, v21;
	v32 =	vmin.f32 v15, v27;
	v33 =	vmin.f32 v46, v42  }
0xf0: {  	v38 =	vmax.f32 v46, v42;
	v25 =	vmax.f32 v26, v31;
	v26 =	vmin.f32 v26, v31  }
0xf1: {  	v41 =	vmax.f32 v29, v47;
	v15 =	vmax.f32 v15, v27;
	v34 =	vmax.f32 v33, v52  }
0xf2: {  	v15 =	vmin.f32 v15, v21;
	v46 =	vmin.f32 v32, v47;
	v29 =	vmin.f32 v33, v52  }
0xf3: {  	v47 =	vmax.f32 v32, v47;
	v21 =	vmin.f32 v38, v46;
	v27 =	vmax.f32 v29, v26  }
0xf4: {  	v31 =	vmax.f32 v41, v54;
	v32 =	vmin.f32 v21, v54;
	v48 =	vmax.f32 v21, v54  }
0xf5: {  	v53 =	vmin.f32 v31, v25;
	v21 =	vmin.f32 v34, v32;
	v33 =	vmax.f32 v34, v32  }
0xf6: {  	v42 =	vmax.f32 v43, v42;
	v34 =	vmin.f32 v21, v25;
	v32 =	vmax.f32 v21, v25  }
0xf7: {  	v14 =	vmax.f32 v44, v14;
	v41 =	vmin.f32 v41, v54;
	v21 =	vmax.f32 v27, v34  }
0xf8: {  	v14 =	vmax.f32 v55, v14;
	v43 =	vmax.f32 v45, v42;
	v42 =	vmin.f32 v45, v42  }
0xf9: {  	v14 =	vmax.f32 v42, v14;
	v42 =	vmax.f32 v43, v52;
	v43 =	vmin.f32 v43, v52  }
0xfa: {  	v44 =	vmax.f32 v41, v42;
	v41 =	vmin.f32 v41, v42;
	v14 =	vmax.f32 v43, v14  }
0xfb: {  	v14 =	vmax.f32 v41, v14;
	v41 =	vmax.f32 v44, v26;
	v42 =	vmin.f32 v44, v26  }
0xfc: {  	v35 =	vmul.f32 v35, v7;
	v43 =	vmin.f32 v53, v41;
	v14 =	vmax.f32 v42, v14  }
0xfd: {  	v28 =	vmul.f32 v28, v7;
	v38 =	vmax.f32 v38, v46;
	v14 =	vmax.f32 v43, v14  }
0xfe: {  	v35 =	vadd.f32 v37, v35;
	v37 =	vadd.f32 v51, v50;
	v15 =	vmin.f32 v47, v15  }
0xff: {  	v28 =	vadd.f32 v49, v28;
	v38 =	vmin.f32 v38, v15;
	v15 =	vmax.f32 v53, v41  }
0x100: {  	v36 =	vmul.f32 v36, v8;
	v41 =	vmax.f32 v39, v30;
	v42 =	vmax.f32 v35, v37  }
0x101: {  	v30 =	vmin.f32 v39, v30;
	v35 =	vmin.f32 v35, v37;
	v39 =	vmax.f32 v22, v41  }
0x102: {  	v36 =	vadd.f32 v36, v40;
	v38 =	vmin.f32 v48, v38;
	v37 =	vmin.f32 v19, v30  }
0x103: {  	v19 =	vmax.f32 v19, v30;
	v20 =	vmax.f32 v37, v20;
	v37 =	vmin.f32 v17, v41  }
0x104: {  	v22 =	vmin.f32 v22, v41;
	v40 =	vmax.f32 v18, v30;
	v17 =	vmax.f32 v17, v41  }
0x105: {  	v43 =	vmax.f32 v36, v28;
	v28 =	vmin.f32 v36, v28;
	v41 =	vmax.f32 v40, v37  }
0x106: {  	v18 =	vmin.f32 v18, v30;
	v36 =	vmax.f32 v22, v19;
	v19 =	vmin.f32 v22, v19  }
0x107: {  	v22 =	vmin.f32 v39, v43;
	v19 =	vmax.f32 v19, v20;
	v20 =	vmax.f32 v39, v43  }
0x108: {  	v30 =	vmax.f32 v36, v28;
	v39 =	vmin.f32 v18, v28;
	v44 =	vmax.f32 v20, v42  }
0x109: {  	v36 =	vmin.f32 v36, v28;
	v45 =	vmin.f32 v39, v35;
	v46 =	vmin.f32 v44, v24  }
0x10a: {  	v37 =	vmin.f32 v40, v37;
	v40 =	vmax.f32 v22, v30;
	v19 =	vmax.f32 v36, v19  }
0x10b: {  	v22 =	vmin.f32 v22, v30;
	v30 =	vmax.f32 v37, v43;
	v20 =	vmin.f32 v20, v42  }
0x10c: {  	v16 =	vmin.f32 v17, v16;
	v17 =	vmax.f32 v40, v35;
	v36 =	vmin.f32 v40, v35  }
0x10d: {  	v18 =	vmax.f32 v18, v28;
	v16 =	vmin.f32 v41, v16;
	v28 =	vmin.f32 v37, v43  }
0x10e: {  	v37 =	vmin.f32 v18, v28;
	v41 =	vmax.f32 v45, v23;
	v40 =	vmax.f32 v20, v17  }
0x10f: {  	v16 =	vmin.f32 v30, v16;
	v30 =	vmax.f32 v39, v35;
	v35 =	vmin.f32 v40, v23  }
0x110: {  	v18 =	vmax.f32 v18, v28;
	v28 =	vmax.f32 v37, v42;
	v39 =	vmax.f32 v40, v23  }
0x111: {  	v19 =	vmax.f32 v22, v19;
	v16 =	vmin.f32 v18, v16;
	v18 =	vmin.f32 v37, v42  }
0x112: {  	v17 =	vmin.f32 v20, v17;
	v20 =	vmin.f32 v30, v18;
	v16 =	vmin.f32 v28, v16  }
0x113: {  	v19 =	vmax.f32 v36, v19;
	v18 =	vmax.f32 v30, v18;
	v22 =	vmin.f32 v20, v24  }
0x114: {  	v16 =	vmin.f32 v18, v16;
	v18 =	vmax.f32 v20, v24;
	v20 =	vmax.f32 v41, v22  }
.Ltmp1:
0x115: {  	v19 =	vmax.f32 v17, v19;
	v17 =	vmin.f32 v41, v22;
	v16 =	vmin.f32 v18, v16;
	(pc) =	sbr.rel @p0 .LBB2_5-.Ltmp1, $4  }
0x116: {  	v18 =	vmin.f32 v46, v39;
	v22 =	vmax.f32 v35, v19;
	v16 =	vmin.f32 v20, v16  }
0x117: {  	v19 =	vmax.f32 v46, v39;
	v20 =	vmax.f32 v18, v22;
	v18 =	vmin.f32 v45, v23  }
0x118: {  	v27 =	vmin.f32 v27, v34;
	v23 =	vmin.f32 v33, v38;
	v22 =	vmax.f32 v44, v24  }
0x119: {  	s26 =	sadd.s32 $0x8, s26;
	v26 =	vmin.f32 v29, v26;
	v25 =	vmax.f32 v31, v25;
	v23 =	vmin.f32 v32, v23  }
0x11a: {  	v18 =	vsub.f32 v22, v18  }
0x11b: {  	v17 =	vsub.f32 v19, v17;
	v16 =	vsub.f32 v20, v16  }
0x11c: {  	v21 =	vmin.f32 v21, v23;
	v19 =	vsub.f32 v25, v26;
	v15 =	vsub.f32 v15, v27  }
0x11d: {  	v3 =	vsub.f32 v3, v4;
	v4 =	vsub.f32 v9, v5;
	v18 =	vmul.f32 $5.714285970e-01, v18  }
0x11e: {  	v6 =	vsub.f32 v12, v6;
	v17 =	vmul.f32 $2.857142980e-01, v17;
	v16 =	vmul.f32 $1.428571490e-01, v16  }
0x11f: {  	[tilespmem:s23+$0x3000] =	vst v11;
	s25 =	sand.u32 $0x7E0, s23;
	v14 =	vsub.f32 v14, v21;
	v19 =	vmul.f32 $5.714285970e-01, v19;
	v9 =	vmul.f32 $2.857142980e-01, v15  }
0x120: {  	[tilespmem:s25+$0x3800] =	vst v10;
	v3 =	vmul.f32 $5.714285970e-01, v3;
	v4 =	vmul.f32 $2.857142980e-01, v4;
	v5 =	vadd.f32 v17, v18  }
0x121: {  	v13 =	vmul.f32 $7.812500000e-03, v13;
	[tilespmem:s25+$0x4800] =	vst v7;
	v10 =	vmul.f32 $1.428571490e-01, v14;
	v9 =	vadd.f32 v9, v19  }
0x122: {  	p0 =	seq.s32 s22, $0x3F;
	[tilespmem:s25+$0x5000] =	vst v8;
	v3 =	vadd.f32 v4, v3;
	v4 =	vmul.f32 $1.428571490e-01, v6;
	v5 =	vadd.f32 v16, v5  }
0x123: {  	s26 =	sadd.s32 @!p0 $0x20, s23;
	[tilespmem:s25+$0x4000] =	vst v13;
	v6 =	vadd.f32 v10, v9  }
0x124: {  	s28 =	sadd.s32 @!p0 s4, s26;
	v3 =	vadd.f32 v4, v3;
	[tilespmem:s25+$0x5800] =	vst v5  }
0x125: {  	s28 =	sshll.u32 @!p0 s28, $0x4;
	[tilespmem:s25+$0x6000] =	vst v6  }
0x126: {  	[tilespmem:s25+$0x6800] =	vst v3;
	s25 =	sadd.s32 @!p0 s2, s28;
	s28 =	simm.s32 @!p0 $0x0  }
0x127: {  	[tilespmem:s28], [sflag:$0x1] =	stream.linear.gather @!p0 [hbm4b:s25+s28], $0x800, $0x38;
	[tilespmem:$0x7000] =	vst v63  }
0x128: {  	s25 =	sadd.s32 @!p0 s5, s26  }
0x129: {  	s25 =	sshll.u32 @!p0 s25, $0x4  }
0x12a: {  	s29 =	simm.s32 @!p0 $0x800;
	s25 =	sadd.s32 @!p0 s2, s25  }
0x12b: {  	[tilespmem:s29], [sflag:$0x1] =	stream.linear.gather @!p0 [hbm4b:s25+s28], $0x800, $0x38;
	[tilespmem:$0x7000] =	vst v63  }
0x12c: {  	s25 =	sadd.s32 @!p0 s6, s26  }
0x12d: {  	s25 =	sshll.u32 @!p0 s25, $0x4  }
0x12e: {  	s26 =	simm.s32 @!p0 $0x1000;
	s25 =	sadd.s32 @!p0 s2, s25  }
0x12f: {  	[tilespmem:s26], [sflag:$0x1] =	stream.linear.gather @!p0 [hbm4b:s25+s28], $0x800, $0x38;
	[tilespmem:$0x7000] =	vst v63  }
0x130: {  	_ =	swait.ge [sflag:s18], $0x800  }
0x131: {  	s28 =	simm.s32 $0x0;
	[sflag:s18] =	ssyncset.done $0x0  }
0x132: {  	v3 =	vadd.s32 s28, v1;
	[sflag:s18] =	ssyncadd.s32 $0xFFFFF800  }
0x133: {  	v3 =	vand.u32 $0x7F, v3;
	_ =	swait.ge [sflag:s18], $0x800  }
0x134: {  	v4 =	vadd.s32 s28, v0;
	v3 =	vor.u32 v2, v3;
	[sflag:s18] =	ssyncset.done $0x0  }
0x135: {  	s29 =	simm.s32 $0x4;
	v4 =	vand.u32 $0x7F, v4;
	[sflag:s18] =	ssyncadd.s32 $0xFFFFF800  }
0x136: {  	v5 =	vadd.s32 s29, v1;
	v4 =	vor.u32 v2, v4;
	_ =	swait.ge [sflag:s18], $0x800  }
0x137: {  	v5 =	vand.u32 $0x7F, v5;
	[sflag:s18] =	ssyncset.done $0x0  }
0x138: {  	v6 =	vadd.s32 s29, v0;
	v5 =	vor.u32 v2, v5;
	[sflag:s18] =	ssyncadd.s32 $0xFFFFF800  }
0x139: {  	s30 =	simm.s32 $0x2;
	v6 =	vand.u32 $0x7F, v6;
	v7 =	vld.idx.msk [tilespmem:v3+s14+$0x0], $0xffff  }
0x13a: {  	v8 =	vadd.s32 s30, v0;
	v6 =	vor.u32 v2, v6;
	v9 =	vld.idx.msk [tilespmem:v3+s15+$0x0], $0xffff  }
0x13b: {  	s31 =	simm.s32 $0x6;
	v8 =	vand.u32 $0x7F, v8;
	v10 =	vld.idx.msk [tilespmem:v4+s15+$0x0], $0xffff  }
0x13c: {  	v11 =	vadd.s32 s31, v0;
	v8 =	vor.u32 v2, v8;
	v12 =	vld.idx.msk [tilespmem:v4+s14+$0x0], $0xffff  }
0x13d: {  	v11 =	vand.u32 $0x7F, v11;
	v13 =	vld.idx.msk [tilespmem:v5+s15+$0x0], $0xffff  }
0x13e: {  	v11 =	vor.u32 v2, v11;
	v15 =	vld.idx.msk [tilespmem:v3+s16+$0x0], $0xffff  }
0x13f: {  	v16 =	vld.idx.msk [tilespmem:v6+s15+$0x0], $0xffff  }
0x140: {  	v3 =	vadd.s32 s30, v1;
	v14 =	vld.idx.msk [tilespmem:v5+s14+$0x0], $0xffff  }
0x141: {  	v17 =	vadd.s32 s31, v1;
	v18 =	vld.idx.msk [tilespmem:v8+s14+$0x0], $0xffff;
	v3 =	vand.u32 $0x7F, v3  }
0x142: {  	v17 =	vand.u32 $0x7F, v17;
	v4 =	vld.idx.msk [tilespmem:v4+s16+$0x0], $0xffff;
	v19 =	vor.u32 v2, v3  }
0x143: {  	v17 =	vor.u32 v2, v17;
	v20 =	vld.idx.msk [tilespmem:v11+s15+$0x0], $0xffff  }
0x144: {  	v21 =	vld.idx.msk [tilespmem:v8+s16+$0x0], $0xffff  }
0x145: {  	v5 =	vld.idx.msk [tilespmem:v5+s16+$0x0], $0xffff  }
0x146: {  	v22 =	vimm.f32 $-3.000000010e+38;
	v23 =	vimm.f32 $3.000000010e+38;
	v3 =	vld.idx.msk [tilespmem:v6+s14+$0x0], $0xffff;
	v9 =	vadd.f32 v9, v10  }
0x147: {  	v10 =	vimm.f32 $0.0e+00;
	v7 =	vadd.f32 v7, v12;
	v26 =	vmax.f32 v4, v15;
	v12 =	vld.idx.msk [tilespmem:v19+s16+$0x0], $0xffff  }
0x148: {  	v27 =	vmin.f32 v4, v15;
	v35 =	vadd.f32 v13, v16;
	v24 =	vadd.f32 v9, v10;
	v9 =	vld.idx.msk [tilespmem:v17+s15+$0x0], $0xffff  }
0x149: {  	v37 =	vadd.f32 v15, v4;
	v28 =	vmax.f32 v23, v27;
	v30 =	vmin.f32 v23, v26;
	v25 =	vld.idx.msk [tilespmem:v19+s14+$0x0], $0xffff  }
0x14a: {  	v32 =	vld.idx.msk [tilespmem:v8+s15+$0x0], $0xffff;
	v31 =	vmin.f32 v22, v27;
	v33 =	vmax.f32 v23, v26;
	v34 =	vmin.f32 v22, v26  }
0x14b: {  	v36 =	vmax.f32 v22, v27;
	v27 =	vmin.f32 v23, v27;
	v4 =	vmax.f32 v22, v26;
	v19 =	vld.idx.msk [tilespmem:v19+s15+$0x0], $0xffff  }
0x14c: {  	v8 =	vld.idx.msk [tilespmem:v17+s16+$0x0], $0xffff;
	v29 =	vadd.f32 v7, v10;
	v3 =	vadd.f32 v14, v3;
	v14 =	vmin.f32 v28, v30  }
0x14d: {  	v6 =	vld.idx.msk [tilespmem:v6+s16+$0x0], $0xffff;
	v31 =	vmax.f32 v31, v22;
	v13 =	vmin.f32 v33, v23;
	v10 =	vadd.f32 v37, v10  }
0x14e: {  	v7 =	vld.idx.msk [tilespmem:v11+s16+$0x0], $0xffff;
	v38 =	vadd.f32 v25, v18;
	v16 =	vadd.f32 v9, v20;
	v22 =	vmax.f32 v21, v12  }
0x14f: {  	v26 =	vmin.f32 v21, v12;
	v18 =	vld.idx.msk [tilespmem:v11+s14+$0x0], $0xffff;
	v11 =	vmin.f32 v34, v36;
	v9 =	vadd.f32 v12, v21  }
0x150: {  	v15 =	vld.idx.msk [tilespmem:v17+s14+$0x0], $0xffff;
	v12 =	vmax.f32 v28, v30;
	v19 =	vadd.f32 v19, v32;
	v30 =	vmax.f32 v34, v36  }
0x151: {  	v23 =	vmin.f32 v4, v22;
	v28 =	vmax.f32 v4, v22;
	v20 =	vmax.f32 v27, v26  }
0x152: {  	v25 =	vmin.f32 v12, v13;
	v12 =	vmin.f32 v14, v22;
	v4 =	vmax.f32 v6, v5  }
0x153: {  	v21 =	vmax.f32 v11, v31;
	v11 =	vmin.f32 v7, v8;
	v13 =	vmin.f32 v20, v12  }
0x154: {  	v17 =	vmax.f32 v28, v4;
	v20 =	vmax.f32 v20, v12;
	v12 =	vadd.f32 v19, v24  }
0x155: {  	v24 =	vadd.f32 v15, v18;
	v18 =	vmin.f32 v27, v26;
	v27 =	vmin.f32 v6, v5  }
0x156: {  	v31 =	vadd.f32 v38, v29;
	v29 =	vadd.f32 v35, v12;
	v19 =	vmin.f32 v18, v27  }
0x157: {  	s25 =	simm.s32 $0x0;
	s26 =	simm.s32 $0xE;
	v15 =	vmin.f32 v13, v4;
	v18 =	vmax.f32 v18, v27;
	v12 =	vmax.f32 v19, v11  }
.LBB2_7:
0x158: {  	s28 =	sadd.s32 $0xFFFFFFFA, s26;
	s29 =	sadd.s32 $0xFFFFFFFC, s26;
	s25 =	sadd.s32 $0x4, s25;
	v32 =	vmax.f32 v30, v26;
	v26 =	vmin.f32 v30, v26;
	v28 =	vmin.f32 v28, v4  }
0x159: {  	v30 =	vadd.s32 s28, v0;
	v33 =	vadd.s32 s28, v1;
	s28 =	sadd.s32 $0xFFFFFFFE, s26;
	p0 =	slt.u32 s25, $0x3C;
	v34 =	vmin.f32 v23, v32  }
0x15a: {  	v14 =	vmax.f32 v14, v22;
	v30 =	vand.u32 $0x7F, v30;
	v33 =	vand.u32 $0x7F, v33  }
0x15b: {  	v23 =	vmax.f32 v23, v32;
	v22 =	vor.u32 v2, v30;
	v30 =	vor.u32 v2, v33  }
0x15c: {  	v14 =	vmin.f32 v14, v25;
	v32 =	vadd.s32 s28, v0;
	v33 =	vadd.s32 s28, v1  }
0x15d: {  	v25 =	vadd.s32 s29, v0;
	v35 =	vadd.s32 s29, v1;
	v3 =	vadd.f32 v3, v31  }
0x15e: {  	v16 =	vadd.f32 v16, v29;
	v31 =	vand.u32 $0x7F, v33;
	v33 =	vmax.f32 v7, v8  }
0x15f: {  	v29 =	vand.u32 $0x7F, v32;
	v32 =	vmax.f32 v23, v27;
	v31 =	vor.u32 v2, v31  }
0x160: {  	v25 =	vand.u32 $0x7F, v25;
	v23 =	vmin.f32 v23, v27;
	v29 =	vor.u32 v2, v29;
	v36 =	vld.idx.msk [tilespmem:v30+s14+$0x0], $0xffff  }
0x161: {  	v21 =	vmax.f32 v26, v21;
	v25 =	vor.u32 v2, v25;
	v3 =	vadd.f32 v24, v3;
	v27 =	vld.idx.msk [tilespmem:v30+s15+$0x0], $0xffff  }
0x162: {  	v37 =	vadd.s32 s26, v1;
	v26 =	vadd.s32 s26, v0;
	v38 =	vmin.f32 v17, v33;
	v24 =	vld.idx.msk [tilespmem:v22+s15+$0x0], $0xffff  }
0x163: {  	v40 =	vmin.f32 v18, v15;
	v37 =	vand.u32 $0x7F, v37;
	v26 =	vand.u32 $0x7F, v26;
	v39 =	vld.idx.msk [tilespmem:v22+s14+$0x0], $0xffff  }
0x164: {  	v14 =	vmin.f32 v20, v14;
	v42 =	vor.u32 v2, v26;
	v26 =	vor.u32 v2, v37;
	v41 =	vld.idx.msk [tilespmem:v31+s15+$0x0], $0xffff  }
0x165: {  	v17 =	vmax.f32 v17, v33;
	v37 =	vmin.f32 v40, v33;
	v20 =	vld.idx.msk [tilespmem:v30+s16+$0x0], $0xffff;
	v30 =	vmax.f32 v28, v32  }
0x166: {  	v4 =	vmax.f32 v13, v4;
	v35 =	vand.u32 $0x7F, v35;
	v21 =	vmax.f32 v34, v21;
	v43 =	vld.idx.msk [tilespmem:v29+s15+$0x0], $0xffff  }
0x167: {  	v19 =	vmin.f32 v19, v11;
	v13 =	vor.u32 v2, v35;
	v28 =	vmin.f32 v28, v32;
	v34 =	vld.idx.msk [tilespmem:v31+s14+$0x0], $0xffff  }
0x168: {  	v15 =	vmax.f32 v18, v15;
	v4 =	vmin.f32 v4, v14;
	v21 =	vmax.f32 v23, v21;
	v32 =	vld.idx.msk [tilespmem:v25+s14+$0x0], $0xffff  }
0x169: {  	v4 =	vmin.f32 v15, v4;
	v21 =	vmax.f32 v28, v21;
	v14 =	vadd.f32 v27, v24;
	v18 =	vld.idx.msk [tilespmem:v29+s14+$0x0], $0xffff  }
0x16a: {  	v24 =	vmin.f32 v30, v11;
	v27 =	vmax.f32 v40, v33;
	v15 =	vadd.f32 v36, v39;
	v23 =	vld.idx.msk [tilespmem:v42+s15+$0x0], $0xffff  }
0x16b: {  	v11 =	vmax.f32 v30, v11;
	v4 =	vmin.f32 v27, v4;
	v33 =	vadd.f32 v14, v16;
	v22 =	vld.idx.msk [tilespmem:v22+s16+$0x0], $0xffff  }
0x16c: {  	v6 =	vadd.f32 v5, v6;
	v16 =	vmin.f32 v38, v11;
	v14 =	vmax.f32 v12, v37;
	v27 =	vld.idx.msk [tilespmem:v25+s16+$0x0], $0xffff  }
0x16d: {  	v9 =	vadd.f32 v9, v10;
	v10 =	vmin.f32 v12, v37;
	v4 =	vmin.f32 v14, v4;
	v5 =	vld.idx.msk [tilespmem:v31+s16+$0x0], $0xffff  }
0x16e: {  	v8 =	vadd.f32 v8, v7;
	v11 =	vmax.f32 v38, v11;
	v12 =	vadd.f32 v15, v3;
	v15 =	vld.idx.msk [tilespmem:v13+s16+$0x0], $0xffff  }
0x16f: {  	v6 =	vadd.f32 v6, v9;
	v28 =	vld.idx.msk [tilespmem:v26+s15+$0x0], $0xffff  }
0x170: {  	v3 =	vadd.f32 v34, v18;
	v18 =	vmax.f32 v24, v21;
	v9 =	vld.idx.msk [tilespmem:v13+s14+$0x0], $0xffff  }
0x171: {  	v31 =	vadd.f32 v8, v6;
	v21 =	vmax.f32 v22, v20;
	v24 =	vmin.f32 v22, v20;
	v7 =	vld.idx.msk [tilespmem:v42+s16+$0x0], $0xffff  }
0x172: {  	v6 =	vmin.f32 v11, v24;
	v30 =	vmax.f32 v19, v24;
	v34 =	vmin.f32 v10, v21;
	v35 =	vld.idx.msk [tilespmem:v25+s15+$0x0], $0xffff  }
0x173: {  	v8 =	vmax.f32 v16, v18;
	v10 =	vmax.f32 v10, v21;
	v14 =	vmin.f32 v30, v34;
	v36 =	vld.idx.msk [tilespmem:v13+s15+$0x0], $0xffff  }
0x174: {  	v18 =	vmin.f32 v17, v21;
	v13 =	vmax.f32 v6, v8;
	v6 =	vld.idx.msk [tilespmem:v29+s16+$0x0], $0xffff;
	v29 =	vadd.f32 v41, v43  }
0x175: {  	v37 =	vadd.f32 v20, v22;
	v11 =	vmax.f32 v11, v24;
	v19 =	vmin.f32 v19, v24;
	v8 =	vld.idx.msk [tilespmem:v26+s16+$0x0], $0xffff  }
0x176: {  	v17 =	vmax.f32 v17, v21;
	v16 =	vadd.f32 v28, v23;
	v32 =	vadd.f32 v9, v32;
	v24 =	vld.idx.msk [tilespmem:v26+s14+$0x0], $0xffff  }
0x177: {  	v4 =	vmin.f32 v10, v4;
	v22 =	vmax.f32 v27, v15;
	v26 =	vmin.f32 v27, v15;
	v10 =	vld.idx.msk [tilespmem:v42+s14+$0x0], $0xffff  }
0x178: {  	v20 =	vmin.f32 v18, v11;
	v23 =	vmin.f32 v17, v22;
	v9 =	vadd.f32 v15, v27  }
0x179: {  	v28 =	vmax.f32 v17, v22;
	v15 =	vmax.f32 v30, v34;
	v27 =	vmax.f32 v19, v26  }
0x17a: {  	v25 =	vmin.f32 v15, v4;
	v15 =	vmin.f32 v14, v22;
	v4 =	vmax.f32 v6, v5  }
0x17b: {  	v21 =	vmax.f32 v20, v13;
	v13 =	vmin.f32 v27, v15;
	v34 =	vadd.f32 v36, v35  }
.Ltmp2:
0x17c: {  	v30 =	vmax.f32 v18, v11;
	v17 =	vmax.f32 v28, v4;
	v11 =	vmin.f32 v7, v8;
	(pc) =	sbr.rel @p0 .LBB2_7-.Ltmp2, $4  }
0x17d: {  	v20 =	vmax.f32 v27, v15;
	v33 =	vadd.f32 v34, v33;
	v24 =	vadd.f32 v24, v10  }
0x17e: {  	v18 =	vmin.f32 v19, v26;
	v27 =	vmin.f32 v6, v5;
	v15 =	vmin.f32 v13, v4  }
0x17f: {  	v19 =	vmin.f32 v18, v27;
	v18 =	vmax.f32 v18, v27;
	v10 =	vadd.f32 v37, v31  }
0x180: {  	s26 =	sadd.s32 $0x8, s26;
	v31 =	vadd.f32 v32, v12;
	v29 =	vadd.f32 v29, v33;
	v12 =	vmax.f32 v19, v11  }
0x181: {  	v32 =	vmax.f32 v30, v26  }
0x182: {  	v26 =	vmin.f32 v30, v26;
	v28 =	vmin.f32 v28, v4;
	v14 =	vmax.f32 v14, v22  }
0x183: {  	v4 =	vmax.f32 v13, v4;
	v10 =	vadd.f32 v9, v10;
	v61 =	vmin.f32 v23, v32  }
0x184: {  	v22 =	vmax.f32 v23, v32;
	v14 =	vmin.f32 v14, v25;
	v3 =	vadd.f32 v3, v31  }
0x185: {  	s28 =	simm.s32 $0x2;
	v23 =	vmax.f32 v7, v8;
	v16 =	vadd.f32 v16, v29;
	v21 =	vmax.f32 v26, v21  }
0x186: {  	v9 =	vadd.s32 s28, v1;
	v25 =	vmax.f32 v22, v27;
	v22 =	vmin.f32 v22, v27  }
0x187: {  	v26 =	vmin.f32 v17, v23;
	v27 =	vmin.f32 v18, v15;
	v14 =	vmin.f32 v20, v14  }
0x188: {  	v21 =	vmax.f32 v61, v21;
	v15 =	vmax.f32 v18, v15;
	v9 =	vand.u32 $0x7F, v9  }
0x189: {  	v24 =	vadd.f32 v24, v3;
	v20 =	vmax.f32 v28, v25;
	v3 =	vmax.f32 v17, v23  }
0x18a: {  	v17 =	vmin.f32 v27, v23;
	v13 =	vmin.f32 v28, v25;
	v21 =	vmax.f32 v22, v21  }
0x18b: {  	s25 =	simm.s32 $0x6;
	s26 =	simm.s32 $0x0;
	v14 =	vmin.f32 v4, v14;
	v4 =	vmin.f32 v19, v11;
	v18 =	vmax.f32 v27, v23  }
0x18c: {  	v19 =	vadd.s32 s25, v1;
	v23 =	vadd.s32 s26, v0;
	v25 =	vor.u32 v2, v9  }
0x18d: {  	v13 =	vmax.f32 v13, v21;
	v14 =	vmin.f32 v15, v14;
	v15 =	vmin.f32 v20, v11  }
0x18e: {  	v11 =	vmax.f32 v20, v11;
	v14 =	vmin.f32 v18, v14;
	v18 =	vand.u32 $0x7F, v19  }
0x18f: {  	v19 =	vadd.f32 v5, v6;
	v5 =	vadd.s32 s26, v1;
	v18 =	vor.u32 v2, v18  }
0x190: {  	v20 =	vmin.f32 v26, v11;
	v6 =	vmax.f32 v12, v17;
	v5 =	vand.u32 $0x7F, v5  }
0x191: {  	v22 =	vld.idx.msk [tilespmem:v2+s15+$0x0], $0xffff;
	v21 =	vor.u32 v2, v5;
	v5 =	vmin.f32 v12, v17;
	v17 =	vadd.s32 s25, v0  }
0x192: {  	v6 =	vmin.f32 v6, v14;
	v14 =	vand.u32 $0x7F, v23;
	v12 =	vld.idx.msk [tilespmem:v2+s14+$0x0], $0xffff;
	v9 =	vand.u32 $0x7F, v17  }
0x193: {  	v14 =	vor.u32 v2, v14;
	v17 =	vor.u32 v2, v9;
	v9 =	vmax.f32 v26, v11;
	v26 =	vld.idx.msk [tilespmem:v25+s14+$0x0], $0xffff  }
0x194: {  	s31 =	simm.s32 $0x4;
	v7 =	vadd.f32 v8, v7;
	v23 =	vld.idx.msk [tilespmem:v18+s14+$0x0], $0xffff  }
0x195: {  	v8 =	vadd.f32 v19, v10;
	v19 =	vadd.s32 s31, v0;
	v11 =	vmul.f32 $7.812500000e-03, v16;
	v18 =	vld.idx.msk [tilespmem:v18+s15+$0x0], $0xffff  }
0x196: {  	v15 =	vmax.f32 v15, v13;
	v10 =	vmul.f32 $7.812500000e-03, v24;
	v16 =	vand.u32 $0x7F, v19;
	v24 =	vld.idx.msk [tilespmem:v21+s14+$0x0], $0xffff  }
0x197: {  	v13 =	vadd.f32 v7, v8;
	v8 =	vsub.f32 v22, v11;
	v22 =	vadd.s32 s28, v0;
	v19 =	vld.idx.msk [tilespmem:v21+s15+$0x0], $0xffff  }
0x198: {  	v7 =	vsub.f32 v12, v10;
	v21 =	vor.u32 v2, v16;
	v12 =	vmax.f32 v20, v15;
	v20 =	vld.idx.msk [tilespmem:v14+s14+$0x0], $0xffff  }
0x199: {  	v16 =	vadd.s32 s31, v1;
	v15 =	vand.u32 $0x7F, v22;
	v14 =	vld.idx.msk [tilespmem:v14+s15+$0x0], $0xffff;
	v49 =	vmul.f32 v26, v8  }
0x19a: {  	v16 =	vand.u32 $0x7F, v16;
	v27 =	vld.idx.msk [tilespmem:v17+s14+$0x0], $0xffff;
	v28 =	vmul.f32 v23, v7;
	v23 =	vmul.f32 v23, v8  }
0x19b: {  	v15 =	vor.u32 v2, v15;
	v29 =	vld.idx.msk [tilespmem:v17+s15+$0x0], $0xffff;
	v62 =	vmul.f32 v18, v8;
	v63 =	vmul.f32 v18, v7  }
0x19c: {  	v22 =	vor.u32 v2, v16;
	v18 =	vld.idx.msk [tilespmem:v25+s15+$0x0], $0xffff;
	v25 =	vmul.f32 v24, v7;
	v48 =	vmul.f32 v19, v8  }
0x19d: {  	v17 =	vimm.f32 $-3.000000010e+38;
	v33 =	vld.idx.msk [tilespmem:v21+s14+$0x0], $0xffff;
	v24 =	vmul.f32 v24, v8;
	v19 =	vmul.f32 v19, v7  }
0x19e: {  	v16 =	vimm.f32 $3.000000010e+38;
	v21 =	vld.idx.msk [tilespmem:v21+s15+$0x0], $0xffff;
	v39 =	vmul.f32 v14, v8;
	v14 =	vmul.f32 v14, v7  }
0x19f: {  	v28 =	vadd.f32 v62, v28;
	v23 =	vsub.f32 v23, v63;
	v34 =	vmul.f32 v27, v7  }
0x1a0: {  	v36 =	vld.idx.msk [tilespmem:v15+s14+$0x0], $0xffff;
	v25 =	vadd.f32 v48, v25;
	v27 =	vmul.f32 v27, v8;
	v35 =	vmul.f32 v29, v8  }
0x1a1: {  	v38 =	vld.idx.msk [tilespmem:v15+s15+$0x0], $0xffff;
	v19 =	vsub.f32 v24, v19;
	v24 =	vmul.f32 v20, v8;
	v15 =	vmul.f32 v29, v7  }
0x1a2: {  	v20 =	vmul.f32 v20, v7;
	v37 =	vmul.f32 v18, v7;
	v29 =	vadd.f32 v35, v34  }
0x1a3: {  	v50 =	vld.idx.msk [tilespmem:v22+s14+$0x0], $0xffff;
	v34 =	vmul.f32 v18, v8;
	v14 =	vsub.f32 v24, v14;
	v35 =	vmul.f32 v21, v8  }
0x1a4: {  	v51 =	vld.idx.msk [tilespmem:v22+s15+$0x0], $0xffff;
	v15 =	vsub.f32 v27, v15;
	v40 =	vmul.f32 v33, v8;
	v21 =	vmul.f32 v21, v7  }
0x1a5: {  	v30 =	vsub.f32 v49, v37;
	v18 =	vmin.f32 v29, v28;
	v22 =	vmax.f32 v29, v28  }
0x1a6: {  	v28 =	vadd.f32 v39, v20;
	v20 =	vmul.f32 v36, v8;
	v29 =	vmul.f32 v38, v7  }
0x1a7: {  	v52 =	vmax.f32 v14, v19;
	v14 =	vmin.f32 v14, v19;
	v19 =	vmul.f32 v36, v7  }
0x1a8: {  	v46 =	vmax.f32 v15, v23;
	v23 =	vmin.f32 v15, v23;
	v41 =	vmul.f32 v50, v7  }
0x1a9: {  	v24 =	vmul.f32 v50, v8;
	v53 =	vmin.f32 v17, v52;
	v54 =	vmul.f32 v51, v8  }
0x1aa: {  	v37 =	vmul.f32 v51, v7;
	v42 =	vmax.f32 v17, v14;
	v43 =	vmax.f32 v16, v52  }
0x1ab: {  	v21 =	vsub.f32 v40, v21;
	v55 =	vmin.f32 v17, v14;
	v56 =	vmin.f32 v16, v14  }
0x1ac: {  	v14 =	vmax.f32 v16, v14;
	v44 =	vmax.f32 v17, v52;
	v32 =	vmin.f32 v16, v52  }
0x1ad: {  	v20 =	vsub.f32 v20, v29;
	v29 =	vmax.f32 v53, v42;
	v36 =	vmin.f32 v53, v42  }
0x1ae: {  	v27 =	vmin.f32 v14, v32;
	v59 =	vmin.f32 v43, v16;
	v14 =	vmax.f32 v14, v32  }
0x1af: {  	v40 =	vmax.f32 v55, v17;
	v24 =	vsub.f32 v24, v37;
	v31 =	vmin.f32 v14, v59  }
0x1b0: {  	v36 =	vmax.f32 v36, v40;
	v57 =	vmax.f32 v20, v30;
	v20 =	vmin.f32 v20, v30  }
0x1b1: {  	v58 =	vmin.f32 v21, v24;
	v45 =	vmin.f32 v44, v57;
	v21 =	vmax.f32 v21, v24  }
0x1b2: {  	v24 =	vmin.f32 v29, v20;
	v60 =	vmin.f32 v56, v20;
	v37 =	vmax.f32 v56, v20  }
0x1b3: {  	v15 =	vmax.f32 v44, v57;
	v14 =	vmin.f32 v27, v57;
	v27 =	vmax.f32 v27, v57  }
0x1b4: {  	v29 =	vmax.f32 v29, v20;
	v61 =	vmax.f32 v60, v58;
	v43 =	vmin.f32 v60, v58  }
0x1b5: {  	v62 =	vmin.f32 v37, v14;
	v47 =	vmax.f32 v15, v21;
	v15 =	vmin.f32 v15, v21  }
0x1b6: {  	v24 =	vmax.f32 v24, v36;
	v42 =	vmax.f32 v43, v23;
	v48 =	vmin.f32 v62, v21  }
0x1b7: {  	v44 =	vmax.f32 v62, v21;
	v63 =	vmin.f32 v47, v46;
	v21 =	vmax.f32 v45, v29  }
0x1b8: {  	v29 =	vmin.f32 v45, v29;
	v49 =	vmin.f32 v61, v48;
	v32 =	vmax.f32 v61, v48  }
0x1b9: {  	v24 =	vmax.f32 v29, v24;
	v29 =	vmax.f32 v21, v58;
	v21 =	vmin.f32 v21, v58  }
0x1ba: {  	v50 =	vmin.f32 v49, v46;
	v49 =	vmax.f32 v49, v46;
	v36 =	vmax.f32 v15, v29  }
0x1bb: {  	v15 =	vmin.f32 v15, v29;
	v21 =	vmax.f32 v21, v24;
	v29 =	vmul.f32 v33, v7  }
0x1bc: {  	v15 =	vmax.f32 v15, v21;
	v21 =	vmax.f32 v36, v23;
	v24 =	vmin.f32 v36, v23  }
0x1bd: {  	v20 =	vmax.f32 v42, v50;
	v40 =	vmin.f32 v63, v21;
	v15 =	vmax.f32 v24, v15  }
0x1be: {  	v24 =	vmul.f32 v26, v7;
	v26 =	vmax.f32 v37, v14;
	v14 =	vmax.f32 v40, v15  }
0x1bf: {  	v15 =	vmin.f32 v27, v31;
	v27 =	vadd.f32 v35, v29;
	v29 =	vadd.f32 v54, v41  }
0x1c0: {  	v41 =	vmul.f32 v38, v8;
	v24 =	vadd.f32 v34, v24;
	v26 =	vmin.f32 v26, v15  }
0x1c1: {  	v15 =	vmax.f32 v63, v21;
	v21 =	vmax.f32 v28, v25;
	v25 =	vmin.f32 v28, v25  }
0x1c2: {  	v45 =	vmax.f32 v27, v29;
	v28 =	vmax.f32 v17, v21;
	v27 =	vmin.f32 v27, v29  }
0x1c3: {  	v29 =	vmin.f32 v17, v25;
	v19 =	vadd.f32 v41, v19;
	v26 =	vmin.f32 v44, v26  }
0x1c4: {  	v48 =	vmax.f32 v17, v25;
	v51 =	vmin.f32 v16, v21;
	v52 =	vmax.f32 v16, v25  }
0x1c5: {  	v25 =	vmin.f32 v16, v25;
	v29 =	vmax.f32 v29, v17;
	v17 =	vmin.f32 v17, v21  }
0x1c6: {  	v21 =	vmax.f32 v16, v21;
	v53 =	vmax.f32 v52, v51;
	v54 =	vmax.f32 v19, v24  }
0x1c7: {  	v19 =	vmin.f32 v19, v24;
	v24 =	vmax.f32 v17, v48;
	v17 =	vmin.f32 v17, v48  }
0x1c8: {  	v33 =	vmin.f32 v52, v51;
	v16 =	vmin.f32 v21, v16;
	v17 =	vmax.f32 v17, v29  }
0x1c9: {  	v29 =	vmax.f32 v28, v54;
	v28 =	vmin.f32 v28, v54;
	v55 =	vmax.f32 v24, v19  }
0x1ca: {  	v56 =	vmin.f32 v25, v19;
	v24 =	vmin.f32 v24, v19;
	v16 =	vmin.f32 v53, v16  }
0x1cb: {  	v19 =	vmax.f32 v25, v19;
	v25 =	vmin.f32 v33, v54;
	v57 =	vmax.f32 v29, v45  }
0x1cc: {  	v58 =	vmin.f32 v56, v27;
	v60 =	vmax.f32 v28, v55;
	v17 =	vmax.f32 v24, v17  }
0x1cd: {  	v24 =	vmin.f32 v28, v55;
	v28 =	vmax.f32 v33, v54;
	v29 =	vmin.f32 v29, v45  }
0x1ce: {  	v33 =	vmin.f32 v19, v25;
	v19 =	vmax.f32 v19, v25;
	v59 =	vmin.f32 v57, v22  }
0x1cf: {  	v21 =	vmax.f32 v60, v27;
	v61 =	vmin.f32 v60, v27;
	v63 =	vmax.f32 v58, v18  }
0x1d0: {  	v16 =	vmin.f32 v28, v16;
	v27 =	vmax.f32 v56, v27;
	v25 =	vmax.f32 v33, v45  }
0x1d1: {  	v17 =	vmax.f32 v24, v17;
	v62 =	vmax.f32 v29, v21;
	v16 =	vmin.f32 v19, v16  }
0x1d2: {  	v19 =	vmin.f32 v33, v45;
	v21 =	vmin.f32 v29, v21;
	v17 =	vmax.f32 v61, v17  }
0x1d3: {  	v28 =	vmin.f32 v62, v18;
	v34 =	vmax.f32 v62, v18;
	v24 =	vmin.f32 v27, v19  }
0x1d4: {  	v16 =	vmin.f32 v25, v16;
	v19 =	vmax.f32 v27, v19;
	v21 =	vmax.f32 v21, v17  }
0x1d5: {  	v18 =	vmin.f32 v58, v18;
	v27 =	vmin.f32 v42, v50;
	v25 =	vmin.f32 v24, v22  }
0x1d6: {  	v16 =	vmin.f32 v19, v16;
	v19 =	vmax.f32 v24, v22;
	v22 =	vmax.f32 v57, v22  }
0x1d7: {  	v24 =	vmax.f32 v63, v25;
	v17 =	vmin.f32 v63, v25;
	v16 =	vmin.f32 v19, v16  }
0x1d8: {  	v19 =	vmin.f32 v59, v34;
	v25 =	vmax.f32 v28, v21;
	v21 =	vmax.f32 v59, v34  }
0x1d9: {  	v16 =	vmin.f32 v24, v16;
	v19 =	vmax.f32 v19, v25;
	v24 =	vmin.f32 v32, v26  }
0x1da: {  	s26 =	simm.s32 $0xE;
	s25 =	simm.s32 $0x0;
	v25 =	vmax.f32 v47, v46;
	v26 =	vmin.f32 v43, v23;
	v23 =	vmin.f32 v49, v24  }
.LBB2_9:
0x1db: {  	s28 =	sadd.s32 $0xFFFFFFFA, s26;
	s29 =	sadd.s32 $0xFFFFFFFC, s26;
	s30 =	sadd.s32 $0xFFFFFFFE, s26;
	v24 =	vadd.s32 s26, v0;
	v28 =	vadd.s32 s26, v1;
	v20 =	vmin.f32 v20, v23  }
0x1dc: {  	s25 =	sadd.s32 $0x4, s25;
	v23 =	vadd.s32 s28, v0;
	v29 =	vadd.s32 s28, v1;
	v28 =	vand.u32 $0x7F, v28  }
0x1dd: {  	p0 =	slt.u32 s25, $0x3C;
	v23 =	vand.u32 $0x7F, v23;
	v29 =	vand.u32 $0x7F, v29;
	v28 =	vor.u32 v2, v28  }
0x1de: {  	v30 =	vadd.s32 s30, v1;
	v23 =	vor.u32 v2, v23;
	v29 =	vor.u32 v2, v29  }
0x1df: {  	v31 =	vadd.s32 s29, v0;
	v32 =	vadd.s32 s29, v1;
	v33 =	vadd.s32 s30, v0  }
0x1e0: {  	v31 =	vand.u32 $0x7F, v31;
	v32 =	vand.u32 $0x7F, v32;
	v30 =	vand.u32 $0x7F, v30  }
0x1e1: {  	v24 =	vand.u32 $0x7F, v24;
	v33 =	vand.u32 $0x7F, v33;
	v32 =	vor.u32 v2, v32  }
0x1e2: {  	v24 =	vor.u32 v2, v24;
	v31 =	vor.u32 v2, v31;
	v33 =	vor.u32 v2, v33;
	v34 =	vld.idx.msk [tilespmem:v28+s14+$0x0], $0xffff  }
0x1e3: {  	v35 =	vld.idx.msk [tilespmem:v28+s15+$0x0], $0xffff  }
0x1e4: {  	v36 =	vld.idx.msk [tilespmem:v29+s14+$0x0], $0xffff  }
0x1e5: {  	v37 =	vor.u32 v2, v30;
	v29 =	vld.idx.msk [tilespmem:v29+s15+$0x0], $0xffff  }
0x1e6: {  	v28 =	vld.idx.msk [tilespmem:v32+s14+$0x0], $0xffff  }
0x1e7: {  	v38 =	vld.idx.msk [tilespmem:v24+s14+$0x0], $0xffff  }
0x1e8: {  	v30 =	vmul.f32 v34, v7;
	v34 =	vmul.f32 v34, v8;
	v39 =	vld.idx.msk [tilespmem:v23+s14+$0x0], $0xffff  }
0x1e9: {  	v40 =	vmul.f32 v35, v8;
	v41 =	vmul.f32 v35, v7;
	v24 =	vld.idx.msk [tilespmem:v24+s15+$0x0], $0xffff  }
0x1ea: {  	v32 =	vld.idx.msk [tilespmem:v32+s15+$0x0], $0xffff  }
0x1eb: {  	v42 =	vmul.f32 v36, v7;
	v43 =	vmul.f32 v29, v8;
	v40 =	vadd.f32 v40, v30;
	v35 =	vld.idx.msk [tilespmem:v33+s14+$0x0], $0xffff  }
0x1ec: {  	v36 =	vmul.f32 v36, v8;
	v29 =	vmul.f32 v29, v7;
	v33 =	vld.idx.msk [tilespmem:v33+s15+$0x0], $0xffff  }
0x1ed: {  	v30 =	vadd.f32 v43, v42;
	v42 =	vmul.f32 v28, v8;
	v23 =	vld.idx.msk [tilespmem:v23+s15+$0x0], $0xffff  }
0x1ee: {  	v29 =	vsub.f32 v36, v29;
	v44 =	vmul.f32 v38, v7;
	v38 =	vmul.f32 v38, v8;
	v43 =	vld.idx.msk [tilespmem:v37+s14+$0x0], $0xffff  }
0x1ef: {  	v45 =	vmul.f32 v39, v8;
	v47 =	vmul.f32 v24, v8;
	v46 =	vld.idx.msk [tilespmem:v31+s14+$0x0], $0xffff  }
0x1f0: {  	v48 =	vmul.f32 v24, v7;
	v36 =	vld.idx.msk [tilespmem:v31+s15+$0x0], $0xffff;
	v31 =	vmul.f32 v32, v7  }
0x1f1: {  	v39 =	vmul.f32 v39, v7;
	v49 =	vmul.f32 v32, v8;
	v24 =	vadd.f32 v47, v44  }
0x1f2: {  	v31 =	vsub.f32 v42, v31;
	v32 =	vld.idx.msk [tilespmem:v37+s15+$0x0], $0xffff;
	v37 =	vmul.f32 v33, v8  }
0x1f3: {  	v42 =	vmul.f32 v23, v8;
	v44 =	vmul.f32 v23, v7;
	v23 =	vmin.f32 v24, v40  }
0x1f4: {  	v47 =	vmul.f32 v35, v8;
	v24 =	vmax.f32 v24, v40;
	v50 =	vmul.f32 v43, v7  }
0x1f5: {  	v33 =	vmul.f32 v33, v7;
	v43 =	vmul.f32 v43, v8;
	v40 =	vsub.f32 v45, v44  }
0x1f6: {  	v39 =	vadd.f32 v42, v39;
	v42 =	vmul.f32 v46, v8;
	v44 =	vmul.f32 v36, v7  }
0x1f7: {  	v45 =	vmax.f32 v40, v29;
	v29 =	vmin.f32 v40, v29;
	v40 =	vmul.f32 v46, v7  }
0x1f8: {  	v46 =	vmin.f32 v25, v45;
	v51 =	vmul.f32 v32, v8;
	v32 =	vmul.f32 v32, v7  }
0x1f9: {  	v33 =	vsub.f32 v47, v33;
	v52 =	vmax.f32 v15, v29;
	v53 =	vmax.f32 v27, v45  }
0x1fa: {  	v15 =	vmin.f32 v15, v29;
	v42 =	vsub.f32 v42, v44;
	v32 =	vsub.f32 v43, v32  }
0x1fb: {  	v44 =	vmin.f32 v46, v52;
	v43 =	vmax.f32 v46, v52;
	v46 =	vmin.f32 v26, v29  }
0x1fc: {  	v14 =	vmax.f32 v15, v14;
	v15 =	vmax.f32 v26, v29;
	v47 =	vmax.f32 v42, v31  }
0x1fd: {  	v29 =	vmax.f32 v25, v45;
	v42 =	vmin.f32 v42, v31;
	v52 =	vmin.f32 v33, v32  }
0x1fe: {  	v27 =	vmin.f32 v27, v45;
	v45 =	vmin.f32 v29, v47;
	v54 =	vmax.f32 v33, v32  }
0x1ff: {  	v26 =	vsub.f32 v38, v48;
	v31 =	vsub.f32 v34, v41;
	v55 =	vmin.f32 v43, v42  }
0x200: {  	v20 =	vmin.f32 v53, v20;
	v32 =	vmin.f32 v15, v27;
	v33 =	vmin.f32 v46, v42  }
0x201: {  	v38 =	vmax.f32 v46, v42;
	v25 =	vmax.f32 v26, v31;
	v26 =	vmin.f32 v26, v31  }
0x202: {  	v41 =	vmax.f32 v29, v47;
	v15 =	vmax.f32 v15, v27;
	v34 =	vmax.f32 v33, v52  }
0x203: {  	v15 =	vmin.f32 v15, v20;
	v46 =	vmin.f32 v32, v47;
	v29 =	vmin.f32 v33, v52  }
0x204: {  	v47 =	vmax.f32 v32, v47;
	v20 =	vmin.f32 v38, v46;
	v27 =	vmax.f32 v29, v26  }
0x205: {  	v31 =	vmax.f32 v41, v54;
	v32 =	vmin.f32 v20, v54;
	v48 =	vmax.f32 v20, v54  }
0x206: {  	v53 =	vmin.f32 v31, v25;
	v20 =	vmin.f32 v34, v32;
	v33 =	vmax.f32 v34, v32  }
0x207: {  	v42 =	vmax.f32 v43, v42;
	v34 =	vmin.f32 v20, v25;
	v32 =	vmax.f32 v20, v25  }
0x208: {  	v14 =	vmax.f32 v44, v14;
	v41 =	vmin.f32 v41, v54;
	v20 =	vmax.f32 v27, v34  }
0x209: {  	v14 =	vmax.f32 v55, v14;
	v43 =	vmax.f32 v45, v42;
	v42 =	vmin.f32 v45, v42  }
0x20a: {  	v14 =	vmax.f32 v42, v14;
	v42 =	vmax.f32 v43, v52;
	v43 =	vmin.f32 v43, v52  }
0x20b: {  	v44 =	vmax.f32 v41, v42;
	v41 =	vmin.f32 v41, v42;
	v14 =	vmax.f32 v43, v14  }
0x20c: {  	v14 =	vmax.f32 v41, v14;
	v41 =	vmax.f32 v44, v26;
	v42 =	vmin.f32 v44, v26  }
0x20d: {  	v35 =	vmul.f32 v35, v7;
	v43 =	vmin.f32 v53, v41;
	v14 =	vmax.f32 v42, v14  }
0x20e: {  	v28 =	vmul.f32 v28, v7;
	v38 =	vmax.f32 v38, v46;
	v14 =	vmax.f32 v43, v14  }
0x20f: {  	v35 =	vadd.f32 v37, v35;
	v37 =	vadd.f32 v51, v50;
	v15 =	vmin.f32 v47, v15  }
0x210: {  	v28 =	vadd.f32 v49, v28;
	v38 =	vmin.f32 v38, v15;
	v15 =	vmax.f32 v53, v41  }
0x211: {  	v36 =	vmul.f32 v36, v8;
	v41 =	vmax.f32 v39, v30;
	v42 =	vmax.f32 v35, v37  }
0x212: {  	v30 =	vmin.f32 v39, v30;
	v35 =	vmin.f32 v35, v37;
	v39 =	vmax.f32 v22, v41  }
0x213: {  	v36 =	vadd.f32 v36, v40;
	v38 =	vmin.f32 v48, v38;
	v37 =	vmin.f32 v21, v30  }
0x214: {  	v21 =	vmax.f32 v21, v30;
	v19 =	vmax.f32 v37, v19;
	v37 =	vmin.f32 v17, v41  }
0x215: {  	v22 =	vmin.f32 v22, v41;
	v40 =	vmax.f32 v18, v30;
	v17 =	vmax.f32 v17, v41  }
0x216: {  	v43 =	vmax.f32 v36, v28;
	v28 =	vmin.f32 v36, v28;
	v41 =	vmax.f32 v40, v37  }
0x217: {  	v18 =	vmin.f32 v18, v30;
	v36 =	vmax.f32 v22, v21;
	v21 =	vmin.f32 v22, v21  }
0x218: {  	v22 =	vmin.f32 v39, v43;
	v19 =	vmax.f32 v21, v19;
	v21 =	vmax.f32 v39, v43  }
0x219: {  	v30 =	vmax.f32 v36, v28;
	v39 =	vmin.f32 v18, v28;
	v44 =	vmax.f32 v21, v42  }
0x21a: {  	v36 =	vmin.f32 v36, v28;
	v45 =	vmin.f32 v39, v35;
	v46 =	vmin.f32 v44, v24  }
0x21b: {  	v37 =	vmin.f32 v40, v37;
	v40 =	vmax.f32 v22, v30;
	v19 =	vmax.f32 v36, v19  }
0x21c: {  	v22 =	vmin.f32 v22, v30;
	v30 =	vmax.f32 v37, v43;
	v21 =	vmin.f32 v21, v42  }
0x21d: {  	v16 =	vmin.f32 v17, v16;
	v17 =	vmax.f32 v40, v35;
	v36 =	vmin.f32 v40, v35  }
0x21e: {  	v18 =	vmax.f32 v18, v28;
	v16 =	vmin.f32 v41, v16;
	v28 =	vmin.f32 v37, v43  }
0x21f: {  	v37 =	vmin.f32 v18, v28;
	v41 =	vmax.f32 v45, v23;
	v40 =	vmax.f32 v21, v17  }
0x220: {  	v16 =	vmin.f32 v30, v16;
	v30 =	vmax.f32 v39, v35;
	v35 =	vmin.f32 v40, v23  }
0x221: {  	v18 =	vmax.f32 v18, v28;
	v28 =	vmax.f32 v37, v42;
	v39 =	vmax.f32 v40, v23  }
0x222: {  	v19 =	vmax.f32 v22, v19;
	v16 =	vmin.f32 v18, v16;
	v18 =	vmin.f32 v37, v42  }
0x223: {  	v17 =	vmin.f32 v21, v17;
	v21 =	vmin.f32 v30, v18;
	v16 =	vmin.f32 v28, v16  }
0x224: {  	v19 =	vmax.f32 v36, v19;
	v18 =	vmax.f32 v30, v18;
	v22 =	vmin.f32 v21, v24  }
0x225: {  	v16 =	vmin.f32 v18, v16;
	v18 =	vmax.f32 v21, v24;
	v21 =	vmax.f32 v41, v22  }
.Ltmp3:
0x226: {  	v19 =	vmax.f32 v17, v19;
	v17 =	vmin.f32 v41, v22;
	v16 =	vmin.f32 v18, v16;
	(pc) =	sbr.rel @p0 .LBB2_9-.Ltmp3, $4  }
0x227: {  	v19 =	vmax.f32 v35, v19;
	v18 =	vmin.f32 v46, v39;
	v16 =	vmin.f32 v21, v16  }
0x228: {  	v21 =	vmax.f32 v46, v39;
	v19 =	vmax.f32 v18, v19;
	v18 =	vmin.f32 v45, v23  }
0x229: {  	v27 =	vmin.f32 v27, v34;
	v22 =	vmax.f32 v44, v24;
	v23 =	vmin.f32 v33, v38  }
0x22a: {  	s26 =	sadd.s32 $0x8, s26;
	v26 =	vmin.f32 v29, v26;
	v25 =	vmax.f32 v31, v25;
	v23 =	vmin.f32 v32, v23  }
0x22b: {  	v18 =	vsub.f32 v22, v18  }
0x22c: {  	v17 =	vsub.f32 v21, v17;
	v16 =	vsub.f32 v19, v16  }
0x22d: {  	v20 =	vmin.f32 v20, v23;
	v57 =	vsub.f32 v25, v26;
	v15 =	vsub.f32 v15, v27  }
0x22e: {  	v3 =	vsub.f32 v3, v4;
	v58 =	vsub.f32 v9, v5;
	v18 =	vmul.f32 $5.714285970e-01, v18  }
0x22f: {  	v6 =	vsub.f32 v12, v6;
	v17 =	vmul.f32 $2.857142980e-01, v17;
	v16 =	vmul.f32 $1.428571490e-01, v16  }
0x230: {  	[tilespmem:s24+$0x3000] =	vst v10;
	v14 =	vsub.f32 v14, v20;
	v59 =	vmul.f32 $5.714285970e-01, v57;
	v60 =	vmul.f32 $2.857142980e-01, v15  }
0x231: {  	s22 =	sadd.s32 $0x1, s22;
	[tilespmem:s23+$0x3810] =	vst v11;
	v3 =	vmul.f32 $5.714285970e-01, v3;
	v4 =	vmul.f32 $2.857142980e-01, v58;
	v17 =	vadd.f32 v17, v18  }
0x232: {  	v13 =	vmul.f32 $7.812500000e-03, v13;
	[tilespmem:s23+$0x4810] =	vst v7;
	p0 =	sne.s32 s22, $0x40;
	v61 =	vmul.f32 $1.428571490e-01, v14;
	v5 =	vadd.f32 v60, v59  }
.Ltmp4:
0x233: {  	[tilespmem:s23+$0x5010] =	vst v8;
	v63 =	vmul.f32 $1.428571490e-01, v6;
	v3 =	vadd.f32 v4, v3;
	v62 =	vadd.f32 v16, v17;
	(pc) =	sbr.rel @p0 .LBB2_2-.Ltmp4, $4  }
0x234: {  	[tilespmem:s23+$0x4010] =	vst v13;
	v5 =	vadd.f32 v61, v5  }
0x235: {  	v3 =	vadd.f32 v63, v3;
	[tilespmem:s23+$0x5810] =	vst v62  }
0x236: {  	[tilespmem:s23+$0x6010] =	vst v5  }
0x237: {  	[tilespmem:s23+$0x6810] =	vst v3  }
0x238: {  	s21 =	sadd.s32 $0x1, s21  }
0x239: {  	p0 =	sne.s32 s21, s11  }
.Ltmp5:
0x23a: {  	_ = 	snop;
	(pc) =	sbr.rel @p0 .LBB2_1-.Ltmp5, $4  }
0x23b: {  	[hbm4b:s10+s3] =	stream.linear.scatter [tilespmem:s19], [sflag:$0x3], $0x4000, $0x38;
	[tilespmem:$0x7000] =	vst v63  }
0x23c: {  	_ =	swait.ge [sflag:s20], $0x4000  }
0x23d: {  	[sflag:s20] =	ssyncset.done $0x0  }
0x23e: {  	[sflag:s20] =	ssyncadd.s32 $0xFFFFC000  }
0x23f: {  	_ =	sfence.sel $0x180000  }
0x240: {  	[bflag:$0x0] =	sbarrier.arrive $0xFFFF  }
0x241: {  	p0 =	sne.s32 s0, $0x0;
	_ =	strace $0x90000047  }
0x242: {  	s0 =	sadd.s32 @!p0 $0x100000, s1;
	[bflag:$0x2] =	sbarrier.arrive $0xFFFF  }
0x243: {  	[sflag:s0] =	ssyncadd.tile.s32 @!p0 $0x1;
	_ =	shalt  }
.Lfunc_end2:
_tile_overlayer_lowered:
.L_overlay_start_2:
0x244: {  	(tag) =	ssettag $0x2  }
0x245: {  	s0 =	rddreg [dreg:$0x0];
	s2 =	stileid.u32  }
0x246: {  	s1 =	rddreg [dreg:$0x1];
	p0 =	sne.s32 s2, $0x0  }
0x247: {  	s3 =	rddreg [dreg:$0x2];
	[bflag:$0x3] =	sbarrier.arrive $0xFFFF;
	s2 =	simm.s32 @!p0 $0x1C03  }
0x248: {  	[timem:s3], [sflag:s2] =	dma.local @!p0 [hbm:s0], s1  }
0x249: {  	s0 =	simm.s32 @!p0 $0x3  }
0x24a: {  	_ =	swait.ge @!p0 [sflag:s0], s1  }
0x24b: {  	s1 =	ssub.s32 @!p0 $0x0, s1;
	[sflag:s0] =	ssyncset.done @!p0 $0x0  }
0x24c: {  	[sflag:s0] =	ssyncadd.s32 @!p0 s1  }
0x24d: {  	[bflag:$0x3] =	sbarrier.arrive $0xFFFF  }
0x24e: {  	_ =	shalt  }

</sc_bundles>
